<compile_context>
chip_gen: v7x
topology: tpu7x:2x2x1
jax: 0.10.2.dev20260603
libtpu: 0.0.44.dev20260713+nightly
codegen_flags: <defaults>
</compile_context>

<pallas_src>
import jax
import jax.numpy as jnp
from jax import lax
from jax.experimental import pallas as pl
from jax.experimental.pallas import tpu as pltpu
from jax.experimental.pallas import tpu_sc as plsc

_NC = 2
_NS = 16
_NW = _NC * _NS

_G = 128
_KB = 4
_H = 32
_ZC = 1


def _build_seg_sum(n_rows, n_pad, gw, with_counts):
    nb2 = gw // (2 * _KB)
    rmain = -(-n_pad // _NS)
    rtail = n_pad - rmain * (_NS - 1)
    zrow = rmain

    out_type = [jax.ShapeDtypeStruct((_NC, n_pad, _H), jnp.bfloat16)]
    if with_counts:
        out_type.append(jax.ShapeDtypeStruct((_NC, n_pad, 16), jnp.bfloat16))

    scratch = [
        pltpu.VMEM((gw, _G), jnp.int32),
        pltpu.VMEM((gw, _G), jnp.int32),
        pltpu.VMEM((_KB, _G, _H), jnp.bfloat16),
        pltpu.VMEM((_KB, _G, _H), jnp.bfloat16),
        pltpu.VMEM((zrow, _H), jnp.bfloat16),
        pltpu.VMEM_SHARED((n_pad, _H), jnp.bfloat16),
        pltpu.SemaphoreType.DMA,
        pltpu.SemaphoreType.DMA,
        pltpu.SemaphoreType.DMA,
        pltpu.SemaphoreType.DMA,
    ]
    if with_counts:
        scratch += [
            pltpu.VMEM((zrow, 16), jnp.bfloat16),
            pltpu.VMEM((_G, 16), jnp.bfloat16),
            pltpu.VMEM_SHARED((n_pad, 16), jnp.bfloat16),
        ]

    mesh = plsc.VectorSubcoreMesh(core_axis_name="c", subcore_axis_name="s")

    def body(table, src2, dst2, *refs):
        if with_counts:
            (sums_out, cnts_out, src_v, dst_v, rows_a, rows_b, zrows,
             acc, sem_ga, sem_gb, sem_sa, sem_sb, zcnt, ones16, cacc) = refs
        else:
            (sums_out, src_v, dst_v, rows_a, rows_b, zrows,
             acc, sem_ga, sem_gb, sem_sa, sem_sb) = refs
        c = lax.axis_index("c")
        s = lax.axis_index("s")
        w = s * _NC + c

        pltpu.sync_copy(src2.at[pl.ds(w * gw, gw)], src_v)
        pltpu.sync_copy(dst2.at[pl.ds(w * gw, gw)], dst_v)

        def fill(i, carry):
            zrows[pl.ds(i * 2, 2), pl.ds(0, 16)] = jnp.zeros((2, 16),
                                                             jnp.bfloat16)
            zrows[pl.ds(i * 2, 2), pl.ds(16, 16)] = jnp.zeros((2, 16),
                                                              jnp.bfloat16)
            if with_counts:
                zcnt[pl.ds(i * 2, 2), :] = jnp.zeros((2, 16), jnp.bfloat16)

                @pl.when(i < _G // 2)
                def _():
                    ones16[pl.ds(i * 2, 2), :] = jnp.ones((2, 16),
                                                          jnp.bfloat16)
            return carry
        lax.fori_loop(0, zrow // 2, fill, 0)

        def slice_op(fn):
            @pl.when(s < _NS - 1)
            def _():
                fn(s * rmain, rmain)

            @pl.when(s == _NS - 1)
            def _():
                fn((_NS - 1) * rmain, rtail)

        def zero_fn(off, sz):
            pltpu.sync_copy(zrows.at[pl.ds(0, sz)], acc.at[pl.ds(off, sz)])
            if with_counts:
                pltpu.sync_copy(zcnt.at[pl.ds(0, sz)],
                                cacc.at[pl.ds(off, sz)])
        slice_op(zero_fn)
        plsc.subcore_barrier()

        def fire_gather(rows, g0, sem):
            for j in range(_KB):
                pltpu.async_copy(table.at[src_v.at[g0 + j]], rows.at[j], sem)

        def drain_gather(rows, g0, sem):
            for j in range(_KB):
                pltpu.make_async_copy(
                    table.at[src_v.at[g0 + j]], rows.at[j], sem).wait()

        def fire_scatter(rows, g0, sem):
            for j in range(_KB):
                pltpu.async_copy(rows.at[j], acc.at[dst_v.at[g0 + j]], sem,
                                 add=True)
                if with_counts:
                    pltpu.async_copy(ones16, cacc.at[dst_v.at[g0 + j]], sem,
                                     add=True)

        def drain_scatter(rows, g0, sem):
            for j in range(_KB):
                pltpu.make_async_copy(
                    rows.at[j], acc.at[dst_v.at[g0 + j]], sem).wait()
                if with_counts:
                    pltpu.make_async_copy(
                        ones16, cacc.at[dst_v.at[g0 + j]], sem).wait()

        fire_gather(rows_a, 0, sem_ga)
        fire_gather(rows_b, _KB, sem_gb)

        def step(b, carry):
            g0 = 2 * b * _KB
            drain_gather(rows_a, g0, sem_ga)
            fire_scatter(rows_a, g0, sem_sa)
            drain_gather(rows_b, g0 + _KB, sem_gb)
            fire_scatter(rows_b, g0 + _KB, sem_sb)
            drain_scatter(rows_a, g0, sem_sa)

            @pl.when(b < nb2 - 1)
            def _():
                fire_gather(rows_a, g0 + 2 * _KB, sem_ga)
            drain_scatter(rows_b, g0 + _KB, sem_sb)

            @pl.when(b < nb2 - 1)
            def _():
                fire_gather(rows_b, g0 + 3 * _KB, sem_gb)
            return carry
        lax.fori_loop(0, nb2, step, 0)

        plsc.subcore_barrier()

        def write_fn(off, sz):
            pltpu.sync_copy(acc.at[pl.ds(off, sz)],
                            sums_out.at[c, pl.ds(off, sz)])
            if with_counts:
                pltpu.sync_copy(cacc.at[pl.ds(off, sz)],
                                cnts_out.at[c, pl.ds(off, sz)])
        slice_op(write_fn)

    return pl.kernel(
        body, out_type=out_type, mesh=mesh, scratch_types=scratch,
        compiler_params=pltpu.CompilerParams(use_tc_tiling_on_sc=False))


def _pre_body(x_ref, w_ref, b_ref, y_ref, r_ref):
    y = jnp.dot(x_ref[...], w_ref[...], preferred_element_type=jnp.float32)
    y_ref[...] = y[:, :_H].astype(jnp.bfloat16)
    r_ref[...] = y[:, _H:] + b_ref[...]


def _mid_body(s0, s1, c0, c1, r1, w_ref, b_ref, y2_ref, r2_ref):
    cnt = (c0[...][:, 0:1].astype(jnp.float32)
           + c1[...][:, 0:1].astype(jnp.float32))
    inv = 1.0 / jnp.maximum(cnt, 1.0)
    s = s0[...].astype(jnp.float32) + s1[...].astype(jnp.float32)
    h = jnp.maximum(s * inv + r1[...], 0.0)
    y = jnp.dot(h, w_ref[...], preferred_element_type=jnp.float32)
    y2_ref[...] = y[:, :_H].astype(jnp.bfloat16)
    r2_ref[...] = y[:, _H:] + b_ref[...]


def _post_body(s0, s1, c0, c1, r2, out_ref):
    cnt = (c0[...][:, 0:1].astype(jnp.float32)
           + c1[...][:, 0:1].astype(jnp.float32))
    inv = 1.0 / jnp.maximum(cnt, 1.0)
    s = s0[...].astype(jnp.float32) + s1[...].astype(jnp.float32)
    out_ref[...] = s * inv + r2[...]


def kernel(x, edge_index, W1_l, b1, W1_r, W2_l, b2, W2_r):
    n, _ = x.shape
    e = edge_index.shape[1]

    batch_edges = _G * 2 * _KB
    epw = -(-e // (_NW * batch_edges)) * batch_edges
    gw = epw // _G
    e_pad = epw * _NW
    n_pad = -(-(n + 1) // 2) * 2

    src = edge_index[0]
    dst = edge_index[1]
    pad = e_pad - e
    src2 = jnp.concatenate(
        [src, jnp.zeros((pad,), jnp.int32)]).reshape(_NW * gw, _G)
    dst2 = jnp.concatenate(
        [dst, jnp.full((pad,), n, jnp.int32)]).reshape(_NW * gw, _G)

    w1cat = jnp.concatenate([W1_l.T, W1_r.T], axis=1)
    w2cat = jnp.concatenate([W2_l.T, W2_r.T], axis=1)
    b1r = b1.reshape(1, _H)
    b2r = b2.reshape(1, _H)

    f32 = jnp.float32
    nh = jax.ShapeDtypeStruct((n, _H), f32)
    nhb = jax.ShapeDtypeStruct((n, _H), jnp.bfloat16)

    y1, r1 = pl.pallas_call(_pre_body, out_shape=[nhb, nh])(x, w1cat, b1r)

    sums1, cnts = _build_seg_sum(n, n_pad, gw, True)(y1, src2, dst2)
    c0 = cnts[0, :n]
    c1 = cnts[1, :n]

    y2, r2 = pl.pallas_call(_mid_body, out_shape=[nhb, nh])(
        sums1[0, :n], sums1[1, :n], c0, c1, r1, w2cat, b2r)

    sums2 = _build_seg_sum(n, n_pad, gw, False)(y2, src2, dst2)
    if isinstance(sums2, (list, tuple)):
        sums2 = sums2[0]

    out = pl.pallas_call(_post_body, out_shape=nh)(
        sums2[0, :n], sums2[1, :n], c0, c1, r2)
    return out

# --- scband reference (transcript-rebuilt; emitter-appended) ---
"""Pipeline reference for scband-gnnencoder-25323127177280 (READ-ONLY COPY).

The authoritative reference and input builder live on the scoring server;
editing this copy changes nothing except your own understanding.
"""

import jax, jax.numpy as jnp
import numpy as np

N, E, D_IN, H = 10000, 320000, 128, 32


def setup_inputs(seed: int = 0) -> dict:
    key = jax.random.key(seed)
    ks = jax.random.split(key, 8)
    x = jax.random.normal(ks[0], (N, D_IN), dtype=jnp.float32)
    edge_index = jax.random.randint(ks[1], (2, E), 0, N, dtype=jnp.int32)
    s1 = 1.0 / np.sqrt(D_IN)
    s2 = 1.0 / np.sqrt(H)
    # SAGEConv params: lin_l (neighbor aggregation, with bias), lin_r (root, no bias)
    W1_l = jax.random.uniform(ks[2], (H, D_IN), jnp.float32, -s1, s1)
    b1 = jnp.zeros((H,), jnp.float32)
    W1_r = jax.random.uniform(ks[3], (H, D_IN), jnp.float32, -s1, s1)
    W2_l = jax.random.uniform(ks[4], (H, H), jnp.float32, -s2, s2)
    b2 = jnp.zeros((H,), jnp.float32)
    W2_r = jax.random.uniform(ks[5], (H, H), jnp.float32, -s2, s2)
    return {"x": x, "edge_index": edge_index, "W1_l": W1_l, "b1": b1, "W1_r": W1_r,
            "W2_l": W2_l, "b2": b2, "W2_r": W2_r}


def _sage_conv(x, src, dst, Wl, bl, Wr):
    # message passing: mean-aggregate source features onto destination nodes
    msgs = jnp.take(x, src, axis=0)                      # gather [E, d]
    summed = jax.ops.segment_sum(msgs, dst, num_segments=x.shape[0])  # scatter-add
    cnt = jax.ops.segment_sum(jnp.ones((src.shape[0],), x.dtype), dst, num_segments=x.shape[0])
    agg = summed / jnp.clip(cnt, 1.0, None)[:, None]     # mean aggregation (PyG semantics)
    return agg @ Wl.T + bl + x @ Wr.T                    # lin_l(aggr) + lin_r(x)


def reference(x, edge_index, W1_l, b1, W1_r, W2_l, b2, W2_r):
    src = edge_index[0]
    dst = edge_index[1]
    h = jax.nn.relu(_sage_conv(x, src, dst, W1_l, b1, W1_r))
    out = _sage_conv(h, src, dst, W2_l, b2, W2_r)
    return out

if __name__ == "__main__":
    import jax
    _d = setup_inputs()
    print(jax.jit(kernel)(*tuple(_d.values())))

</pallas_src>

<mosaic_0001>
#map = affine_map<(d0, d1) -> (0, 0)>
#map1 = affine_map<(d0, d1) -> (0, 0, 0)>
module attributes {stable_mosaic.version = 14 : i64} {
  func.func @body(%arg0: i32, %arg1: i32, %arg2: memref<10000x32xbf16, #tpu.memory_space<hbm>>, %arg3: memref<2560x128xi32, #tpu.memory_space<hbm>>, %arg4: memref<2560x128xi32, #tpu.memory_space<hbm>>, %arg5: memref<2x10002x32xbf16, #tpu.memory_space<hbm>>, %arg6: memref<2x10002x16xbf16, #tpu.memory_space<hbm>>, %arg7: memref<80x128xi32, #tpu.memory_space<vmem>>, %arg8: memref<80x128xi32, #tpu.memory_space<vmem>>, %arg9: memref<4x128x32xbf16, #tpu.memory_space<vmem>>, %arg10: memref<4x128x32xbf16, #tpu.memory_space<vmem>>, %arg11: memref<626x32xbf16, #tpu.memory_space<vmem>>, %arg12: memref<10002x32xbf16, #tpu.memory_space<vmem_shared>>, %arg13: memref<!tpu.dma_semaphore, #tpu.memory_space<semaphore_mem>>, %arg14: memref<!tpu.dma_semaphore, #tpu.memory_space<semaphore_mem>>, %arg15: memref<!tpu.dma_semaphore, #tpu.memory_space<semaphore_mem>>, %arg16: memref<!tpu.dma_semaphore, #tpu.memory_space<semaphore_mem>>, %arg17: memref<626x16xbf16, #tpu.memory_space<vmem>>, %arg18: memref<128x16xbf16, #tpu.memory_space<vmem>>, %arg19: memref<10002x16xbf16, #tpu.memory_space<vmem_shared>>) attributes {dimension_semantics = [#tpu.dimension_semantics<core_parallel>, #tpu.dimension_semantics<subcore_parallel>], iteration_bounds = array<i64: 2, 16>, scalar_prefetch = 0 : i64, scratch_operands = 13 : i64, tpu.core_type = #tpu.core_type<sc_vector_subcore>, window_params = [{transform_indices = #map}, {transform_indices = #map}, {transform_indices = #map}, {transform_indices = #map1}, {transform_indices = #map1}]} {
    %mul3A = arith.constant 2 : i32
    %mul3A_0 = arith.muli %arg1, %mul3A : i32
    %add3A = arith.addi %mul3A_0, %arg0 : i32
    %mul3A_1 = arith.constant 80 : i32
    %mul3A_2 = arith.muli %add3A, %mul3A_1 : i32
    "tpu.region"() ({
      %run_scoped3A = tpu.sem_alloc : memref<!tpu.dma_semaphore, #tpu.memory_space<semaphore_mem>>
      %dma_start3A_128 = arith.constant 0 : i32
      %dma_start3A_129 = tpu.memref_slice %arg3[%mul3A_2, %dma_start3A_128] : memref<2560x128xi32, #tpu.memory_space<hbm>> -> memref<80x128xi32, #tpu.memory_space<hbm>>
      %dma_start3A_130 = arith.constant 0 : i32
      %dma_start3A_131 = tpu.memref_slice %arg3[%mul3A_2, %dma_start3A_130] : memref<2560x128xi32, #tpu.memory_space<hbm>> -> memref<80x128xi32, #tpu.memory_space<hbm>>
      tpu.enqueue_dma source(%dma_start3A_131 : memref<80x128xi32, #tpu.memory_space<hbm>>) target(%arg7 : memref<80x128xi32, #tpu.memory_space<vmem>>) target_semaphore(%run_scoped3A : memref<!tpu.dma_semaphore, #tpu.memory_space<semaphore_mem>>)
      %dma_wait3A = arith.constant 0 : i32
      %dma_wait3A_132 = tpu.memref_slice %arg3[%mul3A_2, %dma_wait3A] : memref<2560x128xi32, #tpu.memory_space<hbm>> -> memref<80x128xi32, #tpu.memory_space<hbm>>
      %dma_wait3A_133 = arith.constant 0 : i32
      %dma_wait3A_134 = tpu.memref_slice %arg3[%mul3A_2, %dma_wait3A_133] : memref<2560x128xi32, #tpu.memory_space<hbm>> -> memref<80x128xi32, #tpu.memory_space<hbm>>
      tpu.wait_dma2 semaphore(%run_scoped3A : memref<!tpu.dma_semaphore, #tpu.memory_space<semaphore_mem>>) src(%dma_wait3A_134 : memref<80x128xi32, #tpu.memory_space<hbm>>) dst(%arg7 : memref<80x128xi32, #tpu.memory_space<vmem>>)
      tpu.yield
    }) : () -> ()
    %mul3A_3 = arith.constant 80 : i32
    %mul3A_4 = arith.muli %add3A, %mul3A_3 : i32
    "tpu.region"() ({
      %run_scoped3A = tpu.sem_alloc : memref<!tpu.dma_semaphore, #tpu.memory_space<semaphore_mem>>
      %dma_start3A_128 = arith.constant 0 : i32
      %dma_start3A_129 = tpu.memref_slice %arg4[%mul3A_4, %dma_start3A_128] : memref<2560x128xi32, #tpu.memory_space<hbm>> -> memref<80x128xi32, #tpu.memory_space<hbm>>
      %dma_start3A_130 = arith.constant 0 : i32
      %dma_start3A_131 = tpu.memref_slice %arg4[%mul3A_4, %dma_start3A_130] : memref<2560x128xi32, #tpu.memory_space<hbm>> -> memref<80x128xi32, #tpu.memory_space<hbm>>
      tpu.enqueue_dma source(%dma_start3A_131 : memref<80x128xi32, #tpu.memory_space<hbm>>) target(%arg8 : memref<80x128xi32, #tpu.memory_space<vmem>>) target_semaphore(%run_scoped3A : memref<!tpu.dma_semaphore, #tpu.memory_space<semaphore_mem>>)
      %dma_wait3A = arith.constant 0 : i32
      %dma_wait3A_132 = tpu.memref_slice %arg4[%mul3A_4, %dma_wait3A] : memref<2560x128xi32, #tpu.memory_space<hbm>> -> memref<80x128xi32, #tpu.memory_space<hbm>>
      %dma_wait3A_133 = arith.constant 0 : i32
      %dma_wait3A_134 = tpu.memref_slice %arg4[%mul3A_4, %dma_wait3A_133] : memref<2560x128xi32, #tpu.memory_space<hbm>> -> memref<80x128xi32, #tpu.memory_space<hbm>>
      tpu.wait_dma2 semaphore(%run_scoped3A : memref<!tpu.dma_semaphore, #tpu.memory_space<semaphore_mem>>) src(%dma_wait3A_134 : memref<80x128xi32, #tpu.memory_space<hbm>>) dst(%arg8 : memref<80x128xi32, #tpu.memory_space<vmem>>)
      tpu.yield
    }) : () -> ()
    %scan3A = arith.constant 0 : i32
    %scan3A_5 = arith.constant 0 : i32
    %scan3A_6 = arith.constant 313 : i32
    %scan3A_7 = arith.addi %scan3A_5, %scan3A_6 : i32
    %scan3A_8 = arith.constant 1 : i32
    scf.for %scan3A_128 = %scan3A_5 to %scan3A_7 step %scan3A_8  : i32 {
      %broadcast_in_dim3A = arith.constant 0.000000e+00 : bf16
      %broadcast_in_dim3A_129 = vector.broadcast %broadcast_in_dim3A : bf16 to vector<2x16xbf16>
      %mul3A_130 = arith.constant 2 : i32
      %mul3A_131 = arith.muli %scan3A_128, %mul3A_130 : i32
      %swap3A = arith.index_cast %mul3A_131 : i32 to index
      %swap3A_132 = arith.constant 0 : index
      %swap3A_133 = tpu.vector_load %arg11[%swap3A, %swap3A_132] {strides = array<i32>} : memref<626x32xbf16, #tpu.memory_space<vmem>>, vector<2x16xbf16>,
      %swap3A_134 = vector.shape_cast %swap3A_133 : vector<2x16xbf16> to vector<2x16xbf16>
      %swap3A_135 = vector.shape_cast %broadcast_in_dim3A_129 : vector<2x16xbf16> to vector<2x16xbf16>
      tpu.vector_store %arg11[%swap3A, %swap3A_132], %swap3A_135 {strides = array<i32>} : memref<626x32xbf16, #tpu.memory_space<vmem>>, vector<2x16xbf16>,
      %broadcast_in_dim3A_136 = arith.constant 0.000000e+00 : bf16
      %broadcast_in_dim3A_137 = vector.broadcast %broadcast_in_dim3A_136 : bf16 to vector<2x16xbf16>
      %mul3A_138 = arith.constant 2 : i32
      %mul3A_139 = arith.muli %scan3A_128, %mul3A_138 : i32
      %swap3A_140 = arith.index_cast %mul3A_139 : i32 to index
      %swap3A_141 = arith.constant 16 : index
      %swap3A_142 = tpu.vector_load %arg11[%swap3A_140, %swap3A_141] {strides = array<i32>} : memref<626x32xbf16, #tpu.memory_space<vmem>>, vector<2x16xbf16>,
      %swap3A_143 = vector.shape_cast %swap3A_142 : vector<2x16xbf16> to vector<2x16xbf16>
      %swap3A_144 = vector.shape_cast %broadcast_in_dim3A_137 : vector<2x16xbf16> to vector<2x16xbf16>
      tpu.vector_store %arg11[%swap3A_140, %swap3A_141], %swap3A_144 {strides = array<i32>} : memref<626x32xbf16, #tpu.memory_space<vmem>>, vector<2x16xbf16>,
      %broadcast_in_dim3A_145 = arith.constant 0.000000e+00 : bf16
      %broadcast_in_dim3A_146 = vector.broadcast %broadcast_in_dim3A_145 : bf16 to vector<2x16xbf16>
      %mul3A_147 = arith.constant 2 : i32
      %mul3A_148 = arith.muli %scan3A_128, %mul3A_147 : i32
      %swap3A_149 = arith.index_cast %mul3A_148 : i32 to index
      %swap3A_150 = arith.constant 0 : index
      %swap3A_151 = tpu.vector_load %arg17[%swap3A_149, %swap3A_150] {strides = array<i32>} : memref<626x16xbf16, #tpu.memory_space<vmem>>, vector<2x16xbf16>,
      %swap3A_152 = vector.shape_cast %swap3A_151 : vector<2x16xbf16> to vector<2x16xbf16>
      %swap3A_153 = vector.shape_cast %broadcast_in_dim3A_146 : vector<2x16xbf16> to vector<2x16xbf16>
      tpu.vector_store %arg17[%swap3A_149, %swap3A_150], %swap3A_153 {strides = array<i32>} : memref<626x16xbf16, #tpu.memory_space<vmem>>, vector<2x16xbf16>,
      %lt3A_154 = arith.constant 64 : i32
      %lt3A_155 = arith.cmpi slt, %scan3A_128, %lt3A_154 : i32
      %convert_element_type3A_156 = arith.extui %lt3A_155 : i1 to i32
      %cond3A_157 = arith.constant 0 : i32
      %cond3A_158 = arith.cmpi ne, %convert_element_type3A_156, %cond3A_157 : i32
      scf.if %cond3A_158 {
        %broadcast_in_dim3A_159 = arith.constant 1.000000e+00 : bf16
        %broadcast_in_dim3A_160 = vector.broadcast %broadcast_in_dim3A_159 : bf16 to vector<2x16xbf16>
        %mul3A_161 = arith.constant 2 : i32
        %mul3A_162 = arith.muli %scan3A_128, %mul3A_161 : i32
        %swap3A_163 = arith.index_cast %mul3A_162 : i32 to index
        %swap3A_164 = arith.constant 0 : index
        %swap3A_165 = tpu.vector_load %arg18[%swap3A_163, %swap3A_164] {strides = array<i32>} : memref<128x16xbf16, #tpu.memory_space<vmem>>, vector<2x16xbf16>,
        %swap3A_166 = vector.shape_cast %swap3A_165 : vector<2x16xbf16> to vector<2x16xbf16>
        %swap3A_167 = vector.shape_cast %broadcast_in_dim3A_160 : vector<2x16xbf16> to vector<2x16xbf16>
        tpu.vector_store %arg18[%swap3A_163, %swap3A_164], %swap3A_167 {strides = array<i32>} : memref<128x16xbf16, #tpu.memory_space<vmem>>, vector<2x16xbf16>,
      } else {
      }
    }
    %scan3A_9 = arith.constant 313 : i32
    %lt3A = arith.constant 15 : i32
    %lt3A_10 = arith.cmpi slt, %arg1, %lt3A : i32
    %convert_element_type3A = arith.extui %lt3A_10 : i1 to i32
    %cond3A = arith.constant 0 : i32
    %cond3A_11 = arith.cmpi ne, %convert_element_type3A, %cond3A : i32
    scf.if %cond3A_11 {
      %mul3A_128 = arith.constant 626 : i32
      %mul3A_129 = arith.muli %arg1, %mul3A_128 : i32
      "tpu.region"() ({
        %run_scoped3A = tpu.sem_alloc : memref<!tpu.dma_semaphore, #tpu.memory_space<semaphore_mem>>
        %dma_start3A_130 = arith.constant 0 : i32
        %dma_start3A_131 = arith.constant 0 : i32
        %dma_start3A_132 = tpu.memref_slice %arg11[%dma_start3A_130, %dma_start3A_131] : memref<626x32xbf16, #tpu.memory_space<vmem>> -> memref<626x32xbf16, #tpu.memory_space<vmem>>
        %dma_start3A_133 = arith.constant 0 : i32
        %dma_start3A_134 = tpu.memref_slice %arg12[%mul3A_129, %dma_start3A_133] : memref<10002x32xbf16, #tpu.memory_space<vmem_shared>> -> memref<626x32xbf16, #tpu.memory_space<vmem_shared>>
        %dma_start3A_135 = arith.constant 0 : i32
        %dma_start3A_136 = tpu.memref_slice %arg12[%mul3A_129, %dma_start3A_135] : memref<10002x32xbf16, #tpu.memory_space<vmem_shared>> -> memref<626x32xbf16, #tpu.memory_space<vmem_shared>>
        %dma_start3A_137 = arith.constant 0 : i32
        %dma_start3A_138 = arith.constant 0 : i32
        %dma_start3A_139 = tpu.memref_slice %arg11[%dma_start3A_137, %dma_start3A_138] : memref<626x32xbf16, #tpu.memory_space<vmem>> -> memref<626x32xbf16, #tpu.memory_space<vmem>>
        tpu.enqueue_dma source(%dma_start3A_139 : memref<626x32xbf16, #tpu.memory_space<vmem>>) target(%dma_start3A_136 : memref<626x32xbf16, #tpu.memory_space<vmem_shared>>) target_semaphore(%run_scoped3A : memref<!tpu.dma_semaphore, #tpu.memory_space<semaphore_mem>>)
        %dma_wait3A = arith.constant 0 : i32
        %dma_wait3A_140 = arith.constant 0 : i32
        %dma_wait3A_141 = tpu.memref_slice %arg11[%dma_wait3A, %dma_wait3A_140] : memref<626x32xbf16, #tpu.memory_space<vmem>> -> memref<626x32xbf16, #tpu.memory_space<vmem>>
        %dma_wait3A_142 = arith.constant 0 : i32
        %dma_wait3A_143 = tpu.memref_slice %arg12[%mul3A_129, %dma_wait3A_142] : memref<10002x32xbf16, #tpu.memory_space<vmem_shared>> -> memref<626x32xbf16, #tpu.memory_space<vmem_shared>>
        %dma_wait3A_144 = arith.constant 0 : i32
        %dma_wait3A_145 = tpu.memref_slice %arg12[%mul3A_129, %dma_wait3A_144] : memref<10002x32xbf16, #tpu.memory_space<vmem_shared>> -> memref<626x32xbf16, #tpu.memory_space<vmem_shared>>
        %dma_wait3A_146 = arith.constant 0 : i32
        %dma_wait3A_147 = arith.constant 0 : i32
        %dma_wait3A_148 = tpu.memref_slice %arg11[%dma_wait3A_146, %dma_wait3A_147] : memref<626x32xbf16, #tpu.memory_space<vmem>> -> memref<626x32xbf16, #tpu.memory_space<vmem>>
        tpu.wait_dma2 semaphore(%run_scoped3A : memref<!tpu.dma_semaphore, #tpu.memory_space<semaphore_mem>>) src(%dma_wait3A_148 : memref<626x32xbf16, #tpu.memory_space<vmem>>) dst(%dma_wait3A_145 : memref<626x32xbf16, #tpu.memory_space<vmem_shared>>)
        tpu.yield
      }) : () -> ()
      "tpu.region"() ({
        %run_scoped3A = tpu.sem_alloc : memref<!tpu.dma_semaphore, #tpu.memory_space<semaphore_mem>>
        %dma_start3A_130 = arith.constant 0 : i32
        %dma_start3A_131 = arith.constant 0 : i32
        %dma_start3A_132 = tpu.memref_slice %arg17[%dma_start3A_130, %dma_start3A_131] : memref<626x16xbf16, #tpu.memory_space<vmem>> -> memref<626x16xbf16, #tpu.memory_space<vmem>>
        %dma_start3A_133 = arith.constant 0 : i32
        %dma_start3A_134 = tpu.memref_slice %arg19[%mul3A_129, %dma_start3A_133] : memref<10002x16xbf16, #tpu.memory_space<vmem_shared>> -> memref<626x16xbf16, #tpu.memory_space<vmem_shared>>
        %dma_start3A_135 = arith.constant 0 : i32
        %dma_start3A_136 = tpu.memref_slice %arg19[%mul3A_129, %dma_start3A_135] : memref<10002x16xbf16, #tpu.memory_space<vmem_shared>> -> memref<626x16xbf16, #tpu.memory_space<vmem_shared>>
        %dma_start3A_137 = arith.constant 0 : i32
        %dma_start3A_138 = arith.constant 0 : i32
        %dma_start3A_139 = tpu.memref_slice %arg17[%dma_start3A_137, %dma_start3A_138] : memref<626x16xbf16, #tpu.memory_space<vmem>> -> memref<626x16xbf16, #tpu.memory_space<vmem>>
        tpu.enqueue_dma source(%dma_start3A_139 : memref<626x16xbf16, #tpu.memory_space<vmem>>) target(%dma_start3A_136 : memref<626x16xbf16, #tpu.memory_space<vmem_shared>>) target_semaphore(%run_scoped3A : memref<!tpu.dma_semaphore, #tpu.memory_space<semaphore_mem>>)
        %dma_wait3A = arith.constant 0 : i32
        %dma_wait3A_140 = arith.constant 0 : i32
        %dma_wait3A_141 = tpu.memref_slice %arg17[%dma_wait3A, %dma_wait3A_140] : memref<626x16xbf16, #tpu.memory_space<vmem>> -> memref<626x16xbf16, #tpu.memory_space<vmem>>
        %dma_wait3A_142 = arith.constant 0 : i32
        %dma_wait3A_143 = tpu.memref_slice %arg19[%mul3A_129, %dma_wait3A_142] : memref<10002x16xbf16, #tpu.memory_space<vmem_shared>> -> memref<626x16xbf16, #tpu.memory_space<vmem_shared>>
        %dma_wait3A_144 = arith.constant 0 : i32
        %dma_wait3A_145 = tpu.memref_slice %arg19[%mul3A_129, %dma_wait3A_144] : memref<10002x16xbf16, #tpu.memory_space<vmem_shared>> -> memref<626x16xbf16, #tpu.memory_space<vmem_shared>>
        %dma_wait3A_146 = arith.constant 0 : i32
        %dma_wait3A_147 = arith.constant 0 : i32
        %dma_wait3A_148 = tpu.memref_slice %arg17[%dma_wait3A_146, %dma_wait3A_147] : memref<626x16xbf16, #tpu.memory_space<vmem>> -> memref<626x16xbf16, #tpu.memory_space<vmem>>
        tpu.wait_dma2 semaphore(%run_scoped3A : memref<!tpu.dma_semaphore, #tpu.memory_space<semaphore_mem>>) src(%dma_wait3A_148 : memref<626x16xbf16, #tpu.memory_space<vmem>>) dst(%dma_wait3A_145 : memref<626x16xbf16, #tpu.memory_space<vmem_shared>>)
        tpu.yield
      }) : () -> ()
    } else {
    }
    %eq3A = arith.constant 15 : i32
    %eq3A_12 = arith.cmpi eq, %arg1, %eq3A : i32
    %convert_element_type3A_13 = arith.extui %eq3A_12 : i1 to i32
    %cond3A_14 = arith.constant 0 : i32
    %cond3A_15 = arith.cmpi ne, %convert_element_type3A_13, %cond3A_14 : i32
    scf.if %cond3A_15 {
      "tpu.region"() ({
        %run_scoped3A = tpu.sem_alloc : memref<!tpu.dma_semaphore, #tpu.memory_space<semaphore_mem>>
        %dma_start3A_128 = arith.constant 0 : i32
        %dma_start3A_129 = arith.constant 0 : i32
        %dma_start3A_130 = tpu.memref_slice %arg11[%dma_start3A_128, %dma_start3A_129] : memref<626x32xbf16, #tpu.memory_space<vmem>> -> memref<612x32xbf16, #tpu.memory_space<vmem>>
        %dma_start3A_131 = arith.constant 9390 : i32
        %dma_start3A_132 = arith.constant 0 : i32
        %dma_start3A_133 = tpu.memref_slice %arg12[%dma_start3A_131, %dma_start3A_132] : memref<10002x32xbf16, #tpu.memory_space<vmem_shared>> -> memref<612x32xbf16, #tpu.memory_space<vmem_shared>>
        %dma_start3A_134 = arith.constant 9390 : i32
        %dma_start3A_135 = arith.constant 0 : i32
        %dma_start3A_136 = tpu.memref_slice %arg12[%dma_start3A_134, %dma_start3A_135] : memref<10002x32xbf16, #tpu.memory_space<vmem_shared>> -> memref<612x32xbf16, #tpu.memory_space<vmem_shared>>
        %dma_start3A_137 = arith.constant 0 : i32
        %dma_start3A_138 = arith.constant 0 : i32
        %dma_start3A_139 = tpu.memref_slice %arg11[%dma_start3A_137, %dma_start3A_138] : memref<626x32xbf16, #tpu.memory_space<vmem>> -> memref<612x32xbf16, #tpu.memory_space<vmem>>
        tpu.enqueue_dma source(%dma_start3A_139 : memref<612x32xbf16, #tpu.memory_space<vmem>>) target(%dma_start3A_136 : memref<612x32xbf16, #tpu.memory_space<vmem_shared>>) target_semaphore(%run_scoped3A : memref<!tpu.dma_semaphore, #tpu.memory_space<semaphore_mem>>)
        %dma_wait3A = arith.constant 0 : i32
        %dma_wait3A_140 = arith.constant 0 : i32
        %dma_wait3A_141 = tpu.memref_slice %arg11[%dma_wait3A, %dma_wait3A_140] : memref<626x32xbf16, #tpu.memory_space<vmem>> -> memref<612x32xbf16, #tpu.memory_space<vmem>>
        %dma_wait3A_142 = arith.constant 9390 : i32
        %dma_wait3A_143 = arith.constant 0 : i32
        %dma_wait3A_144 = tpu.memref_slice %arg12[%dma_wait3A_142, %dma_wait3A_143] : memref<10002x32xbf16, #tpu.memory_space<vmem_shared>> -> memref<612x32xbf16, #tpu.memory_space<vmem_shared>>
        %dma_wait3A_145 = arith.constant 9390 : i32
        %dma_wait3A_146 = arith.constant 0 : i32
        %dma_wait3A_147 = tpu.memref_slice %arg12[%dma_wait3A_145, %dma_wait3A_146] : memref<10002x32xbf16, #tpu.memory_space<vmem_shared>> -> memref<612x32xbf16, #tpu.memory_space<vmem_shared>>
        %dma_wait3A_148 = arith.constant 0 : i32
        %dma_wait3A_149 = arith.constant 0 : i32
        %dma_wait3A_150 = tpu.memref_slice %arg11[%dma_wait3A_148, %dma_wait3A_149] : memref<626x32xbf16, #tpu.memory_space<vmem>> -> memref<612x32xbf16, #tpu.memory_space<vmem>>
        tpu.wait_dma2 semaphore(%run_scoped3A : memref<!tpu.dma_semaphore, #tpu.memory_space<semaphore_mem>>) src(%dma_wait3A_150 : memref<612x32xbf16, #tpu.memory_space<vmem>>) dst(%dma_wait3A_147 : memref<612x32xbf16, #tpu.memory_space<vmem_shared>>)
        tpu.yield
      }) : () -> ()
      "tpu.region"() ({
        %run_scoped3A = tpu.sem_alloc : memref<!tpu.dma_semaphore, #tpu.memory_space<semaphore_mem>>
        %dma_start3A_128 = arith.constant 0 : i32
        %dma_start3A_129 = arith.constant 0 : i32
        %dma_start3A_130 = tpu.memref_slice %arg17[%dma_start3A_128, %dma_start3A_129] : memref<626x16xbf16, #tpu.memory_space<vmem>> -> memref<612x16xbf16, #tpu.memory_space<vmem>>
        %dma_start3A_131 = arith.constant 9390 : i32
        %dma_start3A_132 = arith.constant 0 : i32
        %dma_start3A_133 = tpu.memref_slice %arg19[%dma_start3A_131, %dma_start3A_132] : memref<10002x16xbf16, #tpu.memory_space<vmem_shared>> -> memref<612x16xbf16, #tpu.memory_space<vmem_shared>>
        %dma_start3A_134 = arith.constant 9390 : i32
        %dma_start3A_135 = arith.constant 0 : i32
        %dma_start3A_136 = tpu.memref_slice %arg19[%dma_start3A_134, %dma_start3A_135] : memref<10002x16xbf16, #tpu.memory_space<vmem_shared>> -> memref<612x16xbf16, #tpu.memory_space<vmem_shared>>
        %dma_start3A_137 = arith.constant 0 : i32
        %dma_start3A_138 = arith.constant 0 : i32
        %dma_start3A_139 = tpu.memref_slice %arg17[%dma_start3A_137, %dma_start3A_138] : memref<626x16xbf16, #tpu.memory_space<vmem>> -> memref<612x16xbf16, #tpu.memory_space<vmem>>
        tpu.enqueue_dma source(%dma_start3A_139 : memref<612x16xbf16, #tpu.memory_space<vmem>>) target(%dma_start3A_136 : memref<612x16xbf16, #tpu.memory_space<vmem_shared>>) target_semaphore(%run_scoped3A : memref<!tpu.dma_semaphore, #tpu.memory_space<semaphore_mem>>)
        %dma_wait3A = arith.constant 0 : i32
        %dma_wait3A_140 = arith.constant 0 : i32
        %dma_wait3A_141 = tpu.memref_slice %arg17[%dma_wait3A, %dma_wait3A_140] : memref<626x16xbf16, #tpu.memory_space<vmem>> -> memref<612x16xbf16, #tpu.memory_space<vmem>>
        %dma_wait3A_142 = arith.constant 9390 : i32
        %dma_wait3A_143 = arith.constant 0 : i32
        %dma_wait3A_144 = tpu.memref_slice %arg19[%dma_wait3A_142, %dma_wait3A_143] : memref<10002x16xbf16, #tpu.memory_space<vmem_shared>> -> memref<612x16xbf16, #tpu.memory_space<vmem_shared>>
        %dma_wait3A_145 = arith.constant 9390 : i32
        %dma_wait3A_146 = arith.constant 0 : i32
        %dma_wait3A_147 = tpu.memref_slice %arg19[%dma_wait3A_145, %dma_wait3A_146] : memref<10002x16xbf16, #tpu.memory_space<vmem_shared>> -> memref<612x16xbf16, #tpu.memory_space<vmem_shared>>
        %dma_wait3A_148 = arith.constant 0 : i32
        %dma_wait3A_149 = arith.constant 0 : i32
        %dma_wait3A_150 = tpu.memref_slice %arg17[%dma_wait3A_148, %dma_wait3A_149] : memref<626x16xbf16, #tpu.memory_space<vmem>> -> memref<612x16xbf16, #tpu.memory_space<vmem>>
        tpu.wait_dma2 semaphore(%run_scoped3A : memref<!tpu.dma_semaphore, #tpu.memory_space<semaphore_mem>>) src(%dma_wait3A_150 : memref<612x16xbf16, #tpu.memory_space<vmem>>) dst(%dma_wait3A_147 : memref<612x16xbf16, #tpu.memory_space<vmem_shared>>)
        tpu.yield
      }) : () -> ()
    } else {
    }
    %barrier3A = arith.constant 0 : index
    tpu.barrier barrier_id(%barrier3A)
    %dma_start3A = arith.constant 0 : i32
    %dma_start3A_16 = arith.constant 0 : i32
    %dma_start3A_17 = arith.constant 0 : i32
    %dma_start3A_18 = arith.constant 0 : i32
    %dma_start3A_19 = tpu.memref_slice %arg9[%dma_start3A_16, %dma_start3A_17, %dma_start3A_18] : memref<4x128x32xbf16, #tpu.memory_space<vmem>> -> memref<1x128x32xbf16, #tpu.memory_space<vmem>>
    %dma_start3A_20 = tpu.memref_squeeze %dma_start3A_19 : memref<1x128x32xbf16, #tpu.memory_space<vmem>> -> memref<128x32xbf16, #tpu.memory_space<vmem>>
    %dma_start3A_21 = arith.constant 0 : i32
    %dma_start3A_22 = tpu.memref_slice %arg7[%dma_start3A, %dma_start3A_21] : memref<80x128xi32, #tpu.memory_space<vmem>> -> memref<1x128xi32, #tpu.memory_space<vmem>>
    %dma_start3A_23 = tpu.memref_squeeze %dma_start3A_22 : memref<1x128xi32, #tpu.memory_space<vmem>> -> memref<128xi32, #tpu.memory_space<vmem>>
    %dma_start3A_24 = arith.constant 0 : i32
    %dma_start3A_25 = arith.constant 0 : i32
    %dma_start3A_26 = tpu.memref_slice %arg2[%dma_start3A_24, %dma_start3A_25] : memref<10000x32xbf16, #tpu.memory_space<hbm>> -> memref<10000x32xbf16, #tpu.memory_space<hbm>>
    tpu.enqueue_indirect_dma source(%dma_start3A_26 : memref<10000x32xbf16, #tpu.memory_space<hbm>>) target(%dma_start3A_20 : memref<128x32xbf16, #tpu.memory_space<vmem>>) offsets(%dma_start3A_23 : memref<128xi32, #tpu.memory_space<vmem>>) semaphore(%arg13 : memref<!tpu.dma_semaphore, #tpu.memory_space<semaphore_mem>>)
    %dma_start3A_27 = arith.constant 1 : i32
    %dma_start3A_28 = arith.constant 1 : i32
    %dma_start3A_29 = arith.constant 0 : i32
    %dma_start3A_30 = arith.constant 0 : i32
    %dma_start3A_31 = tpu.memref_slice %arg9[%dma_start3A_28, %dma_start3A_29, %dma_start3A_30] : memref<4x128x32xbf16, #tpu.memory_space<vmem>> -> memref<1x128x32xbf16, #tpu.memory_space<vmem>>
    %dma_start3A_32 = tpu.memref_squeeze %dma_start3A_31 : memref<1x128x32xbf16, #tpu.memory_space<vmem>> -> memref<128x32xbf16, #tpu.memory_space<vmem>>
    %dma_start3A_33 = arith.constant 0 : i32
    %dma_start3A_34 = tpu.memref_slice %arg7[%dma_start3A_27, %dma_start3A_33] : memref<80x128xi32, #tpu.memory_space<vmem>> -> memref<1x128xi32, #tpu.memory_space<vmem>>
    %dma_start3A_35 = tpu.memref_squeeze %dma_start3A_34 : memref<1x128xi32, #tpu.memory_space<vmem>> -> memref<128xi32, #tpu.memory_space<vmem>>
    %dma_start3A_36 = arith.constant 0 : i32
    %dma_start3A_37 = arith.constant 0 : i32
    %dma_start3A_38 = tpu.memref_slice %arg2[%dma_start3A_36, %dma_start3A_37] : memref<10000x32xbf16, #tpu.memory_space<hbm>> -> memref<10000x32xbf16, #tpu.memory_space<hbm>>
    tpu.enqueue_indirect_dma source(%dma_start3A_38 : memref<10000x32xbf16, #tpu.memory_space<hbm>>) target(%dma_start3A_32 : memref<128x32xbf16, #tpu.memory_space<vmem>>) offsets(%dma_start3A_35 : memref<128xi32, #tpu.memory_space<vmem>>) semaphore(%arg13 : memref<!tpu.dma_semaphore, #tpu.memory_space<semaphore_mem>>)
    %dma_start3A_39 = arith.constant 2 : i32
    %dma_start3A_40 = arith.constant 2 : i32
    %dma_start3A_41 = arith.constant 0 : i32
    %dma_start3A_42 = arith.constant 0 : i32
    %dma_start3A_43 = tpu.memref_slice %arg9[%dma_start3A_40, %dma_start3A_41, %dma_start3A_42] : memref<4x128x32xbf16, #tpu.memory_space<vmem>> -> memref<1x128x32xbf16, #tpu.memory_space<vmem>>
    %dma_start3A_44 = tpu.memref_squeeze %dma_start3A_43 : memref<1x128x32xbf16, #tpu.memory_space<vmem>> -> memref<128x32xbf16, #tpu.memory_space<vmem>>
    %dma_start3A_45 = arith.constant 0 : i32
    %dma_start3A_46 = tpu.memref_slice %arg7[%dma_start3A_39, %dma_start3A_45] : memref<80x128xi32, #tpu.memory_space<vmem>> -> memref<1x128xi32, #tpu.memory_space<vmem>>
    %dma_start3A_47 = tpu.memref_squeeze %dma_start3A_46 : memref<1x128xi32, #tpu.memory_space<vmem>> -> memref<128xi32, #tpu.memory_space<vmem>>
    %dma_start3A_48 = arith.constant 0 : i32
    %dma_start3A_49 = arith.constant 0 : i32
    %dma_start3A_50 = tpu.memref_slice %arg2[%dma_start3A_48, %dma_start3A_49] : memref<10000x32xbf16, #tpu.memory_space<hbm>> -> memref<10000x32xbf16, #tpu.memory_space<hbm>>
    tpu.enqueue_indirect_dma source(%dma_start3A_50 : memref<10000x32xbf16, #tpu.memory_space<hbm>>) target(%dma_start3A_44 : memref<128x32xbf16, #tpu.memory_space<vmem>>) offsets(%dma_start3A_47 : memref<128xi32, #tpu.memory_space<vmem>>) semaphore(%arg13 : memref<!tpu.dma_semaphore, #tpu.memory_space<semaphore_mem>>)
    %dma_start3A_51 = arith.constant 3 : i32
    %dma_start3A_52 = arith.constant 3 : i32
    %dma_start3A_53 = arith.constant 0 : i32
    %dma_start3A_54 = arith.constant 0 : i32
    %dma_start3A_55 = tpu.memref_slice %arg9[%dma_start3A_52, %dma_start3A_53, %dma_start3A_54] : memref<4x128x32xbf16, #tpu.memory_space<vmem>> -> memref<1x128x32xbf16, #tpu.memory_space<vmem>>
    %dma_start3A_56 = tpu.memref_squeeze %dma_start3A_55 : memref<1x128x32xbf16, #tpu.memory_space<vmem>> -> memref<128x32xbf16, #tpu.memory_space<vmem>>
    %dma_start3A_57 = arith.constant 0 : i32
    %dma_start3A_58 = tpu.memref_slice %arg7[%dma_start3A_51, %dma_start3A_57] : memref<80x128xi32, #tpu.memory_space<vmem>> -> memref<1x128xi32, #tpu.memory_space<vmem>>
    %dma_start3A_59 = tpu.memref_squeeze %dma_start3A_58 : memref<1x128xi32, #tpu.memory_space<vmem>> -> memref<128xi32, #tpu.memory_space<vmem>>
    %dma_start3A_60 = arith.constant 0 : i32
    %dma_start3A_61 = arith.constant 0 : i32
    %dma_start3A_62 = tpu.memref_slice %arg2[%dma_start3A_60, %dma_start3A_61] : memref<10000x32xbf16, #tpu.memory_space<hbm>> -> memref<10000x32xbf16, #tpu.memory_space<hbm>>
    tpu.enqueue_indirect_dma source(%dma_start3A_62 : memref<10000x32xbf16, #tpu.memory_space<hbm>>) target(%dma_start3A_56 : memref<128x32xbf16, #tpu.memory_space<vmem>>) offsets(%dma_start3A_59 : memref<128xi32, #tpu.memory_space<vmem>>) semaphore(%arg13 : memref<!tpu.dma_semaphore, #tpu.memory_space<semaphore_mem>>)
    %dma_start3A_63 = arith.constant 4 : i32
    %dma_start3A_64 = arith.constant 0 : i32
    %dma_start3A_65 = arith.constant 0 : i32
    %dma_start3A_66 = arith.constant 0 : i32
    %dma_start3A_67 = tpu.memref_slice %arg10[%dma_start3A_64, %dma_start3A_65, %dma_start3A_66] : memref<4x128x32xbf16, #tpu.memory_space<vmem>> -> memref<1x128x32xbf16, #tpu.memory_space<vmem>>
    %dma_start3A_68 = tpu.memref_squeeze %dma_start3A_67 : memref<1x128x32xbf16, #tpu.memory_space<vmem>> -> memref<128x32xbf16, #tpu.memory_space<vmem>>
    %dma_start3A_69 = arith.constant 0 : i32
    %dma_start3A_70 = tpu.memref_slice %arg7[%dma_start3A_63, %dma_start3A_69] : memref<80x128xi32, #tpu.memory_space<vmem>> -> memref<1x128xi32, #tpu.memory_space<vmem>>
    %dma_start3A_71 = tpu.memref_squeeze %dma_start3A_70 : memref<1x128xi32, #tpu.memory_space<vmem>> -> memref<128xi32, #tpu.memory_space<vmem>>
    %dma_start3A_72 = arith.constant 0 : i32
    %dma_start3A_73 = arith.constant 0 : i32
    %dma_start3A_74 = tpu.memref_slice %arg2[%dma_start3A_72, %dma_start3A_73] : memref<10000x32xbf16, #tpu.memory_space<hbm>> -> memref<10000x32xbf16, #tpu.memory_space<hbm>>
    tpu.enqueue_indirect_dma source(%dma_start3A_74 : memref<10000x32xbf16, #tpu.memory_space<hbm>>) target(%dma_start3A_68 : memref<128x32xbf16, #tpu.memory_space<vmem>>) offsets(%dma_start3A_71 : memref<128xi32, #tpu.memory_space<vmem>>) semaphore(%arg14 : memref<!tpu.dma_semaphore, #tpu.memory_space<semaphore_mem>>)
    %dma_start3A_75 = arith.constant 5 : i32
    %dma_start3A_76 = arith.constant 1 : i32
    %dma_start3A_77 = arith.constant 0 : i32
    %dma_start3A_78 = arith.constant 0 : i32
    %dma_start3A_79 = tpu.memref_slice %arg10[%dma_start3A_76, %dma_start3A_77, %dma_start3A_78] : memref<4x128x32xbf16, #tpu.memory_space<vmem>> -> memref<1x128x32xbf16, #tpu.memory_space<vmem>>
    %dma_start3A_80 = tpu.memref_squeeze %dma_start3A_79 : memref<1x128x32xbf16, #tpu.memory_space<vmem>> -> memref<128x32xbf16, #tpu.memory_space<vmem>>
    %dma_start3A_81 = arith.constant 0 : i32
    %dma_start3A_82 = tpu.memref_slice %arg7[%dma_start3A_75, %dma_start3A_81] : memref<80x128xi32, #tpu.memory_space<vmem>> -> memref<1x128xi32, #tpu.memory_space<vmem>>
    %dma_start3A_83 = tpu.memref_squeeze %dma_start3A_82 : memref<1x128xi32, #tpu.memory_space<vmem>> -> memref<128xi32, #tpu.memory_space<vmem>>
    %dma_start3A_84 = arith.constant 0 : i32
    %dma_start3A_85 = arith.constant 0 : i32
    %dma_start3A_86 = tpu.memref_slice %arg2[%dma_start3A_84, %dma_start3A_85] : memref<10000x32xbf16, #tpu.memory_space<hbm>> -> memref<10000x32xbf16, #tpu.memory_space<hbm>>
    tpu.enqueue_indirect_dma source(%dma_start3A_86 : memref<10000x32xbf16, #tpu.memory_space<hbm>>) target(%dma_start3A_80 : memref<128x32xbf16, #tpu.memory_space<vmem>>) offsets(%dma_start3A_83 : memref<128xi32, #tpu.memory_space<vmem>>) semaphore(%arg14 : memref<!tpu.dma_semaphore, #tpu.memory_space<semaphore_mem>>)
    %dma_start3A_87 = arith.constant 6 : i32
    %dma_start3A_88 = arith.constant 2 : i32
    %dma_start3A_89 = arith.constant 0 : i32
    %dma_start3A_90 = arith.constant 0 : i32
    %dma_start3A_91 = tpu.memref_slice %arg10[%dma_start3A_88, %dma_start3A_89, %dma_start3A_90] : memref<4x128x32xbf16, #tpu.memory_space<vmem>> -> memref<1x128x32xbf16, #tpu.memory_space<vmem>>
    %dma_start3A_92 = tpu.memref_squeeze %dma_start3A_91 : memref<1x128x32xbf16, #tpu.memory_space<vmem>> -> memref<128x32xbf16, #tpu.memory_space<vmem>>
    %dma_start3A_93 = arith.constant 0 : i32
    %dma_start3A_94 = tpu.memref_slice %arg7[%dma_start3A_87, %dma_start3A_93] : memref<80x128xi32, #tpu.memory_space<vmem>> -> memref<1x128xi32, #tpu.memory_space<vmem>>
    %dma_start3A_95 = tpu.memref_squeeze %dma_start3A_94 : memref<1x128xi32, #tpu.memory_space<vmem>> -> memref<128xi32, #tpu.memory_space<vmem>>
    %dma_start3A_96 = arith.constant 0 : i32
    %dma_start3A_97 = arith.constant 0 : i32
    %dma_start3A_98 = tpu.memref_slice %arg2[%dma_start3A_96, %dma_start3A_97] : memref<10000x32xbf16, #tpu.memory_space<hbm>> -> memref<10000x32xbf16, #tpu.memory_space<hbm>>
    tpu.enqueue_indirect_dma source(%dma_start3A_98 : memref<10000x32xbf16, #tpu.memory_space<hbm>>) target(%dma_start3A_92 : memref<128x32xbf16, #tpu.memory_space<vmem>>) offsets(%dma_start3A_95 : memref<128xi32, #tpu.memory_space<vmem>>) semaphore(%arg14 : memref<!tpu.dma_semaphore, #tpu.memory_space<semaphore_mem>>)
    %dma_start3A_99 = arith.constant 7 : i32
    %dma_start3A_100 = arith.constant 3 : i32
    %dma_start3A_101 = arith.constant 0 : i32
    %dma_start3A_102 = arith.constant 0 : i32
    %dma_start3A_103 = tpu.memref_slice %arg10[%dma_start3A_100, %dma_start3A_101, %dma_start3A_102] : memref<4x128x32xbf16, #tpu.memory_space<vmem>> -> memref<1x128x32xbf16, #tpu.memory_space<vmem>>
    %dma_start3A_104 = tpu.memref_squeeze %dma_start3A_103 : memref<1x128x32xbf16, #tpu.memory_space<vmem>> -> memref<128x32xbf16, #tpu.memory_space<vmem>>
    %dma_start3A_105 = arith.constant 0 : i32
    %dma_start3A_106 = tpu.memref_slice %arg7[%dma_start3A_99, %dma_start3A_105] : memref<80x128xi32, #tpu.memory_space<vmem>> -> memref<1x128xi32, #tpu.memory_space<vmem>>
    %dma_start3A_107 = tpu.memref_squeeze %dma_start3A_106 : memref<1x128xi32, #tpu.memory_space<vmem>> -> memref<128xi32, #tpu.memory_space<vmem>>
    %dma_start3A_108 = arith.constant 0 : i32
    %dma_start3A_109 = arith.constant 0 : i32
    %dma_start3A_110 = tpu.memref_slice %arg2[%dma_start3A_108, %dma_start3A_109] : memref<10000x32xbf16, #tpu.memory_space<hbm>> -> memref<10000x32xbf16, #tpu.memory_space<hbm>>
    tpu.enqueue_indirect_dma source(%dma_start3A_110 : memref<10000x32xbf16, #tpu.memory_space<hbm>>) target(%dma_start3A_104 : memref<128x32xbf16, #tpu.memory_space<vmem>>) offsets(%dma_start3A_107 : memref<128xi32, #tpu.memory_space<vmem>>) semaphore(%arg14 : memref<!tpu.dma_semaphore, #tpu.memory_space<semaphore_mem>>)
    %scan3A_111 = arith.constant 0 : i32
    %scan3A_112 = arith.constant 0 : i32
    %scan3A_113 = arith.constant 10 : i32
    %scan3A_114 = arith.addi %scan3A_112, %scan3A_113 : i32
    %scan3A_115 = arith.constant 1 : i32
    scf.for %scan3A_128 = %scan3A_112 to %scan3A_114 step %scan3A_115  : i32 {
      %mul3A_129 = arith.constant 2 : i32
      %mul3A_130 = arith.muli %mul3A_129, %scan3A_128 : i32
      %mul3A_131 = arith.constant 4 : i32
      %mul3A_132 = arith.muli %mul3A_130, %mul3A_131 : i32
      %add3A_133 = arith.constant 0 : i32
      %add3A_134 = arith.addi %mul3A_132, %add3A_133 : i32
      %dma_wait3A = arith.constant 0 : i32
      %dma_wait3A_135 = arith.constant 0 : i32
      %dma_wait3A_136 = arith.constant 0 : i32
      %dma_wait3A_137 = tpu.memref_slice %arg9[%dma_wait3A, %dma_wait3A_135, %dma_wait3A_136] : memref<4x128x32xbf16, #tpu.memory_space<vmem>> -> memref<1x128x32xbf16, #tpu.memory_space<vmem>>
      %dma_wait3A_138 = tpu.memref_squeeze %dma_wait3A_137 : memref<1x128x32xbf16, #tpu.memory_space<vmem>> -> memref<128x32xbf16, #tpu.memory_space<vmem>>
      %dma_wait3A_139 = arith.constant 0 : i32
      %dma_wait3A_140 = tpu.memref_slice %arg7[%add3A_134, %dma_wait3A_139] : memref<80x128xi32, #tpu.memory_space<vmem>> -> memref<1x128xi32, #tpu.memory_space<vmem>>
      %dma_wait3A_141 = tpu.memref_squeeze %dma_wait3A_140 : memref<1x128xi32, #tpu.memory_space<vmem>> -> memref<128xi32, #tpu.memory_space<vmem>>
      %dma_wait3A_142 = arith.constant 0 : i32
      %dma_wait3A_143 = arith.constant 0 : i32
      %dma_wait3A_144 = tpu.memref_slice %arg2[%dma_wait3A_142, %dma_wait3A_143] : memref<10000x32xbf16, #tpu.memory_space<hbm>> -> memref<10000x32xbf16, #tpu.memory_space<hbm>>
      tpu.wait_indirect_dma semaphore(%arg13 : memref<!tpu.dma_semaphore, #tpu.memory_space<semaphore_mem>>) src(%dma_wait3A_144 : memref<10000x32xbf16, #tpu.memory_space<hbm>>) dst(%dma_wait3A_138 : memref<128x32xbf16, #tpu.memory_space<vmem>>)
      %add3A_145 = arith.constant 1 : i32
      %add3A_146 = arith.addi %mul3A_132, %add3A_145 : i32
      %dma_wait3A_147 = arith.constant 1 : i32
      %dma_wait3A_148 = arith.constant 0 : i32
      %dma_wait3A_149 = arith.constant 0 : i32
      %dma_wait3A_150 = tpu.memref_slice %arg9[%dma_wait3A_147, %dma_wait3A_148, %dma_wait3A_149] : memref<4x128x32xbf16, #tpu.memory_space<vmem>> -> memref<1x128x32xbf16, #tpu.memory_space<vmem>>
      %dma_wait3A_151 = tpu.memref_squeeze %dma_wait3A_150 : memref<1x128x32xbf16, #tpu.memory_space<vmem>> -> memref<128x32xbf16, #tpu.memory_space<vmem>>
      %dma_wait3A_152 = arith.constant 0 : i32
      %dma_wait3A_153 = tpu.memref_slice %arg7[%add3A_146, %dma_wait3A_152] : memref<80x128xi32, #tpu.memory_space<vmem>> -> memref<1x128xi32, #tpu.memory_space<vmem>>
      %dma_wait3A_154 = tpu.memref_squeeze %dma_wait3A_153 : memref<1x128xi32, #tpu.memory_space<vmem>> -> memref<128xi32, #tpu.memory_space<vmem>>
      %dma_wait3A_155 = arith.constant 0 : i32
      %dma_wait3A_156 = arith.constant 0 : i32
      %dma_wait3A_157 = tpu.memref_slice %arg2[%dma_wait3A_155, %dma_wait3A_156] : memref<10000x32xbf16, #tpu.memory_space<hbm>> -> memref<10000x32xbf16, #tpu.memory_space<hbm>>
      tpu.wait_indirect_dma semaphore(%arg13 : memref<!tpu.dma_semaphore, #tpu.memory_space<semaphore_mem>>) src(%dma_wait3A_157 : memref<10000x32xbf16, #tpu.memory_space<hbm>>) dst(%dma_wait3A_151 : memref<128x32xbf16, #tpu.memory_space<vmem>>)
      %add3A_158 = arith.constant 2 : i32
      %add3A_159 = arith.addi %mul3A_132, %add3A_158 : i32
      %dma_wait3A_160 = arith.constant 2 : i32
      %dma_wait3A_161 = arith.constant 0 : i32
      %dma_wait3A_162 = arith.constant 0 : i32
      %dma_wait3A_163 = tpu.memref_slice %arg9[%dma_wait3A_160, %dma_wait3A_161, %dma_wait3A_162] : memref<4x128x32xbf16, #tpu.memory_space<vmem>> -> memref<1x128x32xbf16, #tpu.memory_space<vmem>>
      %dma_wait3A_164 = tpu.memref_squeeze %dma_wait3A_163 : memref<1x128x32xbf16, #tpu.memory_space<vmem>> -> memref<128x32xbf16, #tpu.memory_space<vmem>>
      %dma_wait3A_165 = arith.constant 0 : i32
      %dma_wait3A_166 = tpu.memref_slice %arg7[%add3A_159, %dma_wait3A_165] : memref<80x128xi32, #tpu.memory_space<vmem>> -> memref<1x128xi32, #tpu.memory_space<vmem>>
      %dma_wait3A_167 = tpu.memref_squeeze %dma_wait3A_166 : memref<1x128xi32, #tpu.memory_space<vmem>> -> memref<128xi32, #tpu.memory_space<vmem>>
      %dma_wait3A_168 = arith.constant 0 : i32
      %dma_wait3A_169 = arith.constant 0 : i32
      %dma_wait3A_170 = tpu.memref_slice %arg2[%dma_wait3A_168, %dma_wait3A_169] : memref<10000x32xbf16, #tpu.memory_space<hbm>> -> memref<10000x32xbf16, #tpu.memory_space<hbm>>
      tpu.wait_indirect_dma semaphore(%arg13 : memref<!tpu.dma_semaphore, #tpu.memory_space<semaphore_mem>>) src(%dma_wait3A_170 : memref<10000x32xbf16, #tpu.memory_space<hbm>>) dst(%dma_wait3A_164 : memref<128x32xbf16, #tpu.memory_space<vmem>>)
      %add3A_171 = arith.constant 3 : i32
      %add3A_172 = arith.addi %mul3A_132, %add3A_171 : i32
      %dma_wait3A_173 = arith.constant 3 : i32
      %dma_wait3A_174 = arith.constant 0 : i32
      %dma_wait3A_175 = arith.constant 0 : i32
      %dma_wait3A_176 = tpu.memref_slice %arg9[%dma_wait3A_173, %dma_wait3A_174, %dma_wait3A_175] : memref<4x128x32xbf16, #tpu.memory_space<vmem>> -> memref<1x128x32xbf16, #tpu.memory_space<vmem>>
      %dma_wait3A_177 = tpu.memref_squeeze %dma_wait3A_176 : memref<1x128x32xbf16, #tpu.memory_space<vmem>> -> memref<128x32xbf16, #tpu.memory_space<vmem>>
      %dma_wait3A_178 = arith.constant 0 : i32
      %dma_wait3A_179 = tpu.memref_slice %arg7[%add3A_172, %dma_wait3A_178] : memref<80x128xi32, #tpu.memory_space<vmem>> -> memref<1x128xi32, #tpu.memory_space<vmem>>
      %dma_wait3A_180 = tpu.memref_squeeze %dma_wait3A_179 : memref<1x128xi32, #tpu.memory_space<vmem>> -> memref<128xi32, #tpu.memory_space<vmem>>
      %dma_wait3A_181 = arith.constant 0 : i32
      %dma_wait3A_182 = arith.constant 0 : i32
      %dma_wait3A_183 = tpu.memref_slice %arg2[%dma_wait3A_181, %dma_wait3A_182] : memref<10000x32xbf16, #tpu.memory_space<hbm>> -> memref<10000x32xbf16, #tpu.memory_space<hbm>>
      tpu.wait_indirect_dma semaphore(%arg13 : memref<!tpu.dma_semaphore, #tpu.memory_space<semaphore_mem>>) src(%dma_wait3A_183 : memref<10000x32xbf16, #tpu.memory_space<hbm>>) dst(%dma_wait3A_177 : memref<128x32xbf16, #tpu.memory_space<vmem>>)
      %add3A_184 = arith.constant 0 : i32
      %add3A_185 = arith.addi %mul3A_132, %add3A_184 : i32
      %dma_start3A_186 = arith.constant 0 : i32
      %dma_start3A_187 = arith.constant 0 : i32
      %dma_start3A_188 = arith.constant 0 : i32
      %dma_start3A_189 = tpu.memref_slice %arg9[%dma_start3A_186, %dma_start3A_187, %dma_start3A_188] : memref<4x128x32xbf16, #tpu.memory_space<vmem>> -> memref<1x128x32xbf16, #tpu.memory_space<vmem>>
      %dma_start3A_190 = tpu.memref_squeeze %dma_start3A_189 : memref<1x128x32xbf16, #tpu.memory_space<vmem>> -> memref<128x32xbf16, #tpu.memory_space<vmem>>
      %dma_start3A_191 = arith.constant 0 : i32
      %dma_start3A_192 = tpu.memref_slice %arg8[%add3A_185, %dma_start3A_191] : memref<80x128xi32, #tpu.memory_space<vmem>> -> memref<1x128xi32, #tpu.memory_space<vmem>>
      %dma_start3A_193 = tpu.memref_squeeze %dma_start3A_192 : memref<1x128xi32, #tpu.memory_space<vmem>> -> memref<128xi32, #tpu.memory_space<vmem>>
      %dma_start3A_194 = arith.constant 0 : i32
      %dma_start3A_195 = arith.constant 0 : i32
      %dma_start3A_196 = tpu.memref_slice %arg12[%dma_start3A_194, %dma_start3A_195] : memref<10002x32xbf16, #tpu.memory_space<vmem_shared>> -> memref<10002x32xbf16, #tpu.memory_space<vmem_shared>>
      tpu.enqueue_indirect_dma source(%dma_start3A_190 : memref<128x32xbf16, #tpu.memory_space<vmem>>) target(%dma_start3A_196 : memref<10002x32xbf16, #tpu.memory_space<vmem_shared>>) offsets(%dma_start3A_193 : memref<128xi32, #tpu.memory_space<vmem>>) semaphore(%arg15 : memref<!tpu.dma_semaphore, #tpu.memory_space<semaphore_mem>>) {add = true}
      %add3A_197 = arith.constant 0 : i32
      %add3A_198 = arith.addi %mul3A_132, %add3A_197 : i32
      %dma_start3A_199 = arith.constant 0 : i32
      %dma_start3A_200 = tpu.memref_slice %arg8[%add3A_198, %dma_start3A_199] : memref<80x128xi32, #tpu.memory_space<vmem>> -> memref<1x128xi32, #tpu.memory_space<vmem>>
      %dma_start3A_201 = tpu.memref_squeeze %dma_start3A_200 : memref<1x128xi32, #tpu.memory_space<vmem>> -> memref<128xi32, #tpu.memory_space<vmem>>
      %dma_start3A_202 = arith.constant 0 : i32
      %dma_start3A_203 = arith.constant 0 : i32
      %dma_start3A_204 = tpu.memref_slice %arg19[%dma_start3A_202, %dma_start3A_203] : memref<10002x16xbf16, #tpu.memory_space<vmem_shared>> -> memref<10002x16xbf16, #tpu.memory_space<vmem_shared>>
      tpu.enqueue_indirect_dma source(%arg18 : memref<128x16xbf16, #tpu.memory_space<vmem>>) target(%dma_start3A_204 : memref<10002x16xbf16, #tpu.memory_space<vmem_shared>>) offsets(%dma_start3A_201 : memref<128xi32, #tpu.memory_space<vmem>>) semaphore(%arg15 : memref<!tpu.dma_semaphore, #tpu.memory_space<semaphore_mem>>) {add = true}
      %add3A_205 = arith.constant 1 : i32
      %add3A_206 = arith.addi %mul3A_132, %add3A_205 : i32
      %dma_start3A_207 = arith.constant 1 : i32
      %dma_start3A_208 = arith.constant 0 : i32
      %dma_start3A_209 = arith.constant 0 : i32
      %dma_start3A_210 = tpu.memref_slice %arg9[%dma_start3A_207, %dma_start3A_208, %dma_start3A_209] : memref<4x128x32xbf16, #tpu.memory_space<vmem>> -> memref<1x128x32xbf16, #tpu.memory_space<vmem>>
      %dma_start3A_211 = tpu.memref_squeeze %dma_start3A_210 : memref<1x128x32xbf16, #tpu.memory_space<vmem>> -> memref<128x32xbf16, #tpu.memory_space<vmem>>
      %dma_start3A_212 = arith.constant 0 : i32
      %dma_start3A_213 = tpu.memref_slice %arg8[%add3A_206, %dma_start3A_212] : memref<80x128xi32, #tpu.memory_space<vmem>> -> memref<1x128xi32, #tpu.memory_space<vmem>>
      %dma_start3A_214 = tpu.memref_squeeze %dma_start3A_213 : memref<1x128xi32, #tpu.memory_space<vmem>> -> memref<128xi32, #tpu.memory_space<vmem>>
      %dma_start3A_215 = arith.constant 0 : i32
      %dma_start3A_216 = arith.constant 0 : i32
      %dma_start3A_217 = tpu.memref_slice %arg12[%dma_start3A_215, %dma_start3A_216] : memref<10002x32xbf16, #tpu.memory_space<vmem_shared>> -> memref<10002x32xbf16, #tpu.memory_space<vmem_shared>>
      tpu.enqueue_indirect_dma source(%dma_start3A_211 : memref<128x32xbf16, #tpu.memory_space<vmem>>) target(%dma_start3A_217 : memref<10002x32xbf16, #tpu.memory_space<vmem_shared>>) offsets(%dma_start3A_214 : memref<128xi32, #tpu.memory_space<vmem>>) semaphore(%arg15 : memref<!tpu.dma_semaphore, #tpu.memory_space<semaphore_mem>>) {add = true}
      %add3A_218 = arith.constant 1 : i32
      %add3A_219 = arith.addi %mul3A_132, %add3A_218 : i32
      %dma_start3A_220 = arith.constant 0 : i32
      %dma_start3A_221 = tpu.memref_slice %arg8[%add3A_219, %dma_start3A_220] : memref<80x128xi32, #tpu.memory_space<vmem>> -> memref<1x128xi32, #tpu.memory_space<vmem>>
      %dma_start3A_222 = tpu.memref_squeeze %dma_start3A_221 : memref<1x128xi32, #tpu.memory_space<vmem>> -> memref<128xi32, #tpu.memory_space<vmem>>
      %dma_start3A_223 = arith.constant 0 : i32
      %dma_start3A_224 = arith.constant 0 : i32
      %dma_start3A_225 = tpu.memref_slice %arg19[%dma_start3A_223, %dma_start3A_224] : memref<10002x16xbf16, #tpu.memory_space<vmem_shared>> -> memref<10002x16xbf16, #tpu.memory_space<vmem_shared>>
      tpu.enqueue_indirect_dma source(%arg18 : memref<128x16xbf16, #tpu.memory_space<vmem>>) target(%dma_start3A_225 : memref<10002x16xbf16, #tpu.memory_space<vmem_shared>>) offsets(%dma_start3A_222 : memref<128xi32, #tpu.memory_space<vmem>>) semaphore(%arg15 : memref<!tpu.dma_semaphore, #tpu.memory_space<semaphore_mem>>) {add = true}
      %add3A_226 = arith.constant 2 : i32
      %add3A_227 = arith.addi %mul3A_132, %add3A_226 : i32
      %dma_start3A_228 = arith.constant 2 : i32
      %dma_start3A_229 = arith.constant 0 : i32
      %dma_start3A_230 = arith.constant 0 : i32
      %dma_start3A_231 = tpu.memref_slice %arg9[%dma_start3A_228, %dma_start3A_229, %dma_start3A_230] : memref<4x128x32xbf16, #tpu.memory_space<vmem>> -> memref<1x128x32xbf16, #tpu.memory_space<vmem>>
      %dma_start3A_232 = tpu.memref_squeeze %dma_start3A_231 : memref<1x128x32xbf16, #tpu.memory_space<vmem>> -> memref<128x32xbf16, #tpu.memory_space<vmem>>
      %dma_start3A_233 = arith.constant 0 : i32
      %dma_start3A_234 = tpu.memref_slice %arg8[%add3A_227, %dma_start3A_233] : memref<80x128xi32, #tpu.memory_space<vmem>> -> memref<1x128xi32, #tpu.memory_space<vmem>>
      %dma_start3A_235 = tpu.memref_squeeze %dma_start3A_234 : memref<1x128xi32, #tpu.memory_space<vmem>> -> memref<128xi32, #tpu.memory_space<vmem>>
      %dma_start3A_236 = arith.constant 0 : i32
      %dma_start3A_237 = arith.constant 0 : i32
      %dma_start3A_238 = tpu.memref_slice %arg12[%dma_start3A_236, %dma_start3A_237] : memref<10002x32xbf16, #tpu.memory_space<vmem_shared>> -> memref<10002x32xbf16, #tpu.memory_space<vmem_shared>>
      tpu.enqueue_indirect_dma source(%dma_start3A_232 : memref<128x32xbf16, #tpu.memory_space<vmem>>) target(%dma_start3A_238 : memref<10002x32xbf16, #tpu.memory_space<vmem_shared>>) offsets(%dma_start3A_235 : memref<128xi32, #tpu.memory_space<vmem>>) semaphore(%arg15 : memref<!tpu.dma_semaphore, #tpu.memory_space<semaphore_mem>>) {add = true}
      %add3A_239 = arith.constant 2 : i32
      %add3A_240 = arith.addi %mul3A_132, %add3A_239 : i32
      %dma_start3A_241 = arith.constant 0 : i32
      %dma_start3A_242 = tpu.memref_slice %arg8[%add3A_240, %dma_start3A_241] : memref<80x128xi32, #tpu.memory_space<vmem>> -> memref<1x128xi32, #tpu.memory_space<vmem>>
      %dma_start3A_243 = tpu.memref_squeeze %dma_start3A_242 : memref<1x128xi32, #tpu.memory_space<vmem>> -> memref<128xi32, #tpu.memory_space<vmem>>
      %dma_start3A_244 = arith.constant 0 : i32
      %dma_start3A_245 = arith.constant 0 : i32
      %dma_start3A_246 = tpu.memref_slice %arg19[%dma_start3A_244, %dma_start3A_245] : memref<10002x16xbf16, #tpu.memory_space<vmem_shared>> -> memref<10002x16xbf16, #tpu.memory_space<vmem_shared>>
      tpu.enqueue_indirect_dma source(%arg18 : memref<128x16xbf16, #tpu.memory_space<vmem>>) target(%dma_start3A_246 : memref<10002x16xbf16, #tpu.memory_space<vmem_shared>>) offsets(%dma_start3A_243 : memref<128xi32, #tpu.memory_space<vmem>>) semaphore(%arg15 : memref<!tpu.dma_semaphore, #tpu.memory_space<semaphore_mem>>) {add = true}
      %add3A_247 = arith.constant 3 : i32
      %add3A_248 = arith.addi %mul3A_132, %add3A_247 : i32
      %dma_start3A_249 = arith.constant 3 : i32
      %dma_start3A_250 = arith.constant 0 : i32
      %dma_start3A_251 = arith.constant 0 : i32
      %dma_start3A_252 = tpu.memref_slice %arg9[%dma_start3A_249, %dma_start3A_250, %dma_start3A_251] : memref<4x128x32xbf16, #tpu.memory_space<vmem>> -> memref<1x128x32xbf16, #tpu.memory_space<vmem>>
      %dma_start3A_253 = tpu.memref_squeeze %dma_start3A_252 : memref<1x128x32xbf16, #tpu.memory_space<vmem>> -> memref<128x32xbf16, #tpu.memory_space<vmem>>
      %dma_start3A_254 = arith.constant 0 : i32
      %dma_start3A_255 = tpu.memref_slice %arg8[%add3A_248, %dma_start3A_254] : memref<80x128xi32, #tpu.memory_space<vmem>> -> memref<1x128xi32, #tpu.memory_space<vmem>>
      %dma_start3A_256 = tpu.memref_squeeze %dma_start3A_255 : memref<1x128xi32, #tpu.memory_space<vmem>> -> memref<128xi32, #tpu.memory_space<vmem>>
      %dma_start3A_257 = arith.constant 0 : i32
      %dma_start3A_258 = arith.constant 0 : i32
      %dma_start3A_259 = tpu.memref_slice %arg12[%dma_start3A_257, %dma_start3A_258] : memref<10002x32xbf16, #tpu.memory_space<vmem_shared>> -> memref<10002x32xbf16, #tpu.memory_space<vmem_shared>>
      tpu.enqueue_indirect_dma source(%dma_start3A_253 : memref<128x32xbf16, #tpu.memory_space<vmem>>) target(%dma_start3A_259 : memref<10002x32xbf16, #tpu.memory_space<vmem_shared>>) offsets(%dma_start3A_256 : memref<128xi32, #tpu.memory_space<vmem>>) semaphore(%arg15 : memref<!tpu.dma_semaphore, #tpu.memory_space<semaphore_mem>>) {add = true}
      %add3A_260 = arith.constant 3 : i32
      %add3A_261 = arith.addi %mul3A_132, %add3A_260 : i32
      %dma_start3A_262 = arith.constant 0 : i32
      %dma_start3A_263 = tpu.memref_slice %arg8[%add3A_261, %dma_start3A_262] : memref<80x128xi32, #tpu.memory_space<vmem>> -> memref<1x128xi32, #tpu.memory_space<vmem>>
      %dma_start3A_264 = tpu.memref_squeeze %dma_start3A_263 : memref<1x128xi32, #tpu.memory_space<vmem>> -> memref<128xi32, #tpu.memory_space<vmem>>
      %dma_start3A_265 = arith.constant 0 : i32
      %dma_start3A_266 = arith.constant 0 : i32
      %dma_start3A_267 = tpu.memref_slice %arg19[%dma_start3A_265, %dma_start3A_266] : memref<10002x16xbf16, #tpu.memory_space<vmem_shared>> -> memref<10002x16xbf16, #tpu.memory_space<vmem_shared>>
      tpu.enqueue_indirect_dma source(%arg18 : memref<128x16xbf16, #tpu.memory_space<vmem>>) target(%dma_start3A_267 : memref<10002x16xbf16, #tpu.memory_space<vmem_shared>>) offsets(%dma_start3A_264 : memref<128xi32, #tpu.memory_space<vmem>>) semaphore(%arg15 : memref<!tpu.dma_semaphore, #tpu.memory_space<semaphore_mem>>) {add = true}
      %add3A_268 = arith.constant 4 : i32
      %add3A_269 = arith.addi %mul3A_132, %add3A_268 : i32
      %add3A_270 = arith.constant 0 : i32
      %add3A_271 = arith.addi %add3A_269, %add3A_270 : i32
      %dma_wait3A_272 = arith.constant 0 : i32
      %dma_wait3A_273 = arith.constant 0 : i32
      %dma_wait3A_274 = arith.constant 0 : i32
      %dma_wait3A_275 = tpu.memref_slice %arg10[%dma_wait3A_272, %dma_wait3A_273, %dma_wait3A_274] : memref<4x128x32xbf16, #tpu.memory_space<vmem>> -> memref<1x128x32xbf16, #tpu.memory_space<vmem>>
      %dma_wait3A_276 = tpu.memref_squeeze %dma_wait3A_275 : memref<1x128x32xbf16, #tpu.memory_space<vmem>> -> memref<128x32xbf16, #tpu.memory_space<vmem>>
      %dma_wait3A_277 = arith.constant 0 : i32
      %dma_wait3A_278 = tpu.memref_slice %arg7[%add3A_271, %dma_wait3A_277] : memref<80x128xi32, #tpu.memory_space<vmem>> -> memref<1x128xi32, #tpu.memory_space<vmem>>
      %dma_wait3A_279 = tpu.memref_squeeze %dma_wait3A_278 : memref<1x128xi32, #tpu.memory_space<vmem>> -> memref<128xi32, #tpu.memory_space<vmem>>
      %dma_wait3A_280 = arith.constant 0 : i32
      %dma_wait3A_281 = arith.constant 0 : i32
      %dma_wait3A_282 = tpu.memref_slice %arg2[%dma_wait3A_280, %dma_wait3A_281] : memref<10000x32xbf16, #tpu.memory_space<hbm>> -> memref<10000x32xbf16, #tpu.memory_space<hbm>>
      tpu.wait_indirect_dma semaphore(%arg14 : memref<!tpu.dma_semaphore, #tpu.memory_space<semaphore_mem>>) src(%dma_wait3A_282 : memref<10000x32xbf16, #tpu.memory_space<hbm>>) dst(%dma_wait3A_276 : memref<128x32xbf16, #tpu.memory_space<vmem>>)
      %add3A_283 = arith.constant 1 : i32
      %add3A_284 = arith.addi %add3A_269, %add3A_283 : i32
      %dma_wait3A_285 = arith.constant 1 : i32
      %dma_wait3A_286 = arith.constant 0 : i32
      %dma_wait3A_287 = arith.constant 0 : i32
      %dma_wait3A_288 = tpu.memref_slice %arg10[%dma_wait3A_285, %dma_wait3A_286, %dma_wait3A_287] : memref<4x128x32xbf16, #tpu.memory_space<vmem>> -> memref<1x128x32xbf16, #tpu.memory_space<vmem>>
      %dma_wait3A_289 = tpu.memref_squeeze %dma_wait3A_288 : memref<1x128x32xbf16, #tpu.memory_space<vmem>> -> memref<128x32xbf16, #tpu.memory_space<vmem>>
      %dma_wait3A_290 = arith.constant 0 : i32
      %dma_wait3A_291 = tpu.memref_slice %arg7[%add3A_284, %dma_wait3A_290] : memref<80x128xi32, #tpu.memory_space<vmem>> -> memref<1x128xi32, #tpu.memory_space<vmem>>
      %dma_wait3A_292 = tpu.memref_squeeze %dma_wait3A_291 : memref<1x128xi32, #tpu.memory_space<vmem>> -> memref<128xi32, #tpu.memory_space<vmem>>
      %dma_wait3A_293 = arith.constant 0 : i32
      %dma_wait3A_294 = arith.constant 0 : i32
      %dma_wait3A_295 = tpu.memref_slice %arg2[%dma_wait3A_293, %dma_wait3A_294] : memref<10000x32xbf16, #tpu.memory_space<hbm>> -> memref<10000x32xbf16, #tpu.memory_space<hbm>>
      tpu.wait_indirect_dma semaphore(%arg14 : memref<!tpu.dma_semaphore, #tpu.memory_space<semaphore_mem>>) src(%dma_wait3A_295 : memref<10000x32xbf16, #tpu.memory_space<hbm>>) dst(%dma_wait3A_289 : memref<128x32xbf16, #tpu.memory_space<vmem>>)
      %add3A_296 = arith.constant 2 : i32
      %add3A_297 = arith.addi %add3A_269, %add3A_296 : i32
      %dma_wait3A_298 = arith.constant 2 : i32
      %dma_wait3A_299 = arith.constant 0 : i32
      %dma_wait3A_300 = arith.constant 0 : i32
      %dma_wait3A_301 = tpu.memref_slice %arg10[%dma_wait3A_298, %dma_wait3A_299, %dma_wait3A_300] : memref<4x128x32xbf16, #tpu.memory_space<vmem>> -> memref<1x128x32xbf16, #tpu.memory_space<vmem>>
      %dma_wait3A_302 = tpu.memref_squeeze %dma_wait3A_301 : memref<1x128x32xbf16, #tpu.memory_space<vmem>> -> memref<128x32xbf16, #tpu.memory_space<vmem>>
      %dma_wait3A_303 = arith.constant 0 : i32
      %dma_wait3A_304 = tpu.memref_slice %arg7[%add3A_297, %dma_wait3A_303] : memref<80x128xi32, #tpu.memory_space<vmem>> -> memref<1x128xi32, #tpu.memory_space<vmem>>
      %dma_wait3A_305 = tpu.memref_squeeze %dma_wait3A_304 : memref<1x128xi32, #tpu.memory_space<vmem>> -> memref<128xi32, #tpu.memory_space<vmem>>
      %dma_wait3A_306 = arith.constant 0 : i32
      %dma_wait3A_307 = arith.constant 0 : i32
      %dma_wait3A_308 = tpu.memref_slice %arg2[%dma_wait3A_306, %dma_wait3A_307] : memref<10000x32xbf16, #tpu.memory_space<hbm>> -> memref<10000x32xbf16, #tpu.memory_space<hbm>>
      tpu.wait_indirect_dma semaphore(%arg14 : memref<!tpu.dma_semaphore, #tpu.memory_space<semaphore_mem>>) src(%dma_wait3A_308 : memref<10000x32xbf16, #tpu.memory_space<hbm>>) dst(%dma_wait3A_302 : memref<128x32xbf16, #tpu.memory_space<vmem>>)
      %add3A_309 = arith.constant 3 : i32
      %add3A_310 = arith.addi %add3A_269, %add3A_309 : i32
      %dma_wait3A_311 = arith.constant 3 : i32
      %dma_wait3A_312 = arith.constant 0 : i32
      %dma_wait3A_313 = arith.constant 0 : i32
      %dma_wait3A_314 = tpu.memref_slice %arg10[%dma_wait3A_311, %dma_wait3A_312, %dma_wait3A_313] : memref<4x128x32xbf16, #tpu.memory_space<vmem>> -> memref<1x128x32xbf16, #tpu.memory_space<vmem>>
      %dma_wait3A_315 = tpu.memref_squeeze %dma_wait3A_314 : memref<1x128x32xbf16, #tpu.memory_space<vmem>> -> memref<128x32xbf16, #tpu.memory_space<vmem>>
      %dma_wait3A_316 = arith.constant 0 : i32
      %dma_wait3A_317 = tpu.memref_slice %arg7[%add3A_310, %dma_wait3A_316] : memref<80x128xi32, #tpu.memory_space<vmem>> -> memref<1x128xi32, #tpu.memory_space<vmem>>
      %dma_wait3A_318 = tpu.memref_squeeze %dma_wait3A_317 : memref<1x128xi32, #tpu.memory_space<vmem>> -> memref<128xi32, #tpu.memory_space<vmem>>
      %dma_wait3A_319 = arith.constant 0 : i32
      %dma_wait3A_320 = arith.constant 0 : i32
      %dma_wait3A_321 = tpu.memref_slice %arg2[%dma_wait3A_319, %dma_wait3A_320] : memref<10000x32xbf16, #tpu.memory_space<hbm>> -> memref<10000x32xbf16, #tpu.memory_space<hbm>>
      tpu.wait_indirect_dma semaphore(%arg14 : memref<!tpu.dma_semaphore, #tpu.memory_space<semaphore_mem>>) src(%dma_wait3A_321 : memref<10000x32xbf16, #tpu.memory_space<hbm>>) dst(%dma_wait3A_315 : memref<128x32xbf16, #tpu.memory_space<vmem>>)
      %add3A_322 = arith.constant 4 : i32
      %add3A_323 = arith.addi %mul3A_132, %add3A_322 : i32
      %add3A_324 = arith.constant 0 : i32
      %add3A_325 = arith.addi %add3A_323, %add3A_324 : i32
      %dma_start3A_326 = arith.constant 0 : i32
      %dma_start3A_327 = arith.constant 0 : i32
      %dma_start3A_328 = arith.constant 0 : i32
      %dma_start3A_329 = tpu.memref_slice %arg10[%dma_start3A_326, %dma_start3A_327, %dma_start3A_328] : memref<4x128x32xbf16, #tpu.memory_space<vmem>> -> memref<1x128x32xbf16, #tpu.memory_space<vmem>>
      %dma_start3A_330 = tpu.memref_squeeze %dma_start3A_329 : memref<1x128x32xbf16, #tpu.memory_space<vmem>> -> memref<128x32xbf16, #tpu.memory_space<vmem>>
      %dma_start3A_331 = arith.constant 0 : i32
      %dma_start3A_332 = tpu.memref_slice %arg8[%add3A_325, %dma_start3A_331] : memref<80x128xi32, #tpu.memory_space<vmem>> -> memref<1x128xi32, #tpu.memory_space<vmem>>
      %dma_start3A_333 = tpu.memref_squeeze %dma_start3A_332 : memref<1x128xi32, #tpu.memory_space<vmem>> -> memref<128xi32, #tpu.memory_space<vmem>>
      %dma_start3A_334 = arith.constant 0 : i32
      %dma_start3A_335 = arith.constant 0 : i32
      %dma_start3A_336 = tpu.memref_slice %arg12[%dma_start3A_334, %dma_start3A_335] : memref<10002x32xbf16, #tpu.memory_space<vmem_shared>> -> memref<10002x32xbf16, #tpu.memory_space<vmem_shared>>
      tpu.enqueue_indirect_dma source(%dma_start3A_330 : memref<128x32xbf16, #tpu.memory_space<vmem>>) target(%dma_start3A_336 : memref<10002x32xbf16, #tpu.memory_space<vmem_shared>>) offsets(%dma_start3A_333 : memref<128xi32, #tpu.memory_space<vmem>>) semaphore(%arg16 : memref<!tpu.dma_semaphore, #tpu.memory_space<semaphore_mem>>) {add = true}
      %add3A_337 = arith.constant 0 : i32
      %add3A_338 = arith.addi %add3A_323, %add3A_337 : i32
      %dma_start3A_339 = arith.constant 0 : i32
      %dma_start3A_340 = tpu.memref_slice %arg8[%add3A_338, %dma_start3A_339] : memref<80x128xi32, #tpu.memory_space<vmem>> -> memref<1x128xi32, #tpu.memory_space<vmem>>
      %dma_start3A_341 = tpu.memref_squeeze %dma_start3A_340 : memref<1x128xi32, #tpu.memory_space<vmem>> -> memref<128xi32, #tpu.memory_space<vmem>>
      %dma_start3A_342 = arith.constant 0 : i32
      %dma_start3A_343 = arith.constant 0 : i32
      %dma_start3A_344 = tpu.memref_slice %arg19[%dma_start3A_342, %dma_start3A_343] : memref<10002x16xbf16, #tpu.memory_space<vmem_shared>> -> memref<10002x16xbf16, #tpu.memory_space<vmem_shared>>
      tpu.enqueue_indirect_dma source(%arg18 : memref<128x16xbf16, #tpu.memory_space<vmem>>) target(%dma_start3A_344 : memref<10002x16xbf16, #tpu.memory_space<vmem_shared>>) offsets(%dma_start3A_341 : memref<128xi32, #tpu.memory_space<vmem>>) semaphore(%arg16 : memref<!tpu.dma_semaphore, #tpu.memory_space<semaphore_mem>>) {add = true}
      %add3A_345 = arith.constant 1 : i32
      %add3A_346 = arith.addi %add3A_323, %add3A_345 : i32
      %dma_start3A_347 = arith.constant 1 : i32
      %dma_start3A_348 = arith.constant 0 : i32
      %dma_start3A_349 = arith.constant 0 : i32
      %dma_start3A_350 = tpu.memref_slice %arg10[%dma_start3A_347, %dma_start3A_348, %dma_start3A_349] : memref<4x128x32xbf16, #tpu.memory_space<vmem>> -> memref<1x128x32xbf16, #tpu.memory_space<vmem>>
      %dma_start3A_351 = tpu.memref_squeeze %dma_start3A_350 : memref<1x128x32xbf16, #tpu.memory_space<vmem>> -> memref<128x32xbf16, #tpu.memory_space<vmem>>
      %dma_start3A_352 = arith.constant 0 : i32
      %dma_start3A_353 = tpu.memref_slice %arg8[%add3A_346, %dma_start3A_352] : memref<80x128xi32, #tpu.memory_space<vmem>> -> memref<1x128xi32, #tpu.memory_space<vmem>>
      %dma_start3A_354 = tpu.memref_squeeze %dma_start3A_353 : memref<1x128xi32, #tpu.memory_space<vmem>> -> memref<128xi32, #tpu.memory_space<vmem>>
      %dma_start3A_355 = arith.constant 0 : i32
      %dma_start3A_356 = arith.constant 0 : i32
      %dma_start3A_357 = tpu.memref_slice %arg12[%dma_start3A_355, %dma_start3A_356] : memref<10002x32xbf16, #tpu.memory_space<vmem_shared>> -> memref<10002x32xbf16, #tpu.memory_space<vmem_shared>>
      tpu.enqueue_indirect_dma source(%dma_start3A_351 : memref<128x32xbf16, #tpu.memory_space<vmem>>) target(%dma_start3A_357 : memref<10002x32xbf16, #tpu.memory_space<vmem_shared>>) offsets(%dma_start3A_354 : memref<128xi32, #tpu.memory_space<vmem>>) semaphore(%arg16 : memref<!tpu.dma_semaphore, #tpu.memory_space<semaphore_mem>>) {add = true}
      %add3A_358 = arith.constant 1 : i32
      %add3A_359 = arith.addi %add3A_323, %add3A_358 : i32
      %dma_start3A_360 = arith.constant 0 : i32
      %dma_start3A_361 = tpu.memref_slice %arg8[%add3A_359, %dma_start3A_360] : memref<80x128xi32, #tpu.memory_space<vmem>> -> memref<1x128xi32, #tpu.memory_space<vmem>>
      %dma_start3A_362 = tpu.memref_squeeze %dma_start3A_361 : memref<1x128xi32, #tpu.memory_space<vmem>> -> memref<128xi32, #tpu.memory_space<vmem>>
      %dma_start3A_363 = arith.constant 0 : i32
      %dma_start3A_364 = arith.constant 0 : i32
      %dma_start3A_365 = tpu.memref_slice %arg19[%dma_start3A_363, %dma_start3A_364] : memref<10002x16xbf16, #tpu.memory_space<vmem_shared>> -> memref<10002x16xbf16, #tpu.memory_space<vmem_shared>>
      tpu.enqueue_indirect_dma source(%arg18 : memref<128x16xbf16, #tpu.memory_space<vmem>>) target(%dma_start3A_365 : memref<10002x16xbf16, #tpu.memory_space<vmem_shared>>) offsets(%dma_start3A_362 : memref<128xi32, #tpu.memory_space<vmem>>) semaphore(%arg16 : memref<!tpu.dma_semaphore, #tpu.memory_space<semaphore_mem>>) {add = true}
      %add3A_366 = arith.constant 2 : i32
      %add3A_367 = arith.addi %add3A_323, %add3A_366 : i32
      %dma_start3A_368 = arith.constant 2 : i32
      %dma_start3A_369 = arith.constant 0 : i32
      %dma_start3A_370 = arith.constant 0 : i32
      %dma_start3A_371 = tpu.memref_slice %arg10[%dma_start3A_368, %dma_start3A_369, %dma_start3A_370] : memref<4x128x32xbf16, #tpu.memory_space<vmem>> -> memref<1x128x32xbf16, #tpu.memory_space<vmem>>
      %dma_start3A_372 = tpu.memref_squeeze %dma_start3A_371 : memref<1x128x32xbf16, #tpu.memory_space<vmem>> -> memref<128x32xbf16, #tpu.memory_space<vmem>>
      %dma_start3A_373 = arith.constant 0 : i32
      %dma_start3A_374 = tpu.memref_slice %arg8[%add3A_367, %dma_start3A_373] : memref<80x128xi32, #tpu.memory_space<vmem>> -> memref<1x128xi32, #tpu.memory_space<vmem>>
      %dma_start3A_375 = tpu.memref_squeeze %dma_start3A_374 : memref<1x128xi32, #tpu.memory_space<vmem>> -> memref<128xi32, #tpu.memory_space<vmem>>
      %dma_start3A_376 = arith.constant 0 : i32
      %dma_start3A_377 = arith.constant 0 : i32
      %dma_start3A_378 = tpu.memref_slice %arg12[%dma_start3A_376, %dma_start3A_377] : memref<10002x32xbf16, #tpu.memory_space<vmem_shared>> -> memref<10002x32xbf16, #tpu.memory_space<vmem_shared>>
      tpu.enqueue_indirect_dma source(%dma_start3A_372 : memref<128x32xbf16, #tpu.memory_space<vmem>>) target(%dma_start3A_378 : memref<10002x32xbf16, #tpu.memory_space<vmem_shared>>) offsets(%dma_start3A_375 : memref<128xi32, #tpu.memory_space<vmem>>) semaphore(%arg16 : memref<!tpu.dma_semaphore, #tpu.memory_space<semaphore_mem>>) {add = true}
      %add3A_379 = arith.constant 2 : i32
      %add3A_380 = arith.addi %add3A_323, %add3A_379 : i32
      %dma_start3A_381 = arith.constant 0 : i32
      %dma_start3A_382 = tpu.memref_slice %arg8[%add3A_380, %dma_start3A_381] : memref<80x128xi32, #tpu.memory_space<vmem>> -> memref<1x128xi32, #tpu.memory_space<vmem>>
      %dma_start3A_383 = tpu.memref_squeeze %dma_start3A_382 : memref<1x128xi32, #tpu.memory_space<vmem>> -> memref<128xi32, #tpu.memory_space<vmem>>
      %dma_start3A_384 = arith.constant 0 : i32
      %dma_start3A_385 = arith.constant 0 : i32
      %dma_start3A_386 = tpu.memref_slice %arg19[%dma_start3A_384, %dma_start3A_385] : memref<10002x16xbf16, #tpu.memory_space<vmem_shared>> -> memref<10002x16xbf16, #tpu.memory_space<vmem_shared>>
      tpu.enqueue_indirect_dma source(%arg18 : memref<128x16xbf16, #tpu.memory_space<vmem>>) target(%dma_start3A_386 : memref<10002x16xbf16, #tpu.memory_space<vmem_shared>>) offsets(%dma_start3A_383 : memref<128xi32, #tpu.memory_space<vmem>>) semaphore(%arg16 : memref<!tpu.dma_semaphore, #tpu.memory_space<semaphore_mem>>) {add = true}
      %add3A_387 = arith.constant 3 : i32
      %add3A_388 = arith.addi %add3A_323, %add3A_387 : i32
      %dma_start3A_389 = arith.constant 3 : i32
      %dma_start3A_390 = arith.constant 0 : i32
      %dma_start3A_391 = arith.constant 0 : i32
      %dma_start3A_392 = tpu.memref_slice %arg10[%dma_start3A_389, %dma_start3A_390, %dma_start3A_391] : memref<4x128x32xbf16, #tpu.memory_space<vmem>> -> memref<1x128x32xbf16, #tpu.memory_space<vmem>>
      %dma_start3A_393 = tpu.memref_squeeze %dma_start3A_392 : memref<1x128x32xbf16, #tpu.memory_space<vmem>> -> memref<128x32xbf16, #tpu.memory_space<vmem>>
      %dma_start3A_394 = arith.constant 0 : i32
      %dma_start3A_395 = tpu.memref_slice %arg8[%add3A_388, %dma_start3A_394] : memref<80x128xi32, #tpu.memory_space<vmem>> -> memref<1x128xi32, #tpu.memory_space<vmem>>
      %dma_start3A_396 = tpu.memref_squeeze %dma_start3A_395 : memref<1x128xi32, #tpu.memory_space<vmem>> -> memref<128xi32, #tpu.memory_space<vmem>>
      %dma_start3A_397 = arith.constant 0 : i32
      %dma_start3A_398 = arith.constant 0 : i32
      %dma_start3A_399 = tpu.memref_slice %arg12[%dma_start3A_397, %dma_start3A_398] : memref<10002x32xbf16, #tpu.memory_space<vmem_shared>> -> memref<10002x32xbf16, #tpu.memory_space<vmem_shared>>
      tpu.enqueue_indirect_dma source(%dma_start3A_393 : memref<128x32xbf16, #tpu.memory_space<vmem>>) target(%dma_start3A_399 : memref<10002x32xbf16, #tpu.memory_space<vmem_shared>>) offsets(%dma_start3A_396 : memref<128xi32, #tpu.memory_space<vmem>>) semaphore(%arg16 : memref<!tpu.dma_semaphore, #tpu.memory_space<semaphore_mem>>) {add = true}
      %add3A_400 = arith.constant 3 : i32
      %add3A_401 = arith.addi %add3A_323, %add3A_400 : i32
      %dma_start3A_402 = arith.constant 0 : i32
      %dma_start3A_403 = tpu.memref_slice %arg8[%add3A_401, %dma_start3A_402] : memref<80x128xi32, #tpu.memory_space<vmem>> -> memref<1x128xi32, #tpu.memory_space<vmem>>
      %dma_start3A_404 = tpu.memref_squeeze %dma_start3A_403 : memref<1x128xi32, #tpu.memory_space<vmem>> -> memref<128xi32, #tpu.memory_space<vmem>>
      %dma_start3A_405 = arith.constant 0 : i32
      %dma_start3A_406 = arith.constant 0 : i32
      %dma_start3A_407 = tpu.memref_slice %arg19[%dma_start3A_405, %dma_start3A_406] : memref<10002x16xbf16, #tpu.memory_space<vmem_shared>> -> memref<10002x16xbf16, #tpu.memory_space<vmem_shared>>
      tpu.enqueue_indirect_dma source(%arg18 : memref<128x16xbf16, #tpu.memory_space<vmem>>) target(%dma_start3A_407 : memref<10002x16xbf16, #tpu.memory_space<vmem_shared>>) offsets(%dma_start3A_404 : memref<128xi32, #tpu.memory_space<vmem>>) semaphore(%arg16 : memref<!tpu.dma_semaphore, #tpu.memory_space<semaphore_mem>>) {add = true}
      %add3A_408 = arith.constant 0 : i32
      %add3A_409 = arith.addi %mul3A_132, %add3A_408 : i32
      %dma_wait3A_410 = arith.constant 0 : i32
      %dma_wait3A_411 = arith.constant 0 : i32
      %dma_wait3A_412 = arith.constant 0 : i32
      %dma_wait3A_413 = tpu.memref_slice %arg9[%dma_wait3A_410, %dma_wait3A_411, %dma_wait3A_412] : memref<4x128x32xbf16, #tpu.memory_space<vmem>> -> memref<1x128x32xbf16, #tpu.memory_space<vmem>>
      %dma_wait3A_414 = tpu.memref_squeeze %dma_wait3A_413 : memref<1x128x32xbf16, #tpu.memory_space<vmem>> -> memref<128x32xbf16, #tpu.memory_space<vmem>>
      %dma_wait3A_415 = arith.constant 0 : i32
      %dma_wait3A_416 = tpu.memref_slice %arg8[%add3A_409, %dma_wait3A_415] : memref<80x128xi32, #tpu.memory_space<vmem>> -> memref<1x128xi32, #tpu.memory_space<vmem>>
      %dma_wait3A_417 = tpu.memref_squeeze %dma_wait3A_416 : memref<1x128xi32, #tpu.memory_space<vmem>> -> memref<128xi32, #tpu.memory_space<vmem>>
      %dma_wait3A_418 = arith.constant 0 : i32
      %dma_wait3A_419 = arith.constant 0 : i32
      %dma_wait3A_420 = tpu.memref_slice %arg12[%dma_wait3A_418, %dma_wait3A_419] : memref<10002x32xbf16, #tpu.memory_space<vmem_shared>> -> memref<10002x32xbf16, #tpu.memory_space<vmem_shared>>
      tpu.wait_indirect_dma semaphore(%arg15 : memref<!tpu.dma_semaphore, #tpu.memory_space<semaphore_mem>>) src(%dma_wait3A_414 : memref<128x32xbf16, #tpu.memory_space<vmem>>) dst(%dma_wait3A_420 : memref<10002x32xbf16, #tpu.memory_space<vmem_shared>>)
      %add3A_421 = arith.constant 0 : i32
      %add3A_422 = arith.addi %mul3A_132, %add3A_421 : i32
      %dma_wait3A_423 = arith.constant 0 : i32
      %dma_wait3A_424 = tpu.memref_slice %arg8[%add3A_422, %dma_wait3A_423] : memref<80x128xi32, #tpu.memory_space<vmem>> -> memref<1x128xi32, #tpu.memory_space<vmem>>
      %dma_wait3A_425 = tpu.memref_squeeze %dma_wait3A_424 : memref<1x128xi32, #tpu.memory_space<vmem>> -> memref<128xi32, #tpu.memory_space<vmem>>
      %dma_wait3A_426 = arith.constant 0 : i32
      %dma_wait3A_427 = arith.constant 0 : i32
      %dma_wait3A_428 = tpu.memref_slice %arg19[%dma_wait3A_426, %dma_wait3A_427] : memref<10002x16xbf16, #tpu.memory_space<vmem_shared>> -> memref<10002x16xbf16, #tpu.memory_space<vmem_shared>>
      tpu.wait_indirect_dma semaphore(%arg15 : memref<!tpu.dma_semaphore, #tpu.memory_space<semaphore_mem>>) src(%arg18 : memref<128x16xbf16, #tpu.memory_space<vmem>>) dst(%dma_wait3A_428 : memref<10002x16xbf16, #tpu.memory_space<vmem_shared>>)
      %add3A_429 = arith.constant 1 : i32
      %add3A_430 = arith.addi %mul3A_132, %add3A_429 : i32
      %dma_wait3A_431 = arith.constant 1 : i32
      %dma_wait3A_432 = arith.constant 0 : i32
      %dma_wait3A_433 = arith.constant 0 : i32
      %dma_wait3A_434 = tpu.memref_slice %arg9[%dma_wait3A_431, %dma_wait3A_432, %dma_wait3A_433] : memref<4x128x32xbf16, #tpu.memory_space<vmem>> -> memref<1x128x32xbf16, #tpu.memory_space<vmem>>
      %dma_wait3A_435 = tpu.memref_squeeze %dma_wait3A_434 : memref<1x128x32xbf16, #tpu.memory_space<vmem>> -> memref<128x32xbf16, #tpu.memory_space<vmem>>
      %dma_wait3A_436 = arith.constant 0 : i32
      %dma_wait3A_437 = tpu.memref_slice %arg8[%add3A_430, %dma_wait3A_436] : memref<80x128xi32, #tpu.memory_space<vmem>> -> memref<1x128xi32, #tpu.memory_space<vmem>>
      %dma_wait3A_438 = tpu.memref_squeeze %dma_wait3A_437 : memref<1x128xi32, #tpu.memory_space<vmem>> -> memref<128xi32, #tpu.memory_space<vmem>>
      %dma_wait3A_439 = arith.constant 0 : i32
      %dma_wait3A_440 = arith.constant 0 : i32
      %dma_wait3A_441 = tpu.memref_slice %arg12[%dma_wait3A_439, %dma_wait3A_440] : memref<10002x32xbf16, #tpu.memory_space<vmem_shared>> -> memref<10002x32xbf16, #tpu.memory_space<vmem_shared>>
      tpu.wait_indirect_dma semaphore(%arg15 : memref<!tpu.dma_semaphore, #tpu.memory_space<semaphore_mem>>) src(%dma_wait3A_435 : memref<128x32xbf16, #tpu.memory_space<vmem>>) dst(%dma_wait3A_441 : memref<10002x32xbf16, #tpu.memory_space<vmem_shared>>)
      %add3A_442 = arith.constant 1 : i32
      %add3A_443 = arith.addi %mul3A_132, %add3A_442 : i32
      %dma_wait3A_444 = arith.constant 0 : i32
      %dma_wait3A_445 = tpu.memref_slice %arg8[%add3A_443, %dma_wait3A_444] : memref<80x128xi32, #tpu.memory_space<vmem>> -> memref<1x128xi32, #tpu.memory_space<vmem>>
      %dma_wait3A_446 = tpu.memref_squeeze %dma_wait3A_445 : memref<1x128xi32, #tpu.memory_space<vmem>> -> memref<128xi32, #tpu.memory_space<vmem>>
      %dma_wait3A_447 = arith.constant 0 : i32
      %dma_wait3A_448 = arith.constant 0 : i32
      %dma_wait3A_449 = tpu.memref_slice %arg19[%dma_wait3A_447, %dma_wait3A_448] : memref<10002x16xbf16, #tpu.memory_space<vmem_shared>> -> memref<10002x16xbf16, #tpu.memory_space<vmem_shared>>
      tpu.wait_indirect_dma semaphore(%arg15 : memref<!tpu.dma_semaphore, #tpu.memory_space<semaphore_mem>>) src(%arg18 : memref<128x16xbf16, #tpu.memory_space<vmem>>) dst(%dma_wait3A_449 : memref<10002x16xbf16, #tpu.memory_space<vmem_shared>>)
      %add3A_450 = arith.constant 2 : i32
      %add3A_451 = arith.addi %mul3A_132, %add3A_450 : i32
      %dma_wait3A_452 = arith.constant 2 : i32
      %dma_wait3A_453 = arith.constant 0 : i32
      %dma_wait3A_454 = arith.constant 0 : i32
      %dma_wait3A_455 = tpu.memref_slice %arg9[%dma_wait3A_452, %dma_wait3A_453, %dma_wait3A_454] : memref<4x128x32xbf16, #tpu.memory_space<vmem>> -> memref<1x128x32xbf16, #tpu.memory_space<vmem>>
      %dma_wait3A_456 = tpu.memref_squeeze %dma_wait3A_455 : memref<1x128x32xbf16, #tpu.memory_space<vmem>> -> memref<128x32xbf16, #tpu.memory_space<vmem>>
      %dma_wait3A_457 = arith.constant 0 : i32
      %dma_wait3A_458 = tpu.memref_slice %arg8[%add3A_451, %dma_wait3A_457] : memref<80x128xi32, #tpu.memory_space<vmem>> -> memref<1x128xi32, #tpu.memory_space<vmem>>
      %dma_wait3A_459 = tpu.memref_squeeze %dma_wait3A_458 : memref<1x128xi32, #tpu.memory_space<vmem>> -> memref<128xi32, #tpu.memory_space<vmem>>
      %dma_wait3A_460 = arith.constant 0 : i32
      %dma_wait3A_461 = arith.constant 0 : i32
      %dma_wait3A_462 = tpu.memref_slice %arg12[%dma_wait3A_460, %dma_wait3A_461] : memref<10002x32xbf16, #tpu.memory_space<vmem_shared>> -> memref<10002x32xbf16, #tpu.memory_space<vmem_shared>>
      tpu.wait_indirect_dma semaphore(%arg15 : memref<!tpu.dma_semaphore, #tpu.memory_space<semaphore_mem>>) src(%dma_wait3A_456 : memref<128x32xbf16, #tpu.memory_space<vmem>>) dst(%dma_wait3A_462 : memref<10002x32xbf16, #tpu.memory_space<vmem_shared>>)
      %add3A_463 = arith.constant 2 : i32
      %add3A_464 = arith.addi %mul3A_132, %add3A_463 : i32
      %dma_wait3A_465 = arith.constant 0 : i32
      %dma_wait3A_466 = tpu.memref_slice %arg8[%add3A_464, %dma_wait3A_465] : memref<80x128xi32, #tpu.memory_space<vmem>> -> memref<1x128xi32, #tpu.memory_space<vmem>>
      %dma_wait3A_467 = tpu.memref_squeeze %dma_wait3A_466 : memref<1x128xi32, #tpu.memory_space<vmem>> -> memref<128xi32, #tpu.memory_space<vmem>>
      %dma_wait3A_468 = arith.constant 0 : i32
      %dma_wait3A_469 = arith.constant 0 : i32
      %dma_wait3A_470 = tpu.memref_slice %arg19[%dma_wait3A_468, %dma_wait3A_469] : memref<10002x16xbf16, #tpu.memory_space<vmem_shared>> -> memref<10002x16xbf16, #tpu.memory_space<vmem_shared>>
      tpu.wait_indirect_dma semaphore(%arg15 : memref<!tpu.dma_semaphore, #tpu.memory_space<semaphore_mem>>) src(%arg18 : memref<128x16xbf16, #tpu.memory_space<vmem>>) dst(%dma_wait3A_470 : memref<10002x16xbf16, #tpu.memory_space<vmem_shared>>)
      %add3A_471 = arith.constant 3 : i32
      %add3A_472 = arith.addi %mul3A_132, %add3A_471 : i32
      %dma_wait3A_473 = arith.constant 3 : i32
      %dma_wait3A_474 = arith.constant 0 : i32
      %dma_wait3A_475 = arith.constant 0 : i32
      %dma_wait3A_476 = tpu.memref_slice %arg9[%dma_wait3A_473, %dma_wait3A_474, %dma_wait3A_475] : memref<4x128x32xbf16, #tpu.memory_space<vmem>> -> memref<1x128x32xbf16, #tpu.memory_space<vmem>>
      %dma_wait3A_477 = tpu.memref_squeeze %dma_wait3A_476 : memref<1x128x32xbf16, #tpu.memory_space<vmem>> -> memref<128x32xbf16, #tpu.memory_space<vmem>>
      %dma_wait3A_478 = arith.constant 0 : i32
      %dma_wait3A_479 = tpu.memref_slice %arg8[%add3A_472, %dma_wait3A_478] : memref<80x128xi32, #tpu.memory_space<vmem>> -> memref<1x128xi32, #tpu.memory_space<vmem>>
      %dma_wait3A_480 = tpu.memref_squeeze %dma_wait3A_479 : memref<1x128xi32, #tpu.memory_space<vmem>> -> memref<128xi32, #tpu.memory_space<vmem>>
      %dma_wait3A_481 = arith.constant 0 : i32
      %dma_wait3A_482 = arith.constant 0 : i32
      %dma_wait3A_483 = tpu.memref_slice %arg12[%dma_wait3A_481, %dma_wait3A_482] : memref<10002x32xbf16, #tpu.memory_space<vmem_shared>> -> memref<10002x32xbf16, #tpu.memory_space<vmem_shared>>
      tpu.wait_indirect_dma semaphore(%arg15 : memref<!tpu.dma_semaphore, #tpu.memory_space<semaphore_mem>>) src(%dma_wait3A_477 : memref<128x32xbf16, #tpu.memory_space<vmem>>) dst(%dma_wait3A_483 : memref<10002x32xbf16, #tpu.memory_space<vmem_shared>>)
      %add3A_484 = arith.constant 3 : i32
      %add3A_485 = arith.addi %mul3A_132, %add3A_484 : i32
      %dma_wait3A_486 = arith.constant 0 : i32
      %dma_wait3A_487 = tpu.memref_slice %arg8[%add3A_485, %dma_wait3A_486] : memref<80x128xi32, #tpu.memory_space<vmem>> -> memref<1x128xi32, #tpu.memory_space<vmem>>
      %dma_wait3A_488 = tpu.memref_squeeze %dma_wait3A_487 : memref<1x128xi32, #tpu.memory_space<vmem>> -> memref<128xi32, #tpu.memory_space<vmem>>
      %dma_wait3A_489 = arith.constant 0 : i32
      %dma_wait3A_490 = arith.constant 0 : i32
      %dma_wait3A_491 = tpu.memref_slice %arg19[%dma_wait3A_489, %dma_wait3A_490] : memref<10002x16xbf16, #tpu.memory_space<vmem_shared>> -> memref<10002x16xbf16, #tpu.memory_space<vmem_shared>>
      tpu.wait_indirect_dma semaphore(%arg15 : memref<!tpu.dma_semaphore, #tpu.memory_space<semaphore_mem>>) src(%arg18 : memref<128x16xbf16, #tpu.memory_space<vmem>>) dst(%dma_wait3A_491 : memref<10002x16xbf16, #tpu.memory_space<vmem_shared>>)
      %lt3A_492 = arith.constant 9 : i32
      %lt3A_493 = arith.cmpi slt, %scan3A_128, %lt3A_492 : i32
      %convert_element_type3A_494 = arith.extui %lt3A_493 : i1 to i32
      %cond3A_495 = arith.constant 0 : i32
      %cond3A_496 = arith.cmpi ne, %convert_element_type3A_494, %cond3A_495 : i32
      scf.if %cond3A_496 {
        %add3A_588 = arith.constant 8 : i32
        %add3A_589 = arith.addi %mul3A_132, %add3A_588 : i32
        %add3A_590 = arith.constant 0 : i32
        %add3A_591 = arith.addi %add3A_589, %add3A_590 : i32
        %dma_start3A_592 = arith.constant 0 : i32
        %dma_start3A_593 = arith.constant 0 : i32
        %dma_start3A_594 = arith.constant 0 : i32
        %dma_start3A_595 = tpu.memref_slice %arg9[%dma_start3A_592, %dma_start3A_593, %dma_start3A_594] : memref<4x128x32xbf16, #tpu.memory_space<vmem>> -> memref<1x128x32xbf16, #tpu.memory_space<vmem>>
        %dma_start3A_596 = tpu.memref_squeeze %dma_start3A_595 : memref<1x128x32xbf16, #tpu.memory_space<vmem>> -> memref<128x32xbf16, #tpu.memory_space<vmem>>
        %dma_start3A_597 = arith.constant 0 : i32
        %dma_start3A_598 = tpu.memref_slice %arg7[%add3A_591, %dma_start3A_597] : memref<80x128xi32, #tpu.memory_space<vmem>> -> memref<1x128xi32, #tpu.memory_space<vmem>>
        %dma_start3A_599 = tpu.memref_squeeze %dma_start3A_598 : memref<1x128xi32, #tpu.memory_space<vmem>> -> memref<128xi32, #tpu.memory_space<vmem>>
        %dma_start3A_600 = arith.constant 0 : i32
        %dma_start3A_601 = arith.constant 0 : i32
        %dma_start3A_602 = tpu.memref_slice %arg2[%dma_start3A_600, %dma_start3A_601] : memref<10000x32xbf16, #tpu.memory_space<hbm>> -> memref<10000x32xbf16, #tpu.memory_space<hbm>>
        tpu.enqueue_indirect_dma source(%dma_start3A_602 : memref<10000x32xbf16, #tpu.memory_space<hbm>>) target(%dma_start3A_596 : memref<128x32xbf16, #tpu.memory_space<vmem>>) offsets(%dma_start3A_599 : memref<128xi32, #tpu.memory_space<vmem>>) semaphore(%arg13 : memref<!tpu.dma_semaphore, #tpu.memory_space<semaphore_mem>>)
        %add3A_603 = arith.constant 1 : i32
        %add3A_604 = arith.addi %add3A_589, %add3A_603 : i32
        %dma_start3A_605 = arith.constant 1 : i32
        %dma_start3A_606 = arith.constant 0 : i32
        %dma_start3A_607 = arith.constant 0 : i32
        %dma_start3A_608 = tpu.memref_slice %arg9[%dma_start3A_605, %dma_start3A_606, %dma_start3A_607] : memref<4x128x32xbf16, #tpu.memory_space<vmem>> -> memref<1x128x32xbf16, #tpu.memory_space<vmem>>
        %dma_start3A_609 = tpu.memref_squeeze %dma_start3A_608 : memref<1x128x32xbf16, #tpu.memory_space<vmem>> -> memref<128x32xbf16, #tpu.memory_space<vmem>>
        %dma_start3A_610 = arith.constant 0 : i32
        %dma_start3A_611 = tpu.memref_slice %arg7[%add3A_604, %dma_start3A_610] : memref<80x128xi32, #tpu.memory_space<vmem>> -> memref<1x128xi32, #tpu.memory_space<vmem>>
        %dma_start3A_612 = tpu.memref_squeeze %dma_start3A_611 : memref<1x128xi32, #tpu.memory_space<vmem>> -> memref<128xi32, #tpu.memory_space<vmem>>
        %dma_start3A_613 = arith.constant 0 : i32
        %dma_start3A_614 = arith.constant 0 : i32
        %dma_start3A_615 = tpu.memref_slice %arg2[%dma_start3A_613, %dma_start3A_614] : memref<10000x32xbf16, #tpu.memory_space<hbm>> -> memref<10000x32xbf16, #tpu.memory_space<hbm>>
        tpu.enqueue_indirect_dma source(%dma_start3A_615 : memref<10000x32xbf16, #tpu.memory_space<hbm>>) target(%dma_start3A_609 : memref<128x32xbf16, #tpu.memory_space<vmem>>) offsets(%dma_start3A_612 : memref<128xi32, #tpu.memory_space<vmem>>) semaphore(%arg13 : memref<!tpu.dma_semaphore, #tpu.memory_space<semaphore_mem>>)
        %add3A_616 = arith.constant 2 : i32
        %add3A_617 = arith.addi %add3A_589, %add3A_616 : i32
        %dma_start3A_618 = arith.constant 2 : i32
        %dma_start3A_619 = arith.constant 0 : i32
        %dma_start3A_620 = arith.constant 0 : i32
        %dma_start3A_621 = tpu.memref_slice %arg9[%dma_start3A_618, %dma_start3A_619, %dma_start3A_620] : memref<4x128x32xbf16, #tpu.memory_space<vmem>> -> memref<1x128x32xbf16, #tpu.memory_space<vmem>>
        %dma_start3A_622 = tpu.memref_squeeze %dma_start3A_621 : memref<1x128x32xbf16, #tpu.memory_space<vmem>> -> memref<128x32xbf16, #tpu.memory_space<vmem>>
        %dma_start3A_623 = arith.constant 0 : i32
        %dma_start3A_624 = tpu.memref_slice %arg7[%add3A_617, %dma_start3A_623] : memref<80x128xi32, #tpu.memory_space<vmem>> -> memref<1x128xi32, #tpu.memory_space<vmem>>
        %dma_start3A_625 = tpu.memref_squeeze %dma_start3A_624 : memref<1x128xi32, #tpu.memory_space<vmem>> -> memref<128xi32, #tpu.memory_space<vmem>>
        %dma_start3A_626 = arith.constant 0 : i32
        %dma_start3A_627 = arith.constant 0 : i32
        %dma_start3A_628 = tpu.memref_slice %arg2[%dma_start3A_626, %dma_start3A_627] : memref<10000x32xbf16, #tpu.memory_space<hbm>> -> memref<10000x32xbf16, #tpu.memory_space<hbm>>
        tpu.enqueue_indirect_dma source(%dma_start3A_628 : memref<10000x32xbf16, #tpu.memory_space<hbm>>) target(%dma_start3A_622 : memref<128x32xbf16, #tpu.memory_space<vmem>>) offsets(%dma_start3A_625 : memref<128xi32, #tpu.memory_space<vmem>>) semaphore(%arg13 : memref<!tpu.dma_semaphore, #tpu.memory_space<semaphore_mem>>)
        %add3A_629 = arith.constant 3 : i32
        %add3A_630 = arith.addi %add3A_589, %add3A_629 : i32
        %dma_start3A_631 = arith.constant 3 : i32
        %dma_start3A_632 = arith.constant 0 : i32
        %dma_start3A_633 = arith.constant 0 : i32
        %dma_start3A_634 = tpu.memref_slice %arg9[%dma_start3A_631, %dma_start3A_632, %dma_start3A_633] : memref<4x128x32xbf16, #tpu.memory_space<vmem>> -> memref<1x128x32xbf16, #tpu.memory_space<vmem>>
        %dma_start3A_635 = tpu.memref_squeeze %dma_start3A_634 : memref<1x128x32xbf16, #tpu.memory_space<vmem>> -> memref<128x32xbf16, #tpu.memory_space<vmem>>
        %dma_start3A_636 = arith.constant 0 : i32
        %dma_start3A_637 = tpu.memref_slice %arg7[%add3A_630, %dma_start3A_636] : memref<80x128xi32, #tpu.memory_space<vmem>> -> memref<1x128xi32, #tpu.memory_space<vmem>>
        %dma_start3A_638 = tpu.memref_squeeze %dma_start3A_637 : memref<1x128xi32, #tpu.memory_space<vmem>> -> memref<128xi32, #tpu.memory_space<vmem>>
        %dma_start3A_639 = arith.constant 0 : i32
        %dma_start3A_640 = arith.constant 0 : i32
        %dma_start3A_641 = tpu.memref_slice %arg2[%dma_start3A_639, %dma_start3A_640] : memref<10000x32xbf16, #tpu.memory_space<hbm>> -> memref<10000x32xbf16, #tpu.memory_space<hbm>>
        tpu.enqueue_indirect_dma source(%dma_start3A_641 : memref<10000x32xbf16, #tpu.memory_space<hbm>>) target(%dma_start3A_635 : memref<128x32xbf16, #tpu.memory_space<vmem>>) offsets(%dma_start3A_638 : memref<128xi32, #tpu.memory_space<vmem>>) semaphore(%arg13 : memref<!tpu.dma_semaphore, #tpu.memory_space<semaphore_mem>>)
      } else {
      }
      %add3A_497 = arith.constant 4 : i32
      %add3A_498 = arith.addi %mul3A_132, %add3A_497 : i32
      %add3A_499 = arith.constant 0 : i32
      %add3A_500 = arith.addi %add3A_498, %add3A_499 : i32
      %dma_wait3A_501 = arith.constant 0 : i32
      %dma_wait3A_502 = arith.constant 0 : i32
      %dma_wait3A_503 = arith.constant 0 : i32
      %dma_wait3A_504 = tpu.memref_slice %arg10[%dma_wait3A_501, %dma_wait3A_502, %dma_wait3A_503] : memref<4x128x32xbf16, #tpu.memory_space<vmem>> -> memref<1x128x32xbf16, #tpu.memory_space<vmem>>
      %dma_wait3A_505 = tpu.memref_squeeze %dma_wait3A_504 : memref<1x128x32xbf16, #tpu.memory_space<vmem>> -> memref<128x32xbf16, #tpu.memory_space<vmem>>
      %dma_wait3A_506 = arith.constant 0 : i32
      %dma_wait3A_507 = tpu.memref_slice %arg8[%add3A_500, %dma_wait3A_506] : memref<80x128xi32, #tpu.memory_space<vmem>> -> memref<1x128xi32, #tpu.memory_space<vmem>>
      %dma_wait3A_508 = tpu.memref_squeeze %dma_wait3A_507 : memref<1x128xi32, #tpu.memory_space<vmem>> -> memref<128xi32, #tpu.memory_space<vmem>>
      %dma_wait3A_509 = arith.constant 0 : i32
      %dma_wait3A_510 = arith.constant 0 : i32
      %dma_wait3A_511 = tpu.memref_slice %arg12[%dma_wait3A_509, %dma_wait3A_510] : memref<10002x32xbf16, #tpu.memory_space<vmem_shared>> -> memref<10002x32xbf16, #tpu.memory_space<vmem_shared>>
      tpu.wait_indirect_dma semaphore(%arg16 : memref<!tpu.dma_semaphore, #tpu.memory_space<semaphore_mem>>) src(%dma_wait3A_505 : memref<128x32xbf16, #tpu.memory_space<vmem>>) dst(%dma_wait3A_511 : memref<10002x32xbf16, #tpu.memory_space<vmem_shared>>)
      %add3A_512 = arith.constant 0 : i32
      %add3A_513 = arith.addi %add3A_498, %add3A_512 : i32
      %dma_wait3A_514 = arith.constant 0 : i32
      %dma_wait3A_515 = tpu.memref_slice %arg8[%add3A_513, %dma_wait3A_514] : memref<80x128xi32, #tpu.memory_space<vmem>> -> memref<1x128xi32, #tpu.memory_space<vmem>>
      %dma_wait3A_516 = tpu.memref_squeeze %dma_wait3A_515 : memref<1x128xi32, #tpu.memory_space<vmem>> -> memref<128xi32, #tpu.memory_space<vmem>>
      %dma_wait3A_517 = arith.constant 0 : i32
      %dma_wait3A_518 = arith.constant 0 : i32
      %dma_wait3A_519 = tpu.memref_slice %arg19[%dma_wait3A_517, %dma_wait3A_518] : memref<10002x16xbf16, #tpu.memory_space<vmem_shared>> -> memref<10002x16xbf16, #tpu.memory_space<vmem_shared>>
      tpu.wait_indirect_dma semaphore(%arg16 : memref<!tpu.dma_semaphore, #tpu.memory_space<semaphore_mem>>) src(%arg18 : memref<128x16xbf16, #tpu.memory_space<vmem>>) dst(%dma_wait3A_519 : memref<10002x16xbf16, #tpu.memory_space<vmem_shared>>)
      %add3A_520 = arith.constant 1 : i32
      %add3A_521 = arith.addi %add3A_498, %add3A_520 : i32
      %dma_wait3A_522 = arith.constant 1 : i32
      %dma_wait3A_523 = arith.constant 0 : i32
      %dma_wait3A_524 = arith.constant 0 : i32
      %dma_wait3A_525 = tpu.memref_slice %arg10[%dma_wait3A_522, %dma_wait3A_523, %dma_wait3A_524] : memref<4x128x32xbf16, #tpu.memory_space<vmem>> -> memref<1x128x32xbf16, #tpu.memory_space<vmem>>
      %dma_wait3A_526 = tpu.memref_squeeze %dma_wait3A_525 : memref<1x128x32xbf16, #tpu.memory_space<vmem>> -> memref<128x32xbf16, #tpu.memory_space<vmem>>
      %dma_wait3A_527 = arith.constant 0 : i32
      %dma_wait3A_528 = tpu.memref_slice %arg8[%add3A_521, %dma_wait3A_527] : memref<80x128xi32, #tpu.memory_space<vmem>> -> memref<1x128xi32, #tpu.memory_space<vmem>>
      %dma_wait3A_529 = tpu.memref_squeeze %dma_wait3A_528 : memref<1x128xi32, #tpu.memory_space<vmem>> -> memref<128xi32, #tpu.memory_space<vmem>>
      %dma_wait3A_530 = arith.constant 0 : i32
      %dma_wait3A_531 = arith.constant 0 : i32
      %dma_wait3A_532 = tpu.memref_slice %arg12[%dma_wait3A_530, %dma_wait3A_531] : memref<10002x32xbf16, #tpu.memory_space<vmem_shared>> -> memref<10002x32xbf16, #tpu.memory_space<vmem_shared>>
      tpu.wait_indirect_dma semaphore(%arg16 : memref<!tpu.dma_semaphore, #tpu.memory_space<semaphore_mem>>) src(%dma_wait3A_526 : memref<128x32xbf16, #tpu.memory_space<vmem>>) dst(%dma_wait3A_532 : memref<10002x32xbf16, #tpu.memory_space<vmem_shared>>)
      %add3A_533 = arith.constant 1 : i32
      %add3A_534 = arith.addi %add3A_498, %add3A_533 : i32
      %dma_wait3A_535 = arith.constant 0 : i32
      %dma_wait3A_536 = tpu.memref_slice %arg8[%add3A_534, %dma_wait3A_535] : memref<80x128xi32, #tpu.memory_space<vmem>> -> memref<1x128xi32, #tpu.memory_space<vmem>>
      %dma_wait3A_537 = tpu.memref_squeeze %dma_wait3A_536 : memref<1x128xi32, #tpu.memory_space<vmem>> -> memref<128xi32, #tpu.memory_space<vmem>>
      %dma_wait3A_538 = arith.constant 0 : i32
      %dma_wait3A_539 = arith.constant 0 : i32
      %dma_wait3A_540 = tpu.memref_slice %arg19[%dma_wait3A_538, %dma_wait3A_539] : memref<10002x16xbf16, #tpu.memory_space<vmem_shared>> -> memref<10002x16xbf16, #tpu.memory_space<vmem_shared>>
      tpu.wait_indirect_dma semaphore(%arg16 : memref<!tpu.dma_semaphore, #tpu.memory_space<semaphore_mem>>) src(%arg18 : memref<128x16xbf16, #tpu.memory_space<vmem>>) dst(%dma_wait3A_540 : memref<10002x16xbf16, #tpu.memory_space<vmem_shared>>)
      %add3A_541 = arith.constant 2 : i32
      %add3A_542 = arith.addi %add3A_498, %add3A_541 : i32
      %dma_wait3A_543 = arith.constant 2 : i32
      %dma_wait3A_544 = arith.constant 0 : i32
      %dma_wait3A_545 = arith.constant 0 : i32
      %dma_wait3A_546 = tpu.memref_slice %arg10[%dma_wait3A_543, %dma_wait3A_544, %dma_wait3A_545] : memref<4x128x32xbf16, #tpu.memory_space<vmem>> -> memref<1x128x32xbf16, #tpu.memory_space<vmem>>
      %dma_wait3A_547 = tpu.memref_squeeze %dma_wait3A_546 : memref<1x128x32xbf16, #tpu.memory_space<vmem>> -> memref<128x32xbf16, #tpu.memory_space<vmem>>
      %dma_wait3A_548 = arith.constant 0 : i32
      %dma_wait3A_549 = tpu.memref_slice %arg8[%add3A_542, %dma_wait3A_548] : memref<80x128xi32, #tpu.memory_space<vmem>> -> memref<1x128xi32, #tpu.memory_space<vmem>>
      %dma_wait3A_550 = tpu.memref_squeeze %dma_wait3A_549 : memref<1x128xi32, #tpu.memory_space<vmem>> -> memref<128xi32, #tpu.memory_space<vmem>>
      %dma_wait3A_551 = arith.constant 0 : i32
      %dma_wait3A_552 = arith.constant 0 : i32
      %dma_wait3A_553 = tpu.memref_slice %arg12[%dma_wait3A_551, %dma_wait3A_552] : memref<10002x32xbf16, #tpu.memory_space<vmem_shared>> -> memref<10002x32xbf16, #tpu.memory_space<vmem_shared>>
      tpu.wait_indirect_dma semaphore(%arg16 : memref<!tpu.dma_semaphore, #tpu.memory_space<semaphore_mem>>) src(%dma_wait3A_547 : memref<128x32xbf16, #tpu.memory_space<vmem>>) dst(%dma_wait3A_553 : memref<10002x32xbf16, #tpu.memory_space<vmem_shared>>)
      %add3A_554 = arith.constant 2 : i32
      %add3A_555 = arith.addi %add3A_498, %add3A_554 : i32
      %dma_wait3A_556 = arith.constant 0 : i32
      %dma_wait3A_557 = tpu.memref_slice %arg8[%add3A_555, %dma_wait3A_556] : memref<80x128xi32, #tpu.memory_space<vmem>> -> memref<1x128xi32, #tpu.memory_space<vmem>>
      %dma_wait3A_558 = tpu.memref_squeeze %dma_wait3A_557 : memref<1x128xi32, #tpu.memory_space<vmem>> -> memref<128xi32, #tpu.memory_space<vmem>>
      %dma_wait3A_559 = arith.constant 0 : i32
      %dma_wait3A_560 = arith.constant 0 : i32
      %dma_wait3A_561 = tpu.memref_slice %arg19[%dma_wait3A_559, %dma_wait3A_560] : memref<10002x16xbf16, #tpu.memory_space<vmem_shared>> -> memref<10002x16xbf16, #tpu.memory_space<vmem_shared>>
      tpu.wait_indirect_dma semaphore(%arg16 : memref<!tpu.dma_semaphore, #tpu.memory_space<semaphore_mem>>) src(%arg18 : memref<128x16xbf16, #tpu.memory_space<vmem>>) dst(%dma_wait3A_561 : memref<10002x16xbf16, #tpu.memory_space<vmem_shared>>)
      %add3A_562 = arith.constant 3 : i32
      %add3A_563 = arith.addi %add3A_498, %add3A_562 : i32
      %dma_wait3A_564 = arith.constant 3 : i32
      %dma_wait3A_565 = arith.constant 0 : i32
      %dma_wait3A_566 = arith.constant 0 : i32
      %dma_wait3A_567 = tpu.memref_slice %arg10[%dma_wait3A_564, %dma_wait3A_565, %dma_wait3A_566] : memref<4x128x32xbf16, #tpu.memory_space<vmem>> -> memref<1x128x32xbf16, #tpu.memory_space<vmem>>
      %dma_wait3A_568 = tpu.memref_squeeze %dma_wait3A_567 : memref<1x128x32xbf16, #tpu.memory_space<vmem>> -> memref<128x32xbf16, #tpu.memory_space<vmem>>
      %dma_wait3A_569 = arith.constant 0 : i32
      %dma_wait3A_570 = tpu.memref_slice %arg8[%add3A_563, %dma_wait3A_569] : memref<80x128xi32, #tpu.memory_space<vmem>> -> memref<1x128xi32, #tpu.memory_space<vmem>>
      %dma_wait3A_571 = tpu.memref_squeeze %dma_wait3A_570 : memref<1x128xi32, #tpu.memory_space<vmem>> -> memref<128xi32, #tpu.memory_space<vmem>>
      %dma_wait3A_572 = arith.constant 0 : i32
      %dma_wait3A_573 = arith.constant 0 : i32
      %dma_wait3A_574 = tpu.memref_slice %arg12[%dma_wait3A_572, %dma_wait3A_573] : memref<10002x32xbf16, #tpu.memory_space<vmem_shared>> -> memref<10002x32xbf16, #tpu.memory_space<vmem_shared>>
      tpu.wait_indirect_dma semaphore(%arg16 : memref<!tpu.dma_semaphore, #tpu.memory_space<semaphore_mem>>) src(%dma_wait3A_568 : memref<128x32xbf16, #tpu.memory_space<vmem>>) dst(%dma_wait3A_574 : memref<10002x32xbf16, #tpu.memory_space<vmem_shared>>)
      %add3A_575 = arith.constant 3 : i32
      %add3A_576 = arith.addi %add3A_498, %add3A_575 : i32
      %dma_wait3A_577 = arith.constant 0 : i32
      %dma_wait3A_578 = tpu.memref_slice %arg8[%add3A_576, %dma_wait3A_577] : memref<80x128xi32, #tpu.memory_space<vmem>> -> memref<1x128xi32, #tpu.memory_space<vmem>>
      %dma_wait3A_579 = tpu.memref_squeeze %dma_wait3A_578 : memref<1x128xi32, #tpu.memory_space<vmem>> -> memref<128xi32, #tpu.memory_space<vmem>>
      %dma_wait3A_580 = arith.constant 0 : i32
      %dma_wait3A_581 = arith.constant 0 : i32
      %dma_wait3A_582 = tpu.memref_slice %arg19[%dma_wait3A_580, %dma_wait3A_581] : memref<10002x16xbf16, #tpu.memory_space<vmem_shared>> -> memref<10002x16xbf16, #tpu.memory_space<vmem_shared>>
      tpu.wait_indirect_dma semaphore(%arg16 : memref<!tpu.dma_semaphore, #tpu.memory_space<semaphore_mem>>) src(%arg18 : memref<128x16xbf16, #tpu.memory_space<vmem>>) dst(%dma_wait3A_582 : memref<10002x16xbf16, #tpu.memory_space<vmem_shared>>)
      %lt3A_583 = arith.constant 9 : i32
      %lt3A_584 = arith.cmpi slt, %scan3A_128, %lt3A_583 : i32
      %convert_element_type3A_585 = arith.extui %lt3A_584 : i1 to i32
      %cond3A_586 = arith.constant 0 : i32
      %cond3A_587 = arith.cmpi ne, %convert_element_type3A_585, %cond3A_586 : i32
      scf.if %cond3A_587 {
        %add3A_588 = arith.constant 12 : i32
        %add3A_589 = arith.addi %mul3A_132, %add3A_588 : i32
        %add3A_590 = arith.constant 0 : i32
        %add3A_591 = arith.addi %add3A_589, %add3A_590 : i32
        %dma_start3A_592 = arith.constant 0 : i32
        %dma_start3A_593 = arith.constant 0 : i32
        %dma_start3A_594 = arith.constant 0 : i32
        %dma_start3A_595 = tpu.memref_slice %arg10[%dma_start3A_592, %dma_start3A_593, %dma_start3A_594] : memref<4x128x32xbf16, #tpu.memory_space<vmem>> -> memref<1x128x32xbf16, #tpu.memory_space<vmem>>
        %dma_start3A_596 = tpu.memref_squeeze %dma_start3A_595 : memref<1x128x32xbf16, #tpu.memory_space<vmem>> -> memref<128x32xbf16, #tpu.memory_space<vmem>>
        %dma_start3A_597 = arith.constant 0 : i32
        %dma_start3A_598 = tpu.memref_slice %arg7[%add3A_591, %dma_start3A_597] : memref<80x128xi32, #tpu.memory_space<vmem>> -> memref<1x128xi32, #tpu.memory_space<vmem>>
        %dma_start3A_599 = tpu.memref_squeeze %dma_start3A_598 : memref<1x128xi32, #tpu.memory_space<vmem>> -> memref<128xi32, #tpu.memory_space<vmem>>
        %dma_start3A_600 = arith.constant 0 : i32
        %dma_start3A_601 = arith.constant 0 : i32
        %dma_start3A_602 = tpu.memref_slice %arg2[%dma_start3A_600, %dma_start3A_601] : memref<10000x32xbf16, #tpu.memory_space<hbm>> -> memref<10000x32xbf16, #tpu.memory_space<hbm>>
        tpu.enqueue_indirect_dma source(%dma_start3A_602 : memref<10000x32xbf16, #tpu.memory_space<hbm>>) target(%dma_start3A_596 : memref<128x32xbf16, #tpu.memory_space<vmem>>) offsets(%dma_start3A_599 : memref<128xi32, #tpu.memory_space<vmem>>) semaphore(%arg14 : memref<!tpu.dma_semaphore, #tpu.memory_space<semaphore_mem>>)
        %add3A_603 = arith.constant 1 : i32
        %add3A_604 = arith.addi %add3A_589, %add3A_603 : i32
        %dma_start3A_605 = arith.constant 1 : i32
        %dma_start3A_606 = arith.constant 0 : i32
        %dma_start3A_607 = arith.constant 0 : i32
        %dma_start3A_608 = tpu.memref_slice %arg10[%dma_start3A_605, %dma_start3A_606, %dma_start3A_607] : memref<4x128x32xbf16, #tpu.memory_space<vmem>> -> memref<1x128x32xbf16, #tpu.memory_space<vmem>>
        %dma_start3A_609 = tpu.memref_squeeze %dma_start3A_608 : memref<1x128x32xbf16, #tpu.memory_space<vmem>> -> memref<128x32xbf16, #tpu.memory_space<vmem>>
        %dma_start3A_610 = arith.constant 0 : i32
        %dma_start3A_611 = tpu.memref_slice %arg7[%add3A_604, %dma_start3A_610] : memref<80x128xi32, #tpu.memory_space<vmem>> -> memref<1x128xi32, #tpu.memory_space<vmem>>
        %dma_start3A_612 = tpu.memref_squeeze %dma_start3A_611 : memref<1x128xi32, #tpu.memory_space<vmem>> -> memref<128xi32, #tpu.memory_space<vmem>>
        %dma_start3A_613 = arith.constant 0 : i32
        %dma_start3A_614 = arith.constant 0 : i32
        %dma_start3A_615 = tpu.memref_slice %arg2[%dma_start3A_613, %dma_start3A_614] : memref<10000x32xbf16, #tpu.memory_space<hbm>> -> memref<10000x32xbf16, #tpu.memory_space<hbm>>
        tpu.enqueue_indirect_dma source(%dma_start3A_615 : memref<10000x32xbf16, #tpu.memory_space<hbm>>) target(%dma_start3A_609 : memref<128x32xbf16, #tpu.memory_space<vmem>>) offsets(%dma_start3A_612 : memref<128xi32, #tpu.memory_space<vmem>>) semaphore(%arg14 : memref<!tpu.dma_semaphore, #tpu.memory_space<semaphore_mem>>)
        %add3A_616 = arith.constant 2 : i32
        %add3A_617 = arith.addi %add3A_589, %add3A_616 : i32
        %dma_start3A_618 = arith.constant 2 : i32
        %dma_start3A_619 = arith.constant 0 : i32
        %dma_start3A_620 = arith.constant 0 : i32
        %dma_start3A_621 = tpu.memref_slice %arg10[%dma_start3A_618, %dma_start3A_619, %dma_start3A_620] : memref<4x128x32xbf16, #tpu.memory_space<vmem>> -> memref<1x128x32xbf16, #tpu.memory_space<vmem>>
        %dma_start3A_622 = tpu.memref_squeeze %dma_start3A_621 : memref<1x128x32xbf16, #tpu.memory_space<vmem>> -> memref<128x32xbf16, #tpu.memory_space<vmem>>
        %dma_start3A_623 = arith.constant 0 : i32
        %dma_start3A_624 = tpu.memref_slice %arg7[%add3A_617, %dma_start3A_623] : memref<80x128xi32, #tpu.memory_space<vmem>> -> memref<1x128xi32, #tpu.memory_space<vmem>>
        %dma_start3A_625 = tpu.memref_squeeze %dma_start3A_624 : memref<1x128xi32, #tpu.memory_space<vmem>> -> memref<128xi32, #tpu.memory_space<vmem>>
        %dma_start3A_626 = arith.constant 0 : i32
        %dma_start3A_627 = arith.constant 0 : i32
        %dma_start3A_628 = tpu.memref_slice %arg2[%dma_start3A_626, %dma_start3A_627] : memref<10000x32xbf16, #tpu.memory_space<hbm>> -> memref<10000x32xbf16, #tpu.memory_space<hbm>>
        tpu.enqueue_indirect_dma source(%dma_start3A_628 : memref<10000x32xbf16, #tpu.memory_space<hbm>>) target(%dma_start3A_622 : memref<128x32xbf16, #tpu.memory_space<vmem>>) offsets(%dma_start3A_625 : memref<128xi32, #tpu.memory_space<vmem>>) semaphore(%arg14 : memref<!tpu.dma_semaphore, #tpu.memory_space<semaphore_mem>>)
        %add3A_629 = arith.constant 3 : i32
        %add3A_630 = arith.addi %add3A_589, %add3A_629 : i32
        %dma_start3A_631 = arith.constant 3 : i32
        %dma_start3A_632 = arith.constant 0 : i32
        %dma_start3A_633 = arith.constant 0 : i32
        %dma_start3A_634 = tpu.memref_slice %arg10[%dma_start3A_631, %dma_start3A_632, %dma_start3A_633] : memref<4x128x32xbf16, #tpu.memory_space<vmem>> -> memref<1x128x32xbf16, #tpu.memory_space<vmem>>
        %dma_start3A_635 = tpu.memref_squeeze %dma_start3A_634 : memref<1x128x32xbf16, #tpu.memory_space<vmem>> -> memref<128x32xbf16, #tpu.memory_space<vmem>>
        %dma_start3A_636 = arith.constant 0 : i32
        %dma_start3A_637 = tpu.memref_slice %arg7[%add3A_630, %dma_start3A_636] : memref<80x128xi32, #tpu.memory_space<vmem>> -> memref<1x128xi32, #tpu.memory_space<vmem>>
        %dma_start3A_638 = tpu.memref_squeeze %dma_start3A_637 : memref<1x128xi32, #tpu.memory_space<vmem>> -> memref<128xi32, #tpu.memory_space<vmem>>
        %dma_start3A_639 = arith.constant 0 : i32
        %dma_start3A_640 = arith.constant 0 : i32
        %dma_start3A_641 = tpu.memref_slice %arg2[%dma_start3A_639, %dma_start3A_640] : memref<10000x32xbf16, #tpu.memory_space<hbm>> -> memref<10000x32xbf16, #tpu.memory_space<hbm>>
        tpu.enqueue_indirect_dma source(%dma_start3A_641 : memref<10000x32xbf16, #tpu.memory_space<hbm>>) target(%dma_start3A_635 : memref<128x32xbf16, #tpu.memory_space<vmem>>) offsets(%dma_start3A_638 : memref<128xi32, #tpu.memory_space<vmem>>) semaphore(%arg14 : memref<!tpu.dma_semaphore, #tpu.memory_space<semaphore_mem>>)
      } else {
      }
    }
    %scan3A_116 = arith.constant 10 : i32
    %barrier3A_117 = arith.constant 0 : index
    tpu.barrier barrier_id(%barrier3A_117)
    %lt3A_118 = arith.constant 15 : i32
    %lt3A_119 = arith.cmpi slt, %arg1, %lt3A_118 : i32
    %convert_element_type3A_120 = arith.extui %lt3A_119 : i1 to i32
    %cond3A_121 = arith.constant 0 : i32
    %cond3A_122 = arith.cmpi ne, %convert_element_type3A_120, %cond3A_121 : i32
    scf.if %cond3A_122 {
      %mul3A_128 = arith.constant 626 : i32
      %mul3A_129 = arith.muli %arg1, %mul3A_128 : i32
      "tpu.region"() ({
        %run_scoped3A = tpu.sem_alloc : memref<!tpu.dma_semaphore, #tpu.memory_space<semaphore_mem>>
        %dma_start3A_130 = arith.constant 0 : i32
        %dma_start3A_131 = tpu.memref_slice %arg5[%arg0, %mul3A_129, %dma_start3A_130] : memref<2x10002x32xbf16, #tpu.memory_space<hbm>> -> memref<1x626x32xbf16, #tpu.memory_space<hbm>>
        %dma_start3A_132 = tpu.memref_squeeze %dma_start3A_131 : memref<1x626x32xbf16, #tpu.memory_space<hbm>> -> memref<626x32xbf16, #tpu.memory_space<hbm>>
        %dma_start3A_133 = arith.constant 0 : i32
        %dma_start3A_134 = tpu.memref_slice %arg12[%mul3A_129, %dma_start3A_133] : memref<10002x32xbf16, #tpu.memory_space<vmem_shared>> -> memref<626x32xbf16, #tpu.memory_space<vmem_shared>>
        tpu.enqueue_dma source(%dma_start3A_134 : memref<626x32xbf16, #tpu.memory_space<vmem_shared>>) target(%dma_start3A_132 : memref<626x32xbf16, #tpu.memory_space<hbm>>) target_semaphore(%run_scoped3A : memref<!tpu.dma_semaphore, #tpu.memory_space<semaphore_mem>>)
        %dma_wait3A = arith.constant 0 : i32
        %dma_wait3A_135 = tpu.memref_slice %arg5[%arg0, %mul3A_129, %dma_wait3A] : memref<2x10002x32xbf16, #tpu.memory_space<hbm>> -> memref<1x626x32xbf16, #tpu.memory_space<hbm>>
        %dma_wait3A_136 = tpu.memref_squeeze %dma_wait3A_135 : memref<1x626x32xbf16, #tpu.memory_space<hbm>> -> memref<626x32xbf16, #tpu.memory_space<hbm>>
        %dma_wait3A_137 = arith.constant 0 : i32
        %dma_wait3A_138 = tpu.memref_slice %arg12[%mul3A_129, %dma_wait3A_137] : memref<10002x32xbf16, #tpu.memory_space<vmem_shared>> -> memref<626x32xbf16, #tpu.memory_space<vmem_shared>>
        tpu.wait_dma2 semaphore(%run_scoped3A : memref<!tpu.dma_semaphore, #tpu.memory_space<semaphore_mem>>) src(%dma_wait3A_138 : memref<626x32xbf16, #tpu.memory_space<vmem_shared>>) dst(%dma_wait3A_136 : memref<626x32xbf16, #tpu.memory_space<hbm>>)
        tpu.yield
      }) : () -> ()
      "tpu.region"() ({
        %run_scoped3A = tpu.sem_alloc : memref<!tpu.dma_semaphore, #tpu.memory_space<semaphore_mem>>
        %dma_start3A_130 = arith.constant 0 : i32
        %dma_start3A_131 = tpu.memref_slice %arg6[%arg0, %mul3A_129, %dma_start3A_130] : memref<2x10002x16xbf16, #tpu.memory_space<hbm>> -> memref<1x626x16xbf16, #tpu.memory_space<hbm>>
        %dma_start3A_132 = tpu.memref_squeeze %dma_start3A_131 : memref<1x626x16xbf16, #tpu.memory_space<hbm>> -> memref<626x16xbf16, #tpu.memory_space<hbm>>
        %dma_start3A_133 = arith.constant 0 : i32
        %dma_start3A_134 = tpu.memref_slice %arg19[%mul3A_129, %dma_start3A_133] : memref<10002x16xbf16, #tpu.memory_space<vmem_shared>> -> memref<626x16xbf16, #tpu.memory_space<vmem_shared>>
        tpu.enqueue_dma source(%dma_start3A_134 : memref<626x16xbf16, #tpu.memory_space<vmem_shared>>) target(%dma_start3A_132 : memref<626x16xbf16, #tpu.memory_space<hbm>>) target_semaphore(%run_scoped3A : memref<!tpu.dma_semaphore, #tpu.memory_space<semaphore_mem>>)
        %dma_wait3A = arith.constant 0 : i32
        %dma_wait3A_135 = tpu.memref_slice %arg6[%arg0, %mul3A_129, %dma_wait3A] : memref<2x10002x16xbf16, #tpu.memory_space<hbm>> -> memref<1x626x16xbf16, #tpu.memory_space<hbm>>
        %dma_wait3A_136 = tpu.memref_squeeze %dma_wait3A_135 : memref<1x626x16xbf16, #tpu.memory_space<hbm>> -> memref<626x16xbf16, #tpu.memory_space<hbm>>
        %dma_wait3A_137 = arith.constant 0 : i32
        %dma_wait3A_138 = tpu.memref_slice %arg19[%mul3A_129, %dma_wait3A_137] : memref<10002x16xbf16, #tpu.memory_space<vmem_shared>> -> memref<626x16xbf16, #tpu.memory_space<vmem_shared>>
        tpu.wait_dma2 semaphore(%run_scoped3A : memref<!tpu.dma_semaphore, #tpu.memory_space<semaphore_mem>>) src(%dma_wait3A_138 : memref<626x16xbf16, #tpu.memory_space<vmem_shared>>) dst(%dma_wait3A_136 : memref<626x16xbf16, #tpu.memory_space<hbm>>)
        tpu.yield
      }) : () -> ()
    } else {
    }
    %eq3A_123 = arith.constant 15 : i32
    %eq3A_124 = arith.cmpi eq, %arg1, %eq3A_123 : i32
    %convert_element_type3A_125 = arith.extui %eq3A_124 : i1 to i32
    %cond3A_126 = arith.constant 0 : i32
    %cond3A_127 = arith.cmpi ne, %convert_element_type3A_125, %cond3A_126 : i32
    scf.if %cond3A_127 {
      "tpu.region"() ({
        %run_scoped3A = tpu.sem_alloc : memref<!tpu.dma_semaphore, #tpu.memory_space<semaphore_mem>>
        %dma_start3A_128 = arith.constant 9390 : i32
        %dma_start3A_129 = arith.constant 0 : i32
        %dma_start3A_130 = tpu.memref_slice %arg5[%arg0, %dma_start3A_128, %dma_start3A_129] : memref<2x10002x32xbf16, #tpu.memory_space<hbm>> -> memref<1x612x32xbf16, #tpu.memory_space<hbm>>
        %dma_start3A_131 = tpu.memref_squeeze %dma_start3A_130 : memref<1x612x32xbf16, #tpu.memory_space<hbm>> -> memref<612x32xbf16, #tpu.memory_space<hbm>>
        %dma_start3A_132 = arith.constant 9390 : i32
        %dma_start3A_133 = arith.constant 0 : i32
        %dma_start3A_134 = tpu.memref_slice %arg12[%dma_start3A_132, %dma_start3A_133] : memref<10002x32xbf16, #tpu.memory_space<vmem_shared>> -> memref<612x32xbf16, #tpu.memory_space<vmem_shared>>
        tpu.enqueue_dma source(%dma_start3A_134 : memref<612x32xbf16, #tpu.memory_space<vmem_shared>>) target(%dma_start3A_131 : memref<612x32xbf16, #tpu.memory_space<hbm>>) target_semaphore(%run_scoped3A : memref<!tpu.dma_semaphore, #tpu.memory_space<semaphore_mem>>)
        %dma_wait3A = arith.constant 9390 : i32
        %dma_wait3A_135 = arith.constant 0 : i32
        %dma_wait3A_136 = tpu.memref_slice %arg5[%arg0, %dma_wait3A, %dma_wait3A_135] : memref<2x10002x32xbf16, #tpu.memory_space<hbm>> -> memref<1x612x32xbf16, #tpu.memory_space<hbm>>
        %dma_wait3A_137 = tpu.memref_squeeze %dma_wait3A_136 : memref<1x612x32xbf16, #tpu.memory_space<hbm>> -> memref<612x32xbf16, #tpu.memory_space<hbm>>
        %dma_wait3A_138 = arith.constant 9390 : i32
        %dma_wait3A_139 = arith.constant 0 : i32
        %dma_wait3A_140 = tpu.memref_slice %arg12[%dma_wait3A_138, %dma_wait3A_139] : memref<10002x32xbf16, #tpu.memory_space<vmem_shared>> -> memref<612x32xbf16, #tpu.memory_space<vmem_shared>>
        tpu.wait_dma2 semaphore(%run_scoped3A : memref<!tpu.dma_semaphore, #tpu.memory_space<semaphore_mem>>) src(%dma_wait3A_140 : memref<612x32xbf16, #tpu.memory_space<vmem_shared>>) dst(%dma_wait3A_137 : memref<612x32xbf16, #tpu.memory_space<hbm>>)
        tpu.yield
      }) : () -> ()
      "tpu.region"() ({
        %run_scoped3A = tpu.sem_alloc : memref<!tpu.dma_semaphore, #tpu.memory_space<semaphore_mem>>
        %dma_start3A_128 = arith.constant 9390 : i32
        %dma_start3A_129 = arith.constant 0 : i32
        %dma_start3A_130 = tpu.memref_slice %arg6[%arg0, %dma_start3A_128, %dma_start3A_129] : memref<2x10002x16xbf16, #tpu.memory_space<hbm>> -> memref<1x612x16xbf16, #tpu.memory_space<hbm>>
        %dma_start3A_131 = tpu.memref_squeeze %dma_start3A_130 : memref<1x612x16xbf16, #tpu.memory_space<hbm>> -> memref<612x16xbf16, #tpu.memory_space<hbm>>
        %dma_start3A_132 = arith.constant 9390 : i32
        %dma_start3A_133 = arith.constant 0 : i32
        %dma_start3A_134 = tpu.memref_slice %arg19[%dma_start3A_132, %dma_start3A_133] : memref<10002x16xbf16, #tpu.memory_space<vmem_shared>> -> memref<612x16xbf16, #tpu.memory_space<vmem_shared>>
        tpu.enqueue_dma source(%dma_start3A_134 : memref<612x16xbf16, #tpu.memory_space<vmem_shared>>) target(%dma_start3A_131 : memref<612x16xbf16, #tpu.memory_space<hbm>>) target_semaphore(%run_scoped3A : memref<!tpu.dma_semaphore, #tpu.memory_space<semaphore_mem>>)
        %dma_wait3A = arith.constant 9390 : i32
        %dma_wait3A_135 = arith.constant 0 : i32
        %dma_wait3A_136 = tpu.memref_slice %arg6[%arg0, %dma_wait3A, %dma_wait3A_135] : memref<2x10002x16xbf16, #tpu.memory_space<hbm>> -> memref<1x612x16xbf16, #tpu.memory_space<hbm>>
        %dma_wait3A_137 = tpu.memref_squeeze %dma_wait3A_136 : memref<1x612x16xbf16, #tpu.memory_space<hbm>> -> memref<612x16xbf16, #tpu.memory_space<hbm>>
        %dma_wait3A_138 = arith.constant 9390 : i32
        %dma_wait3A_139 = arith.constant 0 : i32
        %dma_wait3A_140 = tpu.memref_slice %arg19[%dma_wait3A_138, %dma_wait3A_139] : memref<10002x16xbf16, #tpu.memory_space<vmem_shared>> -> memref<612x16xbf16, #tpu.memory_space<vmem_shared>>
        tpu.wait_dma2 semaphore(%run_scoped3A : memref<!tpu.dma_semaphore, #tpu.memory_space<semaphore_mem>>) src(%dma_wait3A_140 : memref<612x16xbf16, #tpu.memory_space<vmem_shared>>) dst(%dma_wait3A_137 : memref<612x16xbf16, #tpu.memory_space<hbm>>)
        tpu.yield
      }) : () -> ()
    } else {
    }
    return
  }
}

#map = affine_map<(d0, d1) -> (0, 0)>
#map1 = affine_map<(d0, d1) -> (0, 0, 0)>
module attributes {stable_mosaic.version = 14 : i64} {
  func.func @body(%arg0: i32, %arg1: i32, %arg2: memref<10000x32xbf16, #tpu.memory_space<hbm>>, %arg3: memref<2560x128xi32, #tpu.memory_space<hbm>>, %arg4: memref<2560x128xi32, #tpu.memory_space<hbm>>, %arg5: memref<2x10002x32xbf16, #tpu.memory_space<hbm>>, %arg6: memref<80x128xi32, #tpu.memory_space<vmem>>, %arg7: memref<80x128xi32, #tpu.memory_space<vmem>>, %arg8: memref<4x128x32xbf16, #tpu.memory_space<vmem>>, %arg9: memref<4x128x32xbf16, #tpu.memory_space<vmem>>, %arg10: memref<626x32xbf16, #tpu.memory_space<vmem>>, %arg11: memref<10002x32xbf16, #tpu.memory_space<vmem_shared>>, %arg12: memref<!tpu.dma_semaphore, #tpu.memory_space<semaphore_mem>>, %arg13: memref<!tpu.dma_semaphore, #tpu.memory_space<semaphore_mem>>, %arg14: memref<!tpu.dma_semaphore, #tpu.memory_space<semaphore_mem>>, %arg15: memref<!tpu.dma_semaphore, #tpu.memory_space<semaphore_mem>>) attributes {dimension_semantics = [#tpu.dimension_semantics<core_parallel>, #tpu.dimension_semantics<subcore_parallel>], iteration_bounds = array<i64: 2, 16>, scalar_prefetch = 0 : i64, scratch_operands = 10 : i64, tpu.core_type = #tpu.core_type<sc_vector_subcore>, window_params = [{transform_indices = #map}, {transform_indices = #map}, {transform_indices = #map}, {transform_indices = #map1}]} {
    %mul3A = arith.constant 2 : i32
    %mul3A_0 = arith.muli %arg1, %mul3A : i32
    %add3A = arith.addi %mul3A_0, %arg0 : i32
    %mul3A_1 = arith.constant 80 : i32
    %mul3A_2 = arith.muli %add3A, %mul3A_1 : i32
    "tpu.region"() ({
      %run_scoped3A = tpu.sem_alloc : memref<!tpu.dma_semaphore, #tpu.memory_space<semaphore_mem>>
      %dma_start3A_128 = arith.constant 0 : i32
      %dma_start3A_129 = tpu.memref_slice %arg3[%mul3A_2, %dma_start3A_128] : memref<2560x128xi32, #tpu.memory_space<hbm>> -> memref<80x128xi32, #tpu.memory_space<hbm>>
      %dma_start3A_130 = arith.constant 0 : i32
      %dma_start3A_131 = tpu.memref_slice %arg3[%mul3A_2, %dma_start3A_130] : memref<2560x128xi32, #tpu.memory_space<hbm>> -> memref<80x128xi32, #tpu.memory_space<hbm>>
      tpu.enqueue_dma source(%dma_start3A_131 : memref<80x128xi32, #tpu.memory_space<hbm>>) target(%arg6 : memref<80x128xi32, #tpu.memory_space<vmem>>) target_semaphore(%run_scoped3A : memref<!tpu.dma_semaphore, #tpu.memory_space<semaphore_mem>>)
      %dma_wait3A = arith.constant 0 : i32
      %dma_wait3A_132 = tpu.memref_slice %arg3[%mul3A_2, %dma_wait3A] : memref<2560x128xi32, #tpu.memory_space<hbm>> -> memref<80x128xi32, #tpu.memory_space<hbm>>
      %dma_wait3A_133 = arith.constant 0 : i32
      %dma_wait3A_134 = tpu.memref_slice %arg3[%mul3A_2, %dma_wait3A_133] : memref<2560x128xi32, #tpu.memory_space<hbm>> -> memref<80x128xi32, #tpu.memory_space<hbm>>
      tpu.wait_dma2 semaphore(%run_scoped3A : memref<!tpu.dma_semaphore, #tpu.memory_space<semaphore_mem>>) src(%dma_wait3A_134 : memref<80x128xi32, #tpu.memory_space<hbm>>) dst(%arg6 : memref<80x128xi32, #tpu.memory_space<vmem>>)
      tpu.yield
    }) : () -> ()
    %mul3A_3 = arith.constant 80 : i32
    %mul3A_4 = arith.muli %add3A, %mul3A_3 : i32
    "tpu.region"() ({
      %run_scoped3A = tpu.sem_alloc : memref<!tpu.dma_semaphore, #tpu.memory_space<semaphore_mem>>
      %dma_start3A_128 = arith.constant 0 : i32
      %dma_start3A_129 = tpu.memref_slice %arg4[%mul3A_4, %dma_start3A_128] : memref<2560x128xi32, #tpu.memory_space<hbm>> -> memref<80x128xi32, #tpu.memory_space<hbm>>
      %dma_start3A_130 = arith.constant 0 : i32
      %dma_start3A_131 = tpu.memref_slice %arg4[%mul3A_4, %dma_start3A_130] : memref<2560x128xi32, #tpu.memory_space<hbm>> -> memref<80x128xi32, #tpu.memory_space<hbm>>
      tpu.enqueue_dma source(%dma_start3A_131 : memref<80x128xi32, #tpu.memory_space<hbm>>) target(%arg7 : memref<80x128xi32, #tpu.memory_space<vmem>>) target_semaphore(%run_scoped3A : memref<!tpu.dma_semaphore, #tpu.memory_space<semaphore_mem>>)
      %dma_wait3A = arith.constant 0 : i32
      %dma_wait3A_132 = tpu.memref_slice %arg4[%mul3A_4, %dma_wait3A] : memref<2560x128xi32, #tpu.memory_space<hbm>> -> memref<80x128xi32, #tpu.memory_space<hbm>>
      %dma_wait3A_133 = arith.constant 0 : i32
      %dma_wait3A_134 = tpu.memref_slice %arg4[%mul3A_4, %dma_wait3A_133] : memref<2560x128xi32, #tpu.memory_space<hbm>> -> memref<80x128xi32, #tpu.memory_space<hbm>>
      tpu.wait_dma2 semaphore(%run_scoped3A : memref<!tpu.dma_semaphore, #tpu.memory_space<semaphore_mem>>) src(%dma_wait3A_134 : memref<80x128xi32, #tpu.memory_space<hbm>>) dst(%arg7 : memref<80x128xi32, #tpu.memory_space<vmem>>)
      tpu.yield
    }) : () -> ()
    %scan3A = arith.constant 0 : i32
    %scan3A_5 = arith.constant 0 : i32
    %scan3A_6 = arith.constant 313 : i32
    %scan3A_7 = arith.addi %scan3A_5, %scan3A_6 : i32
    %scan3A_8 = arith.constant 1 : i32
    scf.for %scan3A_128 = %scan3A_5 to %scan3A_7 step %scan3A_8  : i32 {
      %broadcast_in_dim3A = arith.constant 0.000000e+00 : bf16
      %broadcast_in_dim3A_129 = vector.broadcast %broadcast_in_dim3A : bf16 to vector<2x16xbf16>
      %mul3A_130 = arith.constant 2 : i32
      %mul3A_131 = arith.muli %scan3A_128, %mul3A_130 : i32
      %swap3A = arith.index_cast %mul3A_131 : i32 to index
      %swap3A_132 = arith.constant 0 : index
      %swap3A_133 = tpu.vector_load %arg10[%swap3A, %swap3A_132] {strides = array<i32>} : memref<626x32xbf16, #tpu.memory_space<vmem>>, vector<2x16xbf16>,
      %swap3A_134 = vector.shape_cast %swap3A_133 : vector<2x16xbf16> to vector<2x16xbf16>
      %swap3A_135 = vector.shape_cast %broadcast_in_dim3A_129 : vector<2x16xbf16> to vector<2x16xbf16>
      tpu.vector_store %arg10[%swap3A, %swap3A_132], %swap3A_135 {strides = array<i32>} : memref<626x32xbf16, #tpu.memory_space<vmem>>, vector<2x16xbf16>,
      %broadcast_in_dim3A_136 = arith.constant 0.000000e+00 : bf16
      %broadcast_in_dim3A_137 = vector.broadcast %broadcast_in_dim3A_136 : bf16 to vector<2x16xbf16>
      %mul3A_138 = arith.constant 2 : i32
      %mul3A_139 = arith.muli %scan3A_128, %mul3A_138 : i32
      %swap3A_140 = arith.index_cast %mul3A_139 : i32 to index
      %swap3A_141 = arith.constant 16 : index
      %swap3A_142 = tpu.vector_load %arg10[%swap3A_140, %swap3A_141] {strides = array<i32>} : memref<626x32xbf16, #tpu.memory_space<vmem>>, vector<2x16xbf16>,
      %swap3A_143 = vector.shape_cast %swap3A_142 : vector<2x16xbf16> to vector<2x16xbf16>
      %swap3A_144 = vector.shape_cast %broadcast_in_dim3A_137 : vector<2x16xbf16> to vector<2x16xbf16>
      tpu.vector_store %arg10[%swap3A_140, %swap3A_141], %swap3A_144 {strides = array<i32>} : memref<626x32xbf16, #tpu.memory_space<vmem>>, vector<2x16xbf16>,
    }
    %scan3A_9 = arith.constant 313 : i32
    %lt3A = arith.constant 15 : i32
    %lt3A_10 = arith.cmpi slt, %arg1, %lt3A : i32
    %convert_element_type3A = arith.extui %lt3A_10 : i1 to i32
    %cond3A = arith.constant 0 : i32
    %cond3A_11 = arith.cmpi ne, %convert_element_type3A, %cond3A : i32
    scf.if %cond3A_11 {
      %mul3A_128 = arith.constant 626 : i32
      %mul3A_129 = arith.muli %arg1, %mul3A_128 : i32
      "tpu.region"() ({
        %run_scoped3A = tpu.sem_alloc : memref<!tpu.dma_semaphore, #tpu.memory_space<semaphore_mem>>
        %dma_start3A_130 = arith.constant 0 : i32
        %dma_start3A_131 = arith.constant 0 : i32
        %dma_start3A_132 = tpu.memref_slice %arg10[%dma_start3A_130, %dma_start3A_131] : memref<626x32xbf16, #tpu.memory_space<vmem>> -> memref<626x32xbf16, #tpu.memory_space<vmem>>
        %dma_start3A_133 = arith.constant 0 : i32
        %dma_start3A_134 = tpu.memref_slice %arg11[%mul3A_129, %dma_start3A_133] : memref<10002x32xbf16, #tpu.memory_space<vmem_shared>> -> memref<626x32xbf16, #tpu.memory_space<vmem_shared>>
        %dma_start3A_135 = arith.constant 0 : i32
        %dma_start3A_136 = tpu.memref_slice %arg11[%mul3A_129, %dma_start3A_135] : memref<10002x32xbf16, #tpu.memory_space<vmem_shared>> -> memref<626x32xbf16, #tpu.memory_space<vmem_shared>>
        %dma_start3A_137 = arith.constant 0 : i32
        %dma_start3A_138 = arith.constant 0 : i32
        %dma_start3A_139 = tpu.memref_slice %arg10[%dma_start3A_137, %dma_start3A_138] : memref<626x32xbf16, #tpu.memory_space<vmem>> -> memref<626x32xbf16, #tpu.memory_space<vmem>>
        tpu.enqueue_dma source(%dma_start3A_139 : memref<626x32xbf16, #tpu.memory_space<vmem>>) target(%dma_start3A_136 : memref<626x32xbf16, #tpu.memory_space<vmem_shared>>) target_semaphore(%run_scoped3A : memref<!tpu.dma_semaphore, #tpu.memory_space<semaphore_mem>>)
        %dma_wait3A = arith.constant 0 : i32
        %dma_wait3A_140 = arith.constant 0 : i32
        %dma_wait3A_141 = tpu.memref_slice %arg10[%dma_wait3A, %dma_wait3A_140] : memref<626x32xbf16, #tpu.memory_space<vmem>> -> memref<626x32xbf16, #tpu.memory_space<vmem>>
        %dma_wait3A_142 = arith.constant 0 : i32
        %dma_wait3A_143 = tpu.memref_slice %arg11[%mul3A_129, %dma_wait3A_142] : memref<10002x32xbf16, #tpu.memory_space<vmem_shared>> -> memref<626x32xbf16, #tpu.memory_space<vmem_shared>>
        %dma_wait3A_144 = arith.constant 0 : i32
        %dma_wait3A_145 = tpu.memref_slice %arg11[%mul3A_129, %dma_wait3A_144] : memref<10002x32xbf16, #tpu.memory_space<vmem_shared>> -> memref<626x32xbf16, #tpu.memory_space<vmem_shared>>
        %dma_wait3A_146 = arith.constant 0 : i32
        %dma_wait3A_147 = arith.constant 0 : i32
        %dma_wait3A_148 = tpu.memref_slice %arg10[%dma_wait3A_146, %dma_wait3A_147] : memref<626x32xbf16, #tpu.memory_space<vmem>> -> memref<626x32xbf16, #tpu.memory_space<vmem>>
        tpu.wait_dma2 semaphore(%run_scoped3A : memref<!tpu.dma_semaphore, #tpu.memory_space<semaphore_mem>>) src(%dma_wait3A_148 : memref<626x32xbf16, #tpu.memory_space<vmem>>) dst(%dma_wait3A_145 : memref<626x32xbf16, #tpu.memory_space<vmem_shared>>)
        tpu.yield
      }) : () -> ()
    } else {
    }
    %eq3A = arith.constant 15 : i32
    %eq3A_12 = arith.cmpi eq, %arg1, %eq3A : i32
    %convert_element_type3A_13 = arith.extui %eq3A_12 : i1 to i32
    %cond3A_14 = arith.constant 0 : i32
    %cond3A_15 = arith.cmpi ne, %convert_element_type3A_13, %cond3A_14 : i32
    scf.if %cond3A_15 {
      "tpu.region"() ({
        %run_scoped3A = tpu.sem_alloc : memref<!tpu.dma_semaphore, #tpu.memory_space<semaphore_mem>>
        %dma_start3A_128 = arith.constant 0 : i32
        %dma_start3A_129 = arith.constant 0 : i32
        %dma_start3A_130 = tpu.memref_slice %arg10[%dma_start3A_128, %dma_start3A_129] : memref<626x32xbf16, #tpu.memory_space<vmem>> -> memref<612x32xbf16, #tpu.memory_space<vmem>>
        %dma_start3A_131 = arith.constant 9390 : i32
        %dma_start3A_132 = arith.constant 0 : i32
        %dma_start3A_133 = tpu.memref_slice %arg11[%dma_start3A_131, %dma_start3A_132] : memref<10002x32xbf16, #tpu.memory_space<vmem_shared>> -> memref<612x32xbf16, #tpu.memory_space<vmem_shared>>
        %dma_start3A_134 = arith.constant 9390 : i32
        %dma_start3A_135 = arith.constant 0 : i32
        %dma_start3A_136 = tpu.memref_slice %arg11[%dma_start3A_134, %dma_start3A_135] : memref<10002x32xbf16, #tpu.memory_space<vmem_shared>> -> memref<612x32xbf16, #tpu.memory_space<vmem_shared>>
        %dma_start3A_137 = arith.constant 0 : i32
        %dma_start3A_138 = arith.constant 0 : i32
        %dma_start3A_139 = tpu.memref_slice %arg10[%dma_start3A_137, %dma_start3A_138] : memref<626x32xbf16, #tpu.memory_space<vmem>> -> memref<612x32xbf16, #tpu.memory_space<vmem>>
        tpu.enqueue_dma source(%dma_start3A_139 : memref<612x32xbf16, #tpu.memory_space<vmem>>) target(%dma_start3A_136 : memref<612x32xbf16, #tpu.memory_space<vmem_shared>>) target_semaphore(%run_scoped3A : memref<!tpu.dma_semaphore, #tpu.memory_space<semaphore_mem>>)
        %dma_wait3A = arith.constant 0 : i32
        %dma_wait3A_140 = arith.constant 0 : i32
        %dma_wait3A_141 = tpu.memref_slice %arg10[%dma_wait3A, %dma_wait3A_140] : memref<626x32xbf16, #tpu.memory_space<vmem>> -> memref<612x32xbf16, #tpu.memory_space<vmem>>
        %dma_wait3A_142 = arith.constant 9390 : i32
        %dma_wait3A_143 = arith.constant 0 : i32
        %dma_wait3A_144 = tpu.memref_slice %arg11[%dma_wait3A_142, %dma_wait3A_143] : memref<10002x32xbf16, #tpu.memory_space<vmem_shared>> -> memref<612x32xbf16, #tpu.memory_space<vmem_shared>>
        %dma_wait3A_145 = arith.constant 9390 : i32
        %dma_wait3A_146 = arith.constant 0 : i32
        %dma_wait3A_147 = tpu.memref_slice %arg11[%dma_wait3A_145, %dma_wait3A_146] : memref<10002x32xbf16, #tpu.memory_space<vmem_shared>> -> memref<612x32xbf16, #tpu.memory_space<vmem_shared>>
        %dma_wait3A_148 = arith.constant 0 : i32
        %dma_wait3A_149 = arith.constant 0 : i32
        %dma_wait3A_150 = tpu.memref_slice %arg10[%dma_wait3A_148, %dma_wait3A_149] : memref<626x32xbf16, #tpu.memory_space<vmem>> -> memref<612x32xbf16, #tpu.memory_space<vmem>>
        tpu.wait_dma2 semaphore(%run_scoped3A : memref<!tpu.dma_semaphore, #tpu.memory_space<semaphore_mem>>) src(%dma_wait3A_150 : memref<612x32xbf16, #tpu.memory_space<vmem>>) dst(%dma_wait3A_147 : memref<612x32xbf16, #tpu.memory_space<vmem_shared>>)
        tpu.yield
      }) : () -> ()
    } else {
    }
    %barrier3A = arith.constant 0 : index
    tpu.barrier barrier_id(%barrier3A)
    %dma_start3A = arith.constant 0 : i32
    %dma_start3A_16 = arith.constant 0 : i32
    %dma_start3A_17 = arith.constant 0 : i32
    %dma_start3A_18 = arith.constant 0 : i32
    %dma_start3A_19 = tpu.memref_slice %arg8[%dma_start3A_16, %dma_start3A_17, %dma_start3A_18] : memref<4x128x32xbf16, #tpu.memory_space<vmem>> -> memref<1x128x32xbf16, #tpu.memory_space<vmem>>
    %dma_start3A_20 = tpu.memref_squeeze %dma_start3A_19 : memref<1x128x32xbf16, #tpu.memory_space<vmem>> -> memref<128x32xbf16, #tpu.memory_space<vmem>>
    %dma_start3A_21 = arith.constant 0 : i32
    %dma_start3A_22 = tpu.memref_slice %arg6[%dma_start3A, %dma_start3A_21] : memref<80x128xi32, #tpu.memory_space<vmem>> -> memref<1x128xi32, #tpu.memory_space<vmem>>
    %dma_start3A_23 = tpu.memref_squeeze %dma_start3A_22 : memref<1x128xi32, #tpu.memory_space<vmem>> -> memref<128xi32, #tpu.memory_space<vmem>>
    %dma_start3A_24 = arith.constant 0 : i32
    %dma_start3A_25 = arith.constant 0 : i32
    %dma_start3A_26 = tpu.memref_slice %arg2[%dma_start3A_24, %dma_start3A_25] : memref<10000x32xbf16, #tpu.memory_space<hbm>> -> memref<10000x32xbf16, #tpu.memory_space<hbm>>
    tpu.enqueue_indirect_dma source(%dma_start3A_26 : memref<10000x32xbf16, #tpu.memory_space<hbm>>) target(%dma_start3A_20 : memref<128x32xbf16, #tpu.memory_space<vmem>>) offsets(%dma_start3A_23 : memref<128xi32, #tpu.memory_space<vmem>>) semaphore(%arg12 : memref<!tpu.dma_semaphore, #tpu.memory_space<semaphore_mem>>)
    %dma_start3A_27 = arith.constant 1 : i32
    %dma_start3A_28 = arith.constant 1 : i32
    %dma_start3A_29 = arith.constant 0 : i32
    %dma_start3A_30 = arith.constant 0 : i32
    %dma_start3A_31 = tpu.memref_slice %arg8[%dma_start3A_28, %dma_start3A_29, %dma_start3A_30] : memref<4x128x32xbf16, #tpu.memory_space<vmem>> -> memref<1x128x32xbf16, #tpu.memory_space<vmem>>
    %dma_start3A_32 = tpu.memref_squeeze %dma_start3A_31 : memref<1x128x32xbf16, #tpu.memory_space<vmem>> -> memref<128x32xbf16, #tpu.memory_space<vmem>>
    %dma_start3A_33 = arith.constant 0 : i32
    %dma_start3A_34 = tpu.memref_slice %arg6[%dma_start3A_27, %dma_start3A_33] : memref<80x128xi32, #tpu.memory_space<vmem>> -> memref<1x128xi32, #tpu.memory_space<vmem>>
    %dma_start3A_35 = tpu.memref_squeeze %dma_start3A_34 : memref<1x128xi32, #tpu.memory_space<vmem>> -> memref<128xi32, #tpu.memory_space<vmem>>
    %dma_start3A_36 = arith.constant 0 : i32
    %dma_start3A_37 = arith.constant 0 : i32
    %dma_start3A_38 = tpu.memref_slice %arg2[%dma_start3A_36, %dma_start3A_37] : memref<10000x32xbf16, #tpu.memory_space<hbm>> -> memref<10000x32xbf16, #tpu.memory_space<hbm>>
    tpu.enqueue_indirect_dma source(%dma_start3A_38 : memref<10000x32xbf16, #tpu.memory_space<hbm>>) target(%dma_start3A_32 : memref<128x32xbf16, #tpu.memory_space<vmem>>) offsets(%dma_start3A_35 : memref<128xi32, #tpu.memory_space<vmem>>) semaphore(%arg12 : memref<!tpu.dma_semaphore, #tpu.memory_space<semaphore_mem>>)
    %dma_start3A_39 = arith.constant 2 : i32
    %dma_start3A_40 = arith.constant 2 : i32
    %dma_start3A_41 = arith.constant 0 : i32
    %dma_start3A_42 = arith.constant 0 : i32
    %dma_start3A_43 = tpu.memref_slice %arg8[%dma_start3A_40, %dma_start3A_41, %dma_start3A_42] : memref<4x128x32xbf16, #tpu.memory_space<vmem>> -> memref<1x128x32xbf16, #tpu.memory_space<vmem>>
    %dma_start3A_44 = tpu.memref_squeeze %dma_start3A_43 : memref<1x128x32xbf16, #tpu.memory_space<vmem>> -> memref<128x32xbf16, #tpu.memory_space<vmem>>
    %dma_start3A_45 = arith.constant 0 : i32
    %dma_start3A_46 = tpu.memref_slice %arg6[%dma_start3A_39, %dma_start3A_45] : memref<80x128xi32, #tpu.memory_space<vmem>> -> memref<1x128xi32, #tpu.memory_space<vmem>>
    %dma_start3A_47 = tpu.memref_squeeze %dma_start3A_46 : memref<1x128xi32, #tpu.memory_space<vmem>> -> memref<128xi32, #tpu.memory_space<vmem>>
    %dma_start3A_48 = arith.constant 0 : i32
    %dma_start3A_49 = arith.constant 0 : i32
    %dma_start3A_50 = tpu.memref_slice %arg2[%dma_start3A_48, %dma_start3A_49] : memref<10000x32xbf16, #tpu.memory_space<hbm>> -> memref<10000x32xbf16, #tpu.memory_space<hbm>>
    tpu.enqueue_indirect_dma source(%dma_start3A_50 : memref<10000x32xbf16, #tpu.memory_space<hbm>>) target(%dma_start3A_44 : memref<128x32xbf16, #tpu.memory_space<vmem>>) offsets(%dma_start3A_47 : memref<128xi32, #tpu.memory_space<vmem>>) semaphore(%arg12 : memref<!tpu.dma_semaphore, #tpu.memory_space<semaphore_mem>>)
    %dma_start3A_51 = arith.constant 3 : i32
    %dma_start3A_52 = arith.constant 3 : i32
    %dma_start3A_53 = arith.constant 0 : i32
    %dma_start3A_54 = arith.constant 0 : i32
    %dma_start3A_55 = tpu.memref_slice %arg8[%dma_start3A_52, %dma_start3A_53, %dma_start3A_54] : memref<4x128x32xbf16, #tpu.memory_space<vmem>> -> memref<1x128x32xbf16, #tpu.memory_space<vmem>>
    %dma_start3A_56 = tpu.memref_squeeze %dma_start3A_55 : memref<1x128x32xbf16, #tpu.memory_space<vmem>> -> memref<128x32xbf16, #tpu.memory_space<vmem>>
    %dma_start3A_57 = arith.constant 0 : i32
    %dma_start3A_58 = tpu.memref_slice %arg6[%dma_start3A_51, %dma_start3A_57] : memref<80x128xi32, #tpu.memory_space<vmem>> -> memref<1x128xi32, #tpu.memory_space<vmem>>
    %dma_start3A_59 = tpu.memref_squeeze %dma_start3A_58 : memref<1x128xi32, #tpu.memory_space<vmem>> -> memref<128xi32, #tpu.memory_space<vmem>>
    %dma_start3A_60 = arith.constant 0 : i32
    %dma_start3A_61 = arith.constant 0 : i32
    %dma_start3A_62 = tpu.memref_slice %arg2[%dma_start3A_60, %dma_start3A_61] : memref<10000x32xbf16, #tpu.memory_space<hbm>> -> memref<10000x32xbf16, #tpu.memory_space<hbm>>
    tpu.enqueue_indirect_dma source(%dma_start3A_62 : memref<10000x32xbf16, #tpu.memory_space<hbm>>) target(%dma_start3A_56 : memref<128x32xbf16, #tpu.memory_space<vmem>>) offsets(%dma_start3A_59 : memref<128xi32, #tpu.memory_space<vmem>>) semaphore(%arg12 : memref<!tpu.dma_semaphore, #tpu.memory_space<semaphore_mem>>)
    %dma_start3A_63 = arith.constant 4 : i32
    %dma_start3A_64 = arith.constant 0 : i32
    %dma_start3A_65 = arith.constant 0 : i32
    %dma_start3A_66 = arith.constant 0 : i32
    %dma_start3A_67 = tpu.memref_slice %arg9[%dma_start3A_64, %dma_start3A_65, %dma_start3A_66] : memref<4x128x32xbf16, #tpu.memory_space<vmem>> -> memref<1x128x32xbf16, #tpu.memory_space<vmem>>
    %dma_start3A_68 = tpu.memref_squeeze %dma_start3A_67 : memref<1x128x32xbf16, #tpu.memory_space<vmem>> -> memref<128x32xbf16, #tpu.memory_space<vmem>>
    %dma_start3A_69 = arith.constant 0 : i32
    %dma_start3A_70 = tpu.memref_slice %arg6[%dma_start3A_63, %dma_start3A_69] : memref<80x128xi32, #tpu.memory_space<vmem>> -> memref<1x128xi32, #tpu.memory_space<vmem>>
    %dma_start3A_71 = tpu.memref_squeeze %dma_start3A_70 : memref<1x128xi32, #tpu.memory_space<vmem>> -> memref<128xi32, #tpu.memory_space<vmem>>
    %dma_start3A_72 = arith.constant 0 : i32
    %dma_start3A_73 = arith.constant 0 : i32
    %dma_start3A_74 = tpu.memref_slice %arg2[%dma_start3A_72, %dma_start3A_73] : memref<10000x32xbf16, #tpu.memory_space<hbm>> -> memref<10000x32xbf16, #tpu.memory_space<hbm>>
    tpu.enqueue_indirect_dma source(%dma_start3A_74 : memref<10000x32xbf16, #tpu.memory_space<hbm>>) target(%dma_start3A_68 : memref<128x32xbf16, #tpu.memory_space<vmem>>) offsets(%dma_start3A_71 : memref<128xi32, #tpu.memory_space<vmem>>) semaphore(%arg13 : memref<!tpu.dma_semaphore, #tpu.memory_space<semaphore_mem>>)
    %dma_start3A_75 = arith.constant 5 : i32
    %dma_start3A_76 = arith.constant 1 : i32
    %dma_start3A_77 = arith.constant 0 : i32
    %dma_start3A_78 = arith.constant 0 : i32
    %dma_start3A_79 = tpu.memref_slice %arg9[%dma_start3A_76, %dma_start3A_77, %dma_start3A_78] : memref<4x128x32xbf16, #tpu.memory_space<vmem>> -> memref<1x128x32xbf16, #tpu.memory_space<vmem>>
    %dma_start3A_80 = tpu.memref_squeeze %dma_start3A_79 : memref<1x128x32xbf16, #tpu.memory_space<vmem>> -> memref<128x32xbf16, #tpu.memory_space<vmem>>
    %dma_start3A_81 = arith.constant 0 : i32
    %dma_start3A_82 = tpu.memref_slice %arg6[%dma_start3A_75, %dma_start3A_81] : memref<80x128xi32, #tpu.memory_space<vmem>> -> memref<1x128xi32, #tpu.memory_space<vmem>>
    %dma_start3A_83 = tpu.memref_squeeze %dma_start3A_82 : memref<1x128xi32, #tpu.memory_space<vmem>> -> memref<128xi32, #tpu.memory_space<vmem>>
    %dma_start3A_84 = arith.constant 0 : i32
    %dma_start3A_85 = arith.constant 0 : i32
    %dma_start3A_86 = tpu.memref_slice %arg2[%dma_start3A_84, %dma_start3A_85] : memref<10000x32xbf16, #tpu.memory_space<hbm>> -> memref<10000x32xbf16, #tpu.memory_space<hbm>>
    tpu.enqueue_indirect_dma source(%dma_start3A_86 : memref<10000x32xbf16, #tpu.memory_space<hbm>>) target(%dma_start3A_80 : memref<128x32xbf16, #tpu.memory_space<vmem>>) offsets(%dma_start3A_83 : memref<128xi32, #tpu.memory_space<vmem>>) semaphore(%arg13 : memref<!tpu.dma_semaphore, #tpu.memory_space<semaphore_mem>>)
    %dma_start3A_87 = arith.constant 6 : i32
    %dma_start3A_88 = arith.constant 2 : i32
    %dma_start3A_89 = arith.constant 0 : i32
    %dma_start3A_90 = arith.constant 0 : i32
    %dma_start3A_91 = tpu.memref_slice %arg9[%dma_start3A_88, %dma_start3A_89, %dma_start3A_90] : memref<4x128x32xbf16, #tpu.memory_space<vmem>> -> memref<1x128x32xbf16, #tpu.memory_space<vmem>>
    %dma_start3A_92 = tpu.memref_squeeze %dma_start3A_91 : memref<1x128x32xbf16, #tpu.memory_space<vmem>> -> memref<128x32xbf16, #tpu.memory_space<vmem>>
    %dma_start3A_93 = arith.constant 0 : i32
    %dma_start3A_94 = tpu.memref_slice %arg6[%dma_start3A_87, %dma_start3A_93] : memref<80x128xi32, #tpu.memory_space<vmem>> -> memref<1x128xi32, #tpu.memory_space<vmem>>
    %dma_start3A_95 = tpu.memref_squeeze %dma_start3A_94 : memref<1x128xi32, #tpu.memory_space<vmem>> -> memref<128xi32, #tpu.memory_space<vmem>>
    %dma_start3A_96 = arith.constant 0 : i32
    %dma_start3A_97 = arith.constant 0 : i32
    %dma_start3A_98 = tpu.memref_slice %arg2[%dma_start3A_96, %dma_start3A_97] : memref<10000x32xbf16, #tpu.memory_space<hbm>> -> memref<10000x32xbf16, #tpu.memory_space<hbm>>
    tpu.enqueue_indirect_dma source(%dma_start3A_98 : memref<10000x32xbf16, #tpu.memory_space<hbm>>) target(%dma_start3A_92 : memref<128x32xbf16, #tpu.memory_space<vmem>>) offsets(%dma_start3A_95 : memref<128xi32, #tpu.memory_space<vmem>>) semaphore(%arg13 : memref<!tpu.dma_semaphore, #tpu.memory_space<semaphore_mem>>)
    %dma_start3A_99 = arith.constant 7 : i32
    %dma_start3A_100 = arith.constant 3 : i32
    %dma_start3A_101 = arith.constant 0 : i32
    %dma_start3A_102 = arith.constant 0 : i32
    %dma_start3A_103 = tpu.memref_slice %arg9[%dma_start3A_100, %dma_start3A_101, %dma_start3A_102] : memref<4x128x32xbf16, #tpu.memory_space<vmem>> -> memref<1x128x32xbf16, #tpu.memory_space<vmem>>
    %dma_start3A_104 = tpu.memref_squeeze %dma_start3A_103 : memref<1x128x32xbf16, #tpu.memory_space<vmem>> -> memref<128x32xbf16, #tpu.memory_space<vmem>>
    %dma_start3A_105 = arith.constant 0 : i32
    %dma_start3A_106 = tpu.memref_slice %arg6[%dma_start3A_99, %dma_start3A_105] : memref<80x128xi32, #tpu.memory_space<vmem>> -> memref<1x128xi32, #tpu.memory_space<vmem>>
    %dma_start3A_107 = tpu.memref_squeeze %dma_start3A_106 : memref<1x128xi32, #tpu.memory_space<vmem>> -> memref<128xi32, #tpu.memory_space<vmem>>
    %dma_start3A_108 = arith.constant 0 : i32
    %dma_start3A_109 = arith.constant 0 : i32
    %dma_start3A_110 = tpu.memref_slice %arg2[%dma_start3A_108, %dma_start3A_109] : memref<10000x32xbf16, #tpu.memory_space<hbm>> -> memref<10000x32xbf16, #tpu.memory_space<hbm>>
    tpu.enqueue_indirect_dma source(%dma_start3A_110 : memref<10000x32xbf16, #tpu.memory_space<hbm>>) target(%dma_start3A_104 : memref<128x32xbf16, #tpu.memory_space<vmem>>) offsets(%dma_start3A_107 : memref<128xi32, #tpu.memory_space<vmem>>) semaphore(%arg13 : memref<!tpu.dma_semaphore, #tpu.memory_space<semaphore_mem>>)
    %scan3A_111 = arith.constant 0 : i32
    %scan3A_112 = arith.constant 0 : i32
    %scan3A_113 = arith.constant 10 : i32
    %scan3A_114 = arith.addi %scan3A_112, %scan3A_113 : i32
    %scan3A_115 = arith.constant 1 : i32
    scf.for %scan3A_128 = %scan3A_112 to %scan3A_114 step %scan3A_115  : i32 {
      %mul3A_129 = arith.constant 2 : i32
      %mul3A_130 = arith.muli %mul3A_129, %scan3A_128 : i32
      %mul3A_131 = arith.constant 4 : i32
      %mul3A_132 = arith.muli %mul3A_130, %mul3A_131 : i32
      %add3A_133 = arith.constant 0 : i32
      %add3A_134 = arith.addi %mul3A_132, %add3A_133 : i32
      %dma_wait3A = arith.constant 0 : i32
      %dma_wait3A_135 = arith.constant 0 : i32
      %dma_wait3A_136 = arith.constant 0 : i32
      %dma_wait3A_137 = tpu.memref_slice %arg8[%dma_wait3A, %dma_wait3A_135, %dma_wait3A_136] : memref<4x128x32xbf16, #tpu.memory_space<vmem>> -> memref<1x128x32xbf16, #tpu.memory_space<vmem>>
      %dma_wait3A_138 = tpu.memref_squeeze %dma_wait3A_137 : memref<1x128x32xbf16, #tpu.memory_space<vmem>> -> memref<128x32xbf16, #tpu.memory_space<vmem>>
      %dma_wait3A_139 = arith.constant 0 : i32
      %dma_wait3A_140 = tpu.memref_slice %arg6[%add3A_134, %dma_wait3A_139] : memref<80x128xi32, #tpu.memory_space<vmem>> -> memref<1x128xi32, #tpu.memory_space<vmem>>
      %dma_wait3A_141 = tpu.memref_squeeze %dma_wait3A_140 : memref<1x128xi32, #tpu.memory_space<vmem>> -> memref<128xi32, #tpu.memory_space<vmem>>
      %dma_wait3A_142 = arith.constant 0 : i32
      %dma_wait3A_143 = arith.constant 0 : i32
      %dma_wait3A_144 = tpu.memref_slice %arg2[%dma_wait3A_142, %dma_wait3A_143] : memref<10000x32xbf16, #tpu.memory_space<hbm>> -> memref<10000x32xbf16, #tpu.memory_space<hbm>>
      tpu.wait_indirect_dma semaphore(%arg12 : memref<!tpu.dma_semaphore, #tpu.memory_space<semaphore_mem>>) src(%dma_wait3A_144 : memref<10000x32xbf16, #tpu.memory_space<hbm>>) dst(%dma_wait3A_138 : memref<128x32xbf16, #tpu.memory_space<vmem>>)
      %add3A_145 = arith.constant 1 : i32
      %add3A_146 = arith.addi %mul3A_132, %add3A_145 : i32
      %dma_wait3A_147 = arith.constant 1 : i32
      %dma_wait3A_148 = arith.constant 0 : i32
      %dma_wait3A_149 = arith.constant 0 : i32
      %dma_wait3A_150 = tpu.memref_slice %arg8[%dma_wait3A_147, %dma_wait3A_148, %dma_wait3A_149] : memref<4x128x32xbf16, #tpu.memory_space<vmem>> -> memref<1x128x32xbf16, #tpu.memory_space<vmem>>
      %dma_wait3A_151 = tpu.memref_squeeze %dma_wait3A_150 : memref<1x128x32xbf16, #tpu.memory_space<vmem>> -> memref<128x32xbf16, #tpu.memory_space<vmem>>
      %dma_wait3A_152 = arith.constant 0 : i32
      %dma_wait3A_153 = tpu.memref_slice %arg6[%add3A_146, %dma_wait3A_152] : memref<80x128xi32, #tpu.memory_space<vmem>> -> memref<1x128xi32, #tpu.memory_space<vmem>>
      %dma_wait3A_154 = tpu.memref_squeeze %dma_wait3A_153 : memref<1x128xi32, #tpu.memory_space<vmem>> -> memref<128xi32, #tpu.memory_space<vmem>>
      %dma_wait3A_155 = arith.constant 0 : i32
      %dma_wait3A_156 = arith.constant 0 : i32
      %dma_wait3A_157 = tpu.memref_slice %arg2[%dma_wait3A_155, %dma_wait3A_156] : memref<10000x32xbf16, #tpu.memory_space<hbm>> -> memref<10000x32xbf16, #tpu.memory_space<hbm>>
      tpu.wait_indirect_dma semaphore(%arg12 : memref<!tpu.dma_semaphore, #tpu.memory_space<semaphore_mem>>) src(%dma_wait3A_157 : memref<10000x32xbf16, #tpu.memory_space<hbm>>) dst(%dma_wait3A_151 : memref<128x32xbf16, #tpu.memory_space<vmem>>)
      %add3A_158 = arith.constant 2 : i32
      %add3A_159 = arith.addi %mul3A_132, %add3A_158 : i32
      %dma_wait3A_160 = arith.constant 2 : i32
      %dma_wait3A_161 = arith.constant 0 : i32
      %dma_wait3A_162 = arith.constant 0 : i32
      %dma_wait3A_163 = tpu.memref_slice %arg8[%dma_wait3A_160, %dma_wait3A_161, %dma_wait3A_162] : memref<4x128x32xbf16, #tpu.memory_space<vmem>> -> memref<1x128x32xbf16, #tpu.memory_space<vmem>>
      %dma_wait3A_164 = tpu.memref_squeeze %dma_wait3A_163 : memref<1x128x32xbf16, #tpu.memory_space<vmem>> -> memref<128x32xbf16, #tpu.memory_space<vmem>>
      %dma_wait3A_165 = arith.constant 0 : i32
      %dma_wait3A_166 = tpu.memref_slice %arg6[%add3A_159, %dma_wait3A_165] : memref<80x128xi32, #tpu.memory_space<vmem>> -> memref<1x128xi32, #tpu.memory_space<vmem>>
      %dma_wait3A_167 = tpu.memref_squeeze %dma_wait3A_166 : memref<1x128xi32, #tpu.memory_space<vmem>> -> memref<128xi32, #tpu.memory_space<vmem>>
      %dma_wait3A_168 = arith.constant 0 : i32
      %dma_wait3A_169 = arith.constant 0 : i32
      %dma_wait3A_170 = tpu.memref_slice %arg2[%dma_wait3A_168, %dma_wait3A_169] : memref<10000x32xbf16, #tpu.memory_space<hbm>> -> memref<10000x32xbf16, #tpu.memory_space<hbm>>
      tpu.wait_indirect_dma semaphore(%arg12 : memref<!tpu.dma_semaphore, #tpu.memory_space<semaphore_mem>>) src(%dma_wait3A_170 : memref<10000x32xbf16, #tpu.memory_space<hbm>>) dst(%dma_wait3A_164 : memref<128x32xbf16, #tpu.memory_space<vmem>>)
      %add3A_171 = arith.constant 3 : i32
      %add3A_172 = arith.addi %mul3A_132, %add3A_171 : i32
      %dma_wait3A_173 = arith.constant 3 : i32
      %dma_wait3A_174 = arith.constant 0 : i32
      %dma_wait3A_175 = arith.constant 0 : i32
      %dma_wait3A_176 = tpu.memref_slice %arg8[%dma_wait3A_173, %dma_wait3A_174, %dma_wait3A_175] : memref<4x128x32xbf16, #tpu.memory_space<vmem>> -> memref<1x128x32xbf16, #tpu.memory_space<vmem>>
      %dma_wait3A_177 = tpu.memref_squeeze %dma_wait3A_176 : memref<1x128x32xbf16, #tpu.memory_space<vmem>> -> memref<128x32xbf16, #tpu.memory_space<vmem>>
      %dma_wait3A_178 = arith.constant 0 : i32
      %dma_wait3A_179 = tpu.memref_slice %arg6[%add3A_172, %dma_wait3A_178] : memref<80x128xi32, #tpu.memory_space<vmem>> -> memref<1x128xi32, #tpu.memory_space<vmem>>
      %dma_wait3A_180 = tpu.memref_squeeze %dma_wait3A_179 : memref<1x128xi32, #tpu.memory_space<vmem>> -> memref<128xi32, #tpu.memory_space<vmem>>
      %dma_wait3A_181 = arith.constant 0 : i32
      %dma_wait3A_182 = arith.constant 0 : i32
      %dma_wait3A_183 = tpu.memref_slice %arg2[%dma_wait3A_181, %dma_wait3A_182] : memref<10000x32xbf16, #tpu.memory_space<hbm>> -> memref<10000x32xbf16, #tpu.memory_space<hbm>>
      tpu.wait_indirect_dma semaphore(%arg12 : memref<!tpu.dma_semaphore, #tpu.memory_space<semaphore_mem>>) src(%dma_wait3A_183 : memref<10000x32xbf16, #tpu.memory_space<hbm>>) dst(%dma_wait3A_177 : memref<128x32xbf16, #tpu.memory_space<vmem>>)
      %add3A_184 = arith.constant 0 : i32
      %add3A_185 = arith.addi %mul3A_132, %add3A_184 : i32
      %dma_start3A_186 = arith.constant 0 : i32
      %dma_start3A_187 = arith.constant 0 : i32
      %dma_start3A_188 = arith.constant 0 : i32
      %dma_start3A_189 = tpu.memref_slice %arg8[%dma_start3A_186, %dma_start3A_187, %dma_start3A_188] : memref<4x128x32xbf16, #tpu.memory_space<vmem>> -> memref<1x128x32xbf16, #tpu.memory_space<vmem>>
      %dma_start3A_190 = tpu.memref_squeeze %dma_start3A_189 : memref<1x128x32xbf16, #tpu.memory_space<vmem>> -> memref<128x32xbf16, #tpu.memory_space<vmem>>
      %dma_start3A_191 = arith.constant 0 : i32
      %dma_start3A_192 = tpu.memref_slice %arg7[%add3A_185, %dma_start3A_191] : memref<80x128xi32, #tpu.memory_space<vmem>> -> memref<1x128xi32, #tpu.memory_space<vmem>>
      %dma_start3A_193 = tpu.memref_squeeze %dma_start3A_192 : memref<1x128xi32, #tpu.memory_space<vmem>> -> memref<128xi32, #tpu.memory_space<vmem>>
      %dma_start3A_194 = arith.constant 0 : i32
      %dma_start3A_195 = arith.constant 0 : i32
      %dma_start3A_196 = tpu.memref_slice %arg11[%dma_start3A_194, %dma_start3A_195] : memref<10002x32xbf16, #tpu.memory_space<vmem_shared>> -> memref<10002x32xbf16, #tpu.memory_space<vmem_shared>>
      tpu.enqueue_indirect_dma source(%dma_start3A_190 : memref<128x32xbf16, #tpu.memory_space<vmem>>) target(%dma_start3A_196 : memref<10002x32xbf16, #tpu.memory_space<vmem_shared>>) offsets(%dma_start3A_193 : memref<128xi32, #tpu.memory_space<vmem>>) semaphore(%arg14 : memref<!tpu.dma_semaphore, #tpu.memory_space<semaphore_mem>>) {add = true}
      %add3A_197 = arith.constant 1 : i32
      %add3A_198 = arith.addi %mul3A_132, %add3A_197 : i32
      %dma_start3A_199 = arith.constant 1 : i32
      %dma_start3A_200 = arith.constant 0 : i32
      %dma_start3A_201 = arith.constant 0 : i32
      %dma_start3A_202 = tpu.memref_slice %arg8[%dma_start3A_199, %dma_start3A_200, %dma_start3A_201] : memref<4x128x32xbf16, #tpu.memory_space<vmem>> -> memref<1x128x32xbf16, #tpu.memory_space<vmem>>
      %dma_start3A_203 = tpu.memref_squeeze %dma_start3A_202 : memref<1x128x32xbf16, #tpu.memory_space<vmem>> -> memref<128x32xbf16, #tpu.memory_space<vmem>>
      %dma_start3A_204 = arith.constant 0 : i32
      %dma_start3A_205 = tpu.memref_slice %arg7[%add3A_198, %dma_start3A_204] : memref<80x128xi32, #tpu.memory_space<vmem>> -> memref<1x128xi32, #tpu.memory_space<vmem>>
      %dma_start3A_206 = tpu.memref_squeeze %dma_start3A_205 : memref<1x128xi32, #tpu.memory_space<vmem>> -> memref<128xi32, #tpu.memory_space<vmem>>
      %dma_start3A_207 = arith.constant 0 : i32
      %dma_start3A_208 = arith.constant 0 : i32
      %dma_start3A_209 = tpu.memref_slice %arg11[%dma_start3A_207, %dma_start3A_208] : memref<10002x32xbf16, #tpu.memory_space<vmem_shared>> -> memref<10002x32xbf16, #tpu.memory_space<vmem_shared>>
      tpu.enqueue_indirect_dma source(%dma_start3A_203 : memref<128x32xbf16, #tpu.memory_space<vmem>>) target(%dma_start3A_209 : memref<10002x32xbf16, #tpu.memory_space<vmem_shared>>) offsets(%dma_start3A_206 : memref<128xi32, #tpu.memory_space<vmem>>) semaphore(%arg14 : memref<!tpu.dma_semaphore, #tpu.memory_space<semaphore_mem>>) {add = true}
      %add3A_210 = arith.constant 2 : i32
      %add3A_211 = arith.addi %mul3A_132, %add3A_210 : i32
      %dma_start3A_212 = arith.constant 2 : i32
      %dma_start3A_213 = arith.constant 0 : i32
      %dma_start3A_214 = arith.constant 0 : i32
      %dma_start3A_215 = tpu.memref_slice %arg8[%dma_start3A_212, %dma_start3A_213, %dma_start3A_214] : memref<4x128x32xbf16, #tpu.memory_space<vmem>> -> memref<1x128x32xbf16, #tpu.memory_space<vmem>>
      %dma_start3A_216 = tpu.memref_squeeze %dma_start3A_215 : memref<1x128x32xbf16, #tpu.memory_space<vmem>> -> memref<128x32xbf16, #tpu.memory_space<vmem>>
      %dma_start3A_217 = arith.constant 0 : i32
      %dma_start3A_218 = tpu.memref_slice %arg7[%add3A_211, %dma_start3A_217] : memref<80x128xi32, #tpu.memory_space<vmem>> -> memref<1x128xi32, #tpu.memory_space<vmem>>
      %dma_start3A_219 = tpu.memref_squeeze %dma_start3A_218 : memref<1x128xi32, #tpu.memory_space<vmem>> -> memref<128xi32, #tpu.memory_space<vmem>>
      %dma_start3A_220 = arith.constant 0 : i32
      %dma_start3A_221 = arith.constant 0 : i32
      %dma_start3A_222 = tpu.memref_slice %arg11[%dma_start3A_220, %dma_start3A_221] : memref<10002x32xbf16, #tpu.memory_space<vmem_shared>> -> memref<10002x32xbf16, #tpu.memory_space<vmem_shared>>
      tpu.enqueue_indirect_dma source(%dma_start3A_216 : memref<128x32xbf16, #tpu.memory_space<vmem>>) target(%dma_start3A_222 : memref<10002x32xbf16, #tpu.memory_space<vmem_shared>>) offsets(%dma_start3A_219 : memref<128xi32, #tpu.memory_space<vmem>>) semaphore(%arg14 : memref<!tpu.dma_semaphore, #tpu.memory_space<semaphore_mem>>) {add = true}
      %add3A_223 = arith.constant 3 : i32
      %add3A_224 = arith.addi %mul3A_132, %add3A_223 : i32
      %dma_start3A_225 = arith.constant 3 : i32
      %dma_start3A_226 = arith.constant 0 : i32
      %dma_start3A_227 = arith.constant 0 : i32
      %dma_start3A_228 = tpu.memref_slice %arg8[%dma_start3A_225, %dma_start3A_226, %dma_start3A_227] : memref<4x128x32xbf16, #tpu.memory_space<vmem>> -> memref<1x128x32xbf16, #tpu.memory_space<vmem>>
      %dma_start3A_229 = tpu.memref_squeeze %dma_start3A_228 : memref<1x128x32xbf16, #tpu.memory_space<vmem>> -> memref<128x32xbf16, #tpu.memory_space<vmem>>
      %dma_start3A_230 = arith.constant 0 : i32
      %dma_start3A_231 = tpu.memref_slice %arg7[%add3A_224, %dma_start3A_230] : memref<80x128xi32, #tpu.memory_space<vmem>> -> memref<1x128xi32, #tpu.memory_space<vmem>>
      %dma_start3A_232 = tpu.memref_squeeze %dma_start3A_231 : memref<1x128xi32, #tpu.memory_space<vmem>> -> memref<128xi32, #tpu.memory_space<vmem>>
      %dma_start3A_233 = arith.constant 0 : i32
      %dma_start3A_234 = arith.constant 0 : i32
      %dma_start3A_235 = tpu.memref_slice %arg11[%dma_start3A_233, %dma_start3A_234] : memref<10002x32xbf16, #tpu.memory_space<vmem_shared>> -> memref<10002x32xbf16, #tpu.memory_space<vmem_shared>>
      tpu.enqueue_indirect_dma source(%dma_start3A_229 : memref<128x32xbf16, #tpu.memory_space<vmem>>) target(%dma_start3A_235 : memref<10002x32xbf16, #tpu.memory_space<vmem_shared>>) offsets(%dma_start3A_232 : memref<128xi32, #tpu.memory_space<vmem>>) semaphore(%arg14 : memref<!tpu.dma_semaphore, #tpu.memory_space<semaphore_mem>>) {add = true}
      %add3A_236 = arith.constant 4 : i32
      %add3A_237 = arith.addi %mul3A_132, %add3A_236 : i32
      %add3A_238 = arith.constant 0 : i32
      %add3A_239 = arith.addi %add3A_237, %add3A_238 : i32
      %dma_wait3A_240 = arith.constant 0 : i32
      %dma_wait3A_241 = arith.constant 0 : i32
      %dma_wait3A_242 = arith.constant 0 : i32
      %dma_wait3A_243 = tpu.memref_slice %arg9[%dma_wait3A_240, %dma_wait3A_241, %dma_wait3A_242] : memref<4x128x32xbf16, #tpu.memory_space<vmem>> -> memref<1x128x32xbf16, #tpu.memory_space<vmem>>
      %dma_wait3A_244 = tpu.memref_squeeze %dma_wait3A_243 : memref<1x128x32xbf16, #tpu.memory_space<vmem>> -> memref<128x32xbf16, #tpu.memory_space<vmem>>
      %dma_wait3A_245 = arith.constant 0 : i32
      %dma_wait3A_246 = tpu.memref_slice %arg6[%add3A_239, %dma_wait3A_245] : memref<80x128xi32, #tpu.memory_space<vmem>> -> memref<1x128xi32, #tpu.memory_space<vmem>>
      %dma_wait3A_247 = tpu.memref_squeeze %dma_wait3A_246 : memref<1x128xi32, #tpu.memory_space<vmem>> -> memref<128xi32, #tpu.memory_space<vmem>>
      %dma_wait3A_248 = arith.constant 0 : i32
      %dma_wait3A_249 = arith.constant 0 : i32
      %dma_wait3A_250 = tpu.memref_slice %arg2[%dma_wait3A_248, %dma_wait3A_249] : memref<10000x32xbf16, #tpu.memory_space<hbm>> -> memref<10000x32xbf16, #tpu.memory_space<hbm>>
      tpu.wait_indirect_dma semaphore(%arg13 : memref<!tpu.dma_semaphore, #tpu.memory_space<semaphore_mem>>) src(%dma_wait3A_250 : memref<10000x32xbf16, #tpu.memory_space<hbm>>) dst(%dma_wait3A_244 : memref<128x32xbf16, #tpu.memory_space<vmem>>)
      %add3A_251 = arith.constant 1 : i32
      %add3A_252 = arith.addi %add3A_237, %add3A_251 : i32
      %dma_wait3A_253 = arith.constant 1 : i32
      %dma_wait3A_254 = arith.constant 0 : i32
      %dma_wait3A_255 = arith.constant 0 : i32
      %dma_wait3A_256 = tpu.memref_slice %arg9[%dma_wait3A_253, %dma_wait3A_254, %dma_wait3A_255] : memref<4x128x32xbf16, #tpu.memory_space<vmem>> -> memref<1x128x32xbf16, #tpu.memory_space<vmem>>
      %dma_wait3A_257 = tpu.memref_squeeze %dma_wait3A_256 : memref<1x128x32xbf16, #tpu.memory_space<vmem>> -> memref<128x32xbf16, #tpu.memory_space<vmem>>
      %dma_wait3A_258 = arith.constant 0 : i32
      %dma_wait3A_259 = tpu.memref_slice %arg6[%add3A_252, %dma_wait3A_258] : memref<80x128xi32, #tpu.memory_space<vmem>> -> memref<1x128xi32, #tpu.memory_space<vmem>>
      %dma_wait3A_260 = tpu.memref_squeeze %dma_wait3A_259 : memref<1x128xi32, #tpu.memory_space<vmem>> -> memref<128xi32, #tpu.memory_space<vmem>>
      %dma_wait3A_261 = arith.constant 0 : i32
      %dma_wait3A_262 = arith.constant 0 : i32
      %dma_wait3A_263 = tpu.memref_slice %arg2[%dma_wait3A_261, %dma_wait3A_262] : memref<10000x32xbf16, #tpu.memory_space<hbm>> -> memref<10000x32xbf16, #tpu.memory_space<hbm>>
      tpu.wait_indirect_dma semaphore(%arg13 : memref<!tpu.dma_semaphore, #tpu.memory_space<semaphore_mem>>) src(%dma_wait3A_263 : memref<10000x32xbf16, #tpu.memory_space<hbm>>) dst(%dma_wait3A_257 : memref<128x32xbf16, #tpu.memory_space<vmem>>)
      %add3A_264 = arith.constant 2 : i32
      %add3A_265 = arith.addi %add3A_237, %add3A_264 : i32
      %dma_wait3A_266 = arith.constant 2 : i32
      %dma_wait3A_267 = arith.constant 0 : i32
      %dma_wait3A_268 = arith.constant 0 : i32
      %dma_wait3A_269 = tpu.memref_slice %arg9[%dma_wait3A_266, %dma_wait3A_267, %dma_wait3A_268] : memref<4x128x32xbf16, #tpu.memory_space<vmem>> -> memref<1x128x32xbf16, #tpu.memory_space<vmem>>
      %dma_wait3A_270 = tpu.memref_squeeze %dma_wait3A_269 : memref<1x128x32xbf16, #tpu.memory_space<vmem>> -> memref<128x32xbf16, #tpu.memory_space<vmem>>
      %dma_wait3A_271 = arith.constant 0 : i32
      %dma_wait3A_272 = tpu.memref_slice %arg6[%add3A_265, %dma_wait3A_271] : memref<80x128xi32, #tpu.memory_space<vmem>> -> memref<1x128xi32, #tpu.memory_space<vmem>>
      %dma_wait3A_273 = tpu.memref_squeeze %dma_wait3A_272 : memref<1x128xi32, #tpu.memory_space<vmem>> -> memref<128xi32, #tpu.memory_space<vmem>>
      %dma_wait3A_274 = arith.constant 0 : i32
      %dma_wait3A_275 = arith.constant 0 : i32
      %dma_wait3A_276 = tpu.memref_slice %arg2[%dma_wait3A_274, %dma_wait3A_275] : memref<10000x32xbf16, #tpu.memory_space<hbm>> -> memref<10000x32xbf16, #tpu.memory_space<hbm>>
      tpu.wait_indirect_dma semaphore(%arg13 : memref<!tpu.dma_semaphore, #tpu.memory_space<semaphore_mem>>) src(%dma_wait3A_276 : memref<10000x32xbf16, #tpu.memory_space<hbm>>) dst(%dma_wait3A_270 : memref<128x32xbf16, #tpu.memory_space<vmem>>)
      %add3A_277 = arith.constant 3 : i32
      %add3A_278 = arith.addi %add3A_237, %add3A_277 : i32
      %dma_wait3A_279 = arith.constant 3 : i32
      %dma_wait3A_280 = arith.constant 0 : i32
      %dma_wait3A_281 = arith.constant 0 : i32
      %dma_wait3A_282 = tpu.memref_slice %arg9[%dma_wait3A_279, %dma_wait3A_280, %dma_wait3A_281] : memref<4x128x32xbf16, #tpu.memory_space<vmem>> -> memref<1x128x32xbf16, #tpu.memory_space<vmem>>
      %dma_wait3A_283 = tpu.memref_squeeze %dma_wait3A_282 : memref<1x128x32xbf16, #tpu.memory_space<vmem>> -> memref<128x32xbf16, #tpu.memory_space<vmem>>
      %dma_wait3A_284 = arith.constant 0 : i32
      %dma_wait3A_285 = tpu.memref_slice %arg6[%add3A_278, %dma_wait3A_284] : memref<80x128xi32, #tpu.memory_space<vmem>> -> memref<1x128xi32, #tpu.memory_space<vmem>>
      %dma_wait3A_286 = tpu.memref_squeeze %dma_wait3A_285 : memref<1x128xi32, #tpu.memory_space<vmem>> -> memref<128xi32, #tpu.memory_space<vmem>>
      %dma_wait3A_287 = arith.constant 0 : i32
      %dma_wait3A_288 = arith.constant 0 : i32
      %dma_wait3A_289 = tpu.memref_slice %arg2[%dma_wait3A_287, %dma_wait3A_288] : memref<10000x32xbf16, #tpu.memory_space<hbm>> -> memref<10000x32xbf16, #tpu.memory_space<hbm>>
      tpu.wait_indirect_dma semaphore(%arg13 : memref<!tpu.dma_semaphore, #tpu.memory_space<semaphore_mem>>) src(%dma_wait3A_289 : memref<10000x32xbf16, #tpu.memory_space<hbm>>) dst(%dma_wait3A_283 : memref<128x32xbf16, #tpu.memory_space<vmem>>)
      %add3A_290 = arith.constant 4 : i32
      %add3A_291 = arith.addi %mul3A_132, %add3A_290 : i32
      %add3A_292 = arith.constant 0 : i32
      %add3A_293 = arith.addi %add3A_291, %add3A_292 : i32
      %dma_start3A_294 = arith.constant 0 : i32
      %dma_start3A_295 = arith.constant 0 : i32
      %dma_start3A_296 = arith.constant 0 : i32
      %dma_start3A_297 = tpu.memref_slice %arg9[%dma_start3A_294, %dma_start3A_295, %dma_start3A_296] : memref<4x128x32xbf16, #tpu.memory_space<vmem>> -> memref<1x128x32xbf16, #tpu.memory_space<vmem>>
      %dma_start3A_298 = tpu.memref_squeeze %dma_start3A_297 : memref<1x128x32xbf16, #tpu.memory_space<vmem>> -> memref<128x32xbf16, #tpu.memory_space<vmem>>
      %dma_start3A_299 = arith.constant 0 : i32
      %dma_start3A_300 = tpu.memref_slice %arg7[%add3A_293, %dma_start3A_299] : memref<80x128xi32, #tpu.memory_space<vmem>> -> memref<1x128xi32, #tpu.memory_space<vmem>>
      %dma_start3A_301 = tpu.memref_squeeze %dma_start3A_300 : memref<1x128xi32, #tpu.memory_space<vmem>> -> memref<128xi32, #tpu.memory_space<vmem>>
      %dma_start3A_302 = arith.constant 0 : i32
      %dma_start3A_303 = arith.constant 0 : i32
      %dma_start3A_304 = tpu.memref_slice %arg11[%dma_start3A_302, %dma_start3A_303] : memref<10002x32xbf16, #tpu.memory_space<vmem_shared>> -> memref<10002x32xbf16, #tpu.memory_space<vmem_shared>>
      tpu.enqueue_indirect_dma source(%dma_start3A_298 : memref<128x32xbf16, #tpu.memory_space<vmem>>) target(%dma_start3A_304 : memref<10002x32xbf16, #tpu.memory_space<vmem_shared>>) offsets(%dma_start3A_301 : memref<128xi32, #tpu.memory_space<vmem>>) semaphore(%arg15 : memref<!tpu.dma_semaphore, #tpu.memory_space<semaphore_mem>>) {add = true}
      %add3A_305 = arith.constant 1 : i32
      %add3A_306 = arith.addi %add3A_291, %add3A_305 : i32
      %dma_start3A_307 = arith.constant 1 : i32
      %dma_start3A_308 = arith.constant 0 : i32
      %dma_start3A_309 = arith.constant 0 : i32
      %dma_start3A_310 = tpu.memref_slice %arg9[%dma_start3A_307, %dma_start3A_308, %dma_start3A_309] : memref<4x128x32xbf16, #tpu.memory_space<vmem>> -> memref<1x128x32xbf16, #tpu.memory_space<vmem>>
      %dma_start3A_311 = tpu.memref_squeeze %dma_start3A_310 : memref<1x128x32xbf16, #tpu.memory_space<vmem>> -> memref<128x32xbf16, #tpu.memory_space<vmem>>
      %dma_start3A_312 = arith.constant 0 : i32
      %dma_start3A_313 = tpu.memref_slice %arg7[%add3A_306, %dma_start3A_312] : memref<80x128xi32, #tpu.memory_space<vmem>> -> memref<1x128xi32, #tpu.memory_space<vmem>>
      %dma_start3A_314 = tpu.memref_squeeze %dma_start3A_313 : memref<1x128xi32, #tpu.memory_space<vmem>> -> memref<128xi32, #tpu.memory_space<vmem>>
      %dma_start3A_315 = arith.constant 0 : i32
      %dma_start3A_316 = arith.constant 0 : i32
      %dma_start3A_317 = tpu.memref_slice %arg11[%dma_start3A_315, %dma_start3A_316] : memref<10002x32xbf16, #tpu.memory_space<vmem_shared>> -> memref<10002x32xbf16, #tpu.memory_space<vmem_shared>>
      tpu.enqueue_indirect_dma source(%dma_start3A_311 : memref<128x32xbf16, #tpu.memory_space<vmem>>) target(%dma_start3A_317 : memref<10002x32xbf16, #tpu.memory_space<vmem_shared>>) offsets(%dma_start3A_314 : memref<128xi32, #tpu.memory_space<vmem>>) semaphore(%arg15 : memref<!tpu.dma_semaphore, #tpu.memory_space<semaphore_mem>>) {add = true}
      %add3A_318 = arith.constant 2 : i32
      %add3A_319 = arith.addi %add3A_291, %add3A_318 : i32
      %dma_start3A_320 = arith.constant 2 : i32
      %dma_start3A_321 = arith.constant 0 : i32
      %dma_start3A_322 = arith.constant 0 : i32
      %dma_start3A_323 = tpu.memref_slice %arg9[%dma_start3A_320, %dma_start3A_321, %dma_start3A_322] : memref<4x128x32xbf16, #tpu.memory_space<vmem>> -> memref<1x128x32xbf16, #tpu.memory_space<vmem>>
      %dma_start3A_324 = tpu.memref_squeeze %dma_start3A_323 : memref<1x128x32xbf16, #tpu.memory_space<vmem>> -> memref<128x32xbf16, #tpu.memory_space<vmem>>
      %dma_start3A_325 = arith.constant 0 : i32
      %dma_start3A_326 = tpu.memref_slice %arg7[%add3A_319, %dma_start3A_325] : memref<80x128xi32, #tpu.memory_space<vmem>> -> memref<1x128xi32, #tpu.memory_space<vmem>>
      %dma_start3A_327 = tpu.memref_squeeze %dma_start3A_326 : memref<1x128xi32, #tpu.memory_space<vmem>> -> memref<128xi32, #tpu.memory_space<vmem>>
      %dma_start3A_328 = arith.constant 0 : i32
      %dma_start3A_329 = arith.constant 0 : i32
      %dma_start3A_330 = tpu.memref_slice %arg11[%dma_start3A_328, %dma_start3A_329] : memref<10002x32xbf16, #tpu.memory_space<vmem_shared>> -> memref<10002x32xbf16, #tpu.memory_space<vmem_shared>>
      tpu.enqueue_indirect_dma source(%dma_start3A_324 : memref<128x32xbf16, #tpu.memory_space<vmem>>) target(%dma_start3A_330 : memref<10002x32xbf16, #tpu.memory_space<vmem_shared>>) offsets(%dma_start3A_327 : memref<128xi32, #tpu.memory_space<vmem>>) semaphore(%arg15 : memref<!tpu.dma_semaphore, #tpu.memory_space<semaphore_mem>>) {add = true}
      %add3A_331 = arith.constant 3 : i32
      %add3A_332 = arith.addi %add3A_291, %add3A_331 : i32
      %dma_start3A_333 = arith.constant 3 : i32
      %dma_start3A_334 = arith.constant 0 : i32
      %dma_start3A_335 = arith.constant 0 : i32
      %dma_start3A_336 = tpu.memref_slice %arg9[%dma_start3A_333, %dma_start3A_334, %dma_start3A_335] : memref<4x128x32xbf16, #tpu.memory_space<vmem>> -> memref<1x128x32xbf16, #tpu.memory_space<vmem>>
      %dma_start3A_337 = tpu.memref_squeeze %dma_start3A_336 : memref<1x128x32xbf16, #tpu.memory_space<vmem>> -> memref<128x32xbf16, #tpu.memory_space<vmem>>
      %dma_start3A_338 = arith.constant 0 : i32
      %dma_start3A_339 = tpu.memref_slice %arg7[%add3A_332, %dma_start3A_338] : memref<80x128xi32, #tpu.memory_space<vmem>> -> memref<1x128xi32, #tpu.memory_space<vmem>>
      %dma_start3A_340 = tpu.memref_squeeze %dma_start3A_339 : memref<1x128xi32, #tpu.memory_space<vmem>> -> memref<128xi32, #tpu.memory_space<vmem>>
      %dma_start3A_341 = arith.constant 0 : i32
      %dma_start3A_342 = arith.constant 0 : i32
      %dma_start3A_343 = tpu.memref_slice %arg11[%dma_start3A_341, %dma_start3A_342] : memref<10002x32xbf16, #tpu.memory_space<vmem_shared>> -> memref<10002x32xbf16, #tpu.memory_space<vmem_shared>>
      tpu.enqueue_indirect_dma source(%dma_start3A_337 : memref<128x32xbf16, #tpu.memory_space<vmem>>) target(%dma_start3A_343 : memref<10002x32xbf16, #tpu.memory_space<vmem_shared>>) offsets(%dma_start3A_340 : memref<128xi32, #tpu.memory_space<vmem>>) semaphore(%arg15 : memref<!tpu.dma_semaphore, #tpu.memory_space<semaphore_mem>>) {add = true}
      %add3A_344 = arith.constant 0 : i32
      %add3A_345 = arith.addi %mul3A_132, %add3A_344 : i32
      %dma_wait3A_346 = arith.constant 0 : i32
      %dma_wait3A_347 = arith.constant 0 : i32
      %dma_wait3A_348 = arith.constant 0 : i32
      %dma_wait3A_349 = tpu.memref_slice %arg8[%dma_wait3A_346, %dma_wait3A_347, %dma_wait3A_348] : memref<4x128x32xbf16, #tpu.memory_space<vmem>> -> memref<1x128x32xbf16, #tpu.memory_space<vmem>>
      %dma_wait3A_350 = tpu.memref_squeeze %dma_wait3A_349 : memref<1x128x32xbf16, #tpu.memory_space<vmem>> -> memref<128x32xbf16, #tpu.memory_space<vmem>>
      %dma_wait3A_351 = arith.constant 0 : i32
      %dma_wait3A_352 = tpu.memref_slice %arg7[%add3A_345, %dma_wait3A_351] : memref<80x128xi32, #tpu.memory_space<vmem>> -> memref<1x128xi32, #tpu.memory_space<vmem>>
      %dma_wait3A_353 = tpu.memref_squeeze %dma_wait3A_352 : memref<1x128xi32, #tpu.memory_space<vmem>> -> memref<128xi32, #tpu.memory_space<vmem>>
      %dma_wait3A_354 = arith.constant 0 : i32
      %dma_wait3A_355 = arith.constant 0 : i32
      %dma_wait3A_356 = tpu.memref_slice %arg11[%dma_wait3A_354, %dma_wait3A_355] : memref<10002x32xbf16, #tpu.memory_space<vmem_shared>> -> memref<10002x32xbf16, #tpu.memory_space<vmem_shared>>
      tpu.wait_indirect_dma semaphore(%arg14 : memref<!tpu.dma_semaphore, #tpu.memory_space<semaphore_mem>>) src(%dma_wait3A_350 : memref<128x32xbf16, #tpu.memory_space<vmem>>) dst(%dma_wait3A_356 : memref<10002x32xbf16, #tpu.memory_space<vmem_shared>>)
      %add3A_357 = arith.constant 1 : i32
      %add3A_358 = arith.addi %mul3A_132, %add3A_357 : i32
      %dma_wait3A_359 = arith.constant 1 : i32
      %dma_wait3A_360 = arith.constant 0 : i32
      %dma_wait3A_361 = arith.constant 0 : i32
      %dma_wait3A_362 = tpu.memref_slice %arg8[%dma_wait3A_359, %dma_wait3A_360, %dma_wait3A_361] : memref<4x128x32xbf16, #tpu.memory_space<vmem>> -> memref<1x128x32xbf16, #tpu.memory_space<vmem>>
      %dma_wait3A_363 = tpu.memref_squeeze %dma_wait3A_362 : memref<1x128x32xbf16, #tpu.memory_space<vmem>> -> memref<128x32xbf16, #tpu.memory_space<vmem>>
      %dma_wait3A_364 = arith.constant 0 : i32
      %dma_wait3A_365 = tpu.memref_slice %arg7[%add3A_358, %dma_wait3A_364] : memref<80x128xi32, #tpu.memory_space<vmem>> -> memref<1x128xi32, #tpu.memory_space<vmem>>
      %dma_wait3A_366 = tpu.memref_squeeze %dma_wait3A_365 : memref<1x128xi32, #tpu.memory_space<vmem>> -> memref<128xi32, #tpu.memory_space<vmem>>
      %dma_wait3A_367 = arith.constant 0 : i32
      %dma_wait3A_368 = arith.constant 0 : i32
      %dma_wait3A_369 = tpu.memref_slice %arg11[%dma_wait3A_367, %dma_wait3A_368] : memref<10002x32xbf16, #tpu.memory_space<vmem_shared>> -> memref<10002x32xbf16, #tpu.memory_space<vmem_shared>>
      tpu.wait_indirect_dma semaphore(%arg14 : memref<!tpu.dma_semaphore, #tpu.memory_space<semaphore_mem>>) src(%dma_wait3A_363 : memref<128x32xbf16, #tpu.memory_space<vmem>>) dst(%dma_wait3A_369 : memref<10002x32xbf16, #tpu.memory_space<vmem_shared>>)
      %add3A_370 = arith.constant 2 : i32
      %add3A_371 = arith.addi %mul3A_132, %add3A_370 : i32
      %dma_wait3A_372 = arith.constant 2 : i32
      %dma_wait3A_373 = arith.constant 0 : i32
      %dma_wait3A_374 = arith.constant 0 : i32
      %dma_wait3A_375 = tpu.memref_slice %arg8[%dma_wait3A_372, %dma_wait3A_373, %dma_wait3A_374] : memref<4x128x32xbf16, #tpu.memory_space<vmem>> -> memref<1x128x32xbf16, #tpu.memory_space<vmem>>
      %dma_wait3A_376 = tpu.memref_squeeze %dma_wait3A_375 : memref<1x128x32xbf16, #tpu.memory_space<vmem>> -> memref<128x32xbf16, #tpu.memory_space<vmem>>
      %dma_wait3A_377 = arith.constant 0 : i32
      %dma_wait3A_378 = tpu.memref_slice %arg7[%add3A_371, %dma_wait3A_377] : memref<80x128xi32, #tpu.memory_space<vmem>> -> memref<1x128xi32, #tpu.memory_space<vmem>>
      %dma_wait3A_379 = tpu.memref_squeeze %dma_wait3A_378 : memref<1x128xi32, #tpu.memory_space<vmem>> -> memref<128xi32, #tpu.memory_space<vmem>>
      %dma_wait3A_380 = arith.constant 0 : i32
      %dma_wait3A_381 = arith.constant 0 : i32
      %dma_wait3A_382 = tpu.memref_slice %arg11[%dma_wait3A_380, %dma_wait3A_381] : memref<10002x32xbf16, #tpu.memory_space<vmem_shared>> -> memref<10002x32xbf16, #tpu.memory_space<vmem_shared>>
      tpu.wait_indirect_dma semaphore(%arg14 : memref<!tpu.dma_semaphore, #tpu.memory_space<semaphore_mem>>) src(%dma_wait3A_376 : memref<128x32xbf16, #tpu.memory_space<vmem>>) dst(%dma_wait3A_382 : memref<10002x32xbf16, #tpu.memory_space<vmem_shared>>)
      %add3A_383 = arith.constant 3 : i32
      %add3A_384 = arith.addi %mul3A_132, %add3A_383 : i32
      %dma_wait3A_385 = arith.constant 3 : i32
      %dma_wait3A_386 = arith.constant 0 : i32
      %dma_wait3A_387 = arith.constant 0 : i32
      %dma_wait3A_388 = tpu.memref_slice %arg8[%dma_wait3A_385, %dma_wait3A_386, %dma_wait3A_387] : memref<4x128x32xbf16, #tpu.memory_space<vmem>> -> memref<1x128x32xbf16, #tpu.memory_space<vmem>>
      %dma_wait3A_389 = tpu.memref_squeeze %dma_wait3A_388 : memref<1x128x32xbf16, #tpu.memory_space<vmem>> -> memref<128x32xbf16, #tpu.memory_space<vmem>>
      %dma_wait3A_390 = arith.constant 0 : i32
      %dma_wait3A_391 = tpu.memref_slice %arg7[%add3A_384, %dma_wait3A_390] : memref<80x128xi32, #tpu.memory_space<vmem>> -> memref<1x128xi32, #tpu.memory_space<vmem>>
      %dma_wait3A_392 = tpu.memref_squeeze %dma_wait3A_391 : memref<1x128xi32, #tpu.memory_space<vmem>> -> memref<128xi32, #tpu.memory_space<vmem>>
      %dma_wait3A_393 = arith.constant 0 : i32
      %dma_wait3A_394 = arith.constant 0 : i32
      %dma_wait3A_395 = tpu.memref_slice %arg11[%dma_wait3A_393, %dma_wait3A_394] : memref<10002x32xbf16, #tpu.memory_space<vmem_shared>> -> memref<10002x32xbf16, #tpu.memory_space<vmem_shared>>
      tpu.wait_indirect_dma semaphore(%arg14 : memref<!tpu.dma_semaphore, #tpu.memory_space<semaphore_mem>>) src(%dma_wait3A_389 : memref<128x32xbf16, #tpu.memory_space<vmem>>) dst(%dma_wait3A_395 : memref<10002x32xbf16, #tpu.memory_space<vmem_shared>>)
      %lt3A_396 = arith.constant 9 : i32
      %lt3A_397 = arith.cmpi slt, %scan3A_128, %lt3A_396 : i32
      %convert_element_type3A_398 = arith.extui %lt3A_397 : i1 to i32
      %cond3A_399 = arith.constant 0 : i32
      %cond3A_400 = arith.cmpi ne, %convert_element_type3A_398, %cond3A_399 : i32
      scf.if %cond3A_400 {
        %add3A_460 = arith.constant 8 : i32
        %add3A_461 = arith.addi %mul3A_132, %add3A_460 : i32
        %add3A_462 = arith.constant 0 : i32
        %add3A_463 = arith.addi %add3A_461, %add3A_462 : i32
        %dma_start3A_464 = arith.constant 0 : i32
        %dma_start3A_465 = arith.constant 0 : i32
        %dma_start3A_466 = arith.constant 0 : i32
        %dma_start3A_467 = tpu.memref_slice %arg8[%dma_start3A_464, %dma_start3A_465, %dma_start3A_466] : memref<4x128x32xbf16, #tpu.memory_space<vmem>> -> memref<1x128x32xbf16, #tpu.memory_space<vmem>>
        %dma_start3A_468 = tpu.memref_squeeze %dma_start3A_467 : memref<1x128x32xbf16, #tpu.memory_space<vmem>> -> memref<128x32xbf16, #tpu.memory_space<vmem>>
        %dma_start3A_469 = arith.constant 0 : i32
        %dma_start3A_470 = tpu.memref_slice %arg6[%add3A_463, %dma_start3A_469] : memref<80x128xi32, #tpu.memory_space<vmem>> -> memref<1x128xi32, #tpu.memory_space<vmem>>
        %dma_start3A_471 = tpu.memref_squeeze %dma_start3A_470 : memref<1x128xi32, #tpu.memory_space<vmem>> -> memref<128xi32, #tpu.memory_space<vmem>>
        %dma_start3A_472 = arith.constant 0 : i32
        %dma_start3A_473 = arith.constant 0 : i32
        %dma_start3A_474 = tpu.memref_slice %arg2[%dma_start3A_472, %dma_start3A_473] : memref<10000x32xbf16, #tpu.memory_space<hbm>> -> memref<10000x32xbf16, #tpu.memory_space<hbm>>
        tpu.enqueue_indirect_dma source(%dma_start3A_474 : memref<10000x32xbf16, #tpu.memory_space<hbm>>) target(%dma_start3A_468 : memref<128x32xbf16, #tpu.memory_space<vmem>>) offsets(%dma_start3A_471 : memref<128xi32, #tpu.memory_space<vmem>>) semaphore(%arg12 : memref<!tpu.dma_semaphore, #tpu.memory_space<semaphore_mem>>)
        %add3A_475 = arith.constant 1 : i32
        %add3A_476 = arith.addi %add3A_461, %add3A_475 : i32
        %dma_start3A_477 = arith.constant 1 : i32
        %dma_start3A_478 = arith.constant 0 : i32
        %dma_start3A_479 = arith.constant 0 : i32
        %dma_start3A_480 = tpu.memref_slice %arg8[%dma_start3A_477, %dma_start3A_478, %dma_start3A_479] : memref<4x128x32xbf16, #tpu.memory_space<vmem>> -> memref<1x128x32xbf16, #tpu.memory_space<vmem>>
        %dma_start3A_481 = tpu.memref_squeeze %dma_start3A_480 : memref<1x128x32xbf16, #tpu.memory_space<vmem>> -> memref<128x32xbf16, #tpu.memory_space<vmem>>
        %dma_start3A_482 = arith.constant 0 : i32
        %dma_start3A_483 = tpu.memref_slice %arg6[%add3A_476, %dma_start3A_482] : memref<80x128xi32, #tpu.memory_space<vmem>> -> memref<1x128xi32, #tpu.memory_space<vmem>>
        %dma_start3A_484 = tpu.memref_squeeze %dma_start3A_483 : memref<1x128xi32, #tpu.memory_space<vmem>> -> memref<128xi32, #tpu.memory_space<vmem>>
        %dma_start3A_485 = arith.constant 0 : i32
        %dma_start3A_486 = arith.constant 0 : i32
        %dma_start3A_487 = tpu.memref_slice %arg2[%dma_start3A_485, %dma_start3A_486] : memref<10000x32xbf16, #tpu.memory_space<hbm>> -> memref<10000x32xbf16, #tpu.memory_space<hbm>>
        tpu.enqueue_indirect_dma source(%dma_start3A_487 : memref<10000x32xbf16, #tpu.memory_space<hbm>>) target(%dma_start3A_481 : memref<128x32xbf16, #tpu.memory_space<vmem>>) offsets(%dma_start3A_484 : memref<128xi32, #tpu.memory_space<vmem>>) semaphore(%arg12 : memref<!tpu.dma_semaphore, #tpu.memory_space<semaphore_mem>>)
        %add3A_488 = arith.constant 2 : i32
        %add3A_489 = arith.addi %add3A_461, %add3A_488 : i32
        %dma_start3A_490 = arith.constant 2 : i32
        %dma_start3A_491 = arith.constant 0 : i32
        %dma_start3A_492 = arith.constant 0 : i32
        %dma_start3A_493 = tpu.memref_slice %arg8[%dma_start3A_490, %dma_start3A_491, %dma_start3A_492] : memref<4x128x32xbf16, #tpu.memory_space<vmem>> -> memref<1x128x32xbf16, #tpu.memory_space<vmem>>
        %dma_start3A_494 = tpu.memref_squeeze %dma_start3A_493 : memref<1x128x32xbf16, #tpu.memory_space<vmem>> -> memref<128x32xbf16, #tpu.memory_space<vmem>>
        %dma_start3A_495 = arith.constant 0 : i32
        %dma_start3A_496 = tpu.memref_slice %arg6[%add3A_489, %dma_start3A_495] : memref<80x128xi32, #tpu.memory_space<vmem>> -> memref<1x128xi32, #tpu.memory_space<vmem>>
        %dma_start3A_497 = tpu.memref_squeeze %dma_start3A_496 : memref<1x128xi32, #tpu.memory_space<vmem>> -> memref<128xi32, #tpu.memory_space<vmem>>
        %dma_start3A_498 = arith.constant 0 : i32
        %dma_start3A_499 = arith.constant 0 : i32
        %dma_start3A_500 = tpu.memref_slice %arg2[%dma_start3A_498, %dma_start3A_499] : memref<10000x32xbf16, #tpu.memory_space<hbm>> -> memref<10000x32xbf16, #tpu.memory_space<hbm>>
        tpu.enqueue_indirect_dma source(%dma_start3A_500 : memref<10000x32xbf16, #tpu.memory_space<hbm>>) target(%dma_start3A_494 : memref<128x32xbf16, #tpu.memory_space<vmem>>) offsets(%dma_start3A_497 : memref<128xi32, #tpu.memory_space<vmem>>) semaphore(%arg12 : memref<!tpu.dma_semaphore, #tpu.memory_space<semaphore_mem>>)
        %add3A_501 = arith.constant 3 : i32
        %add3A_502 = arith.addi %add3A_461, %add3A_501 : i32
        %dma_start3A_503 = arith.constant 3 : i32
        %dma_start3A_504 = arith.constant 0 : i32
        %dma_start3A_505 = arith.constant 0 : i32
        %dma_start3A_506 = tpu.memref_slice %arg8[%dma_start3A_503, %dma_start3A_504, %dma_start3A_505] : memref<4x128x32xbf16, #tpu.memory_space<vmem>> -> memref<1x128x32xbf16, #tpu.memory_space<vmem>>
        %dma_start3A_507 = tpu.memref_squeeze %dma_start3A_506 : memref<1x128x32xbf16, #tpu.memory_space<vmem>> -> memref<128x32xbf16, #tpu.memory_space<vmem>>
        %dma_start3A_508 = arith.constant 0 : i32
        %dma_start3A_509 = tpu.memref_slice %arg6[%add3A_502, %dma_start3A_508] : memref<80x128xi32, #tpu.memory_space<vmem>> -> memref<1x128xi32, #tpu.memory_space<vmem>>
        %dma_start3A_510 = tpu.memref_squeeze %dma_start3A_509 : memref<1x128xi32, #tpu.memory_space<vmem>> -> memref<128xi32, #tpu.memory_space<vmem>>
        %dma_start3A_511 = arith.constant 0 : i32
        %dma_start3A_512 = arith.constant 0 : i32
        %dma_start3A_513 = tpu.memref_slice %arg2[%dma_start3A_511, %dma_start3A_512] : memref<10000x32xbf16, #tpu.memory_space<hbm>> -> memref<10000x32xbf16, #tpu.memory_space<hbm>>
        tpu.enqueue_indirect_dma source(%dma_start3A_513 : memref<10000x32xbf16, #tpu.memory_space<hbm>>) target(%dma_start3A_507 : memref<128x32xbf16, #tpu.memory_space<vmem>>) offsets(%dma_start3A_510 : memref<128xi32, #tpu.memory_space<vmem>>) semaphore(%arg12 : memref<!tpu.dma_semaphore, #tpu.memory_space<semaphore_mem>>)
      } else {
      }
      %add3A_401 = arith.constant 4 : i32
      %add3A_402 = arith.addi %mul3A_132, %add3A_401 : i32
      %add3A_403 = arith.constant 0 : i32
      %add3A_404 = arith.addi %add3A_402, %add3A_403 : i32
      %dma_wait3A_405 = arith.constant 0 : i32
      %dma_wait3A_406 = arith.constant 0 : i32
      %dma_wait3A_407 = arith.constant 0 : i32
      %dma_wait3A_408 = tpu.memref_slice %arg9[%dma_wait3A_405, %dma_wait3A_406, %dma_wait3A_407] : memref<4x128x32xbf16, #tpu.memory_space<vmem>> -> memref<1x128x32xbf16, #tpu.memory_space<vmem>>
      %dma_wait3A_409 = tpu.memref_squeeze %dma_wait3A_408 : memref<1x128x32xbf16, #tpu.memory_space<vmem>> -> memref<128x32xbf16, #tpu.memory_space<vmem>>
      %dma_wait3A_410 = arith.constant 0 : i32
      %dma_wait3A_411 = tpu.memref_slice %arg7[%add3A_404, %dma_wait3A_410] : memref<80x128xi32, #tpu.memory_space<vmem>> -> memref<1x128xi32, #tpu.memory_space<vmem>>
      %dma_wait3A_412 = tpu.memref_squeeze %dma_wait3A_411 : memref<1x128xi32, #tpu.memory_space<vmem>> -> memref<128xi32, #tpu.memory_space<vmem>>
      %dma_wait3A_413 = arith.constant 0 : i32
      %dma_wait3A_414 = arith.constant 0 : i32
      %dma_wait3A_415 = tpu.memref_slice %arg11[%dma_wait3A_413, %dma_wait3A_414] : memref<10002x32xbf16, #tpu.memory_space<vmem_shared>> -> memref<10002x32xbf16, #tpu.memory_space<vmem_shared>>
      tpu.wait_indirect_dma semaphore(%arg15 : memref<!tpu.dma_semaphore, #tpu.memory_space<semaphore_mem>>) src(%dma_wait3A_409 : memref<128x32xbf16, #tpu.memory_space<vmem>>) dst(%dma_wait3A_415 : memref<10002x32xbf16, #tpu.memory_space<vmem_shared>>)
      %add3A_416 = arith.constant 1 : i32
      %add3A_417 = arith.addi %add3A_402, %add3A_416 : i32
      %dma_wait3A_418 = arith.constant 1 : i32
      %dma_wait3A_419 = arith.constant 0 : i32
      %dma_wait3A_420 = arith.constant 0 : i32
      %dma_wait3A_421 = tpu.memref_slice %arg9[%dma_wait3A_418, %dma_wait3A_419, %dma_wait3A_420] : memref<4x128x32xbf16, #tpu.memory_space<vmem>> -> memref<1x128x32xbf16, #tpu.memory_space<vmem>>
      %dma_wait3A_422 = tpu.memref_squeeze %dma_wait3A_421 : memref<1x128x32xbf16, #tpu.memory_space<vmem>> -> memref<128x32xbf16, #tpu.memory_space<vmem>>
      %dma_wait3A_423 = arith.constant 0 : i32
      %dma_wait3A_424 = tpu.memref_slice %arg7[%add3A_417, %dma_wait3A_423] : memref<80x128xi32, #tpu.memory_space<vmem>> -> memref<1x128xi32, #tpu.memory_space<vmem>>
      %dma_wait3A_425 = tpu.memref_squeeze %dma_wait3A_424 : memref<1x128xi32, #tpu.memory_space<vmem>> -> memref<128xi32, #tpu.memory_space<vmem>>
      %dma_wait3A_426 = arith.constant 0 : i32
      %dma_wait3A_427 = arith.constant 0 : i32
      %dma_wait3A_428 = tpu.memref_slice %arg11[%dma_wait3A_426, %dma_wait3A_427] : memref<10002x32xbf16, #tpu.memory_space<vmem_shared>> -> memref<10002x32xbf16, #tpu.memory_space<vmem_shared>>
      tpu.wait_indirect_dma semaphore(%arg15 : memref<!tpu.dma_semaphore, #tpu.memory_space<semaphore_mem>>) src(%dma_wait3A_422 : memref<128x32xbf16, #tpu.memory_space<vmem>>) dst(%dma_wait3A_428 : memref<10002x32xbf16, #tpu.memory_space<vmem_shared>>)
      %add3A_429 = arith.constant 2 : i32
      %add3A_430 = arith.addi %add3A_402, %add3A_429 : i32
      %dma_wait3A_431 = arith.constant 2 : i32
      %dma_wait3A_432 = arith.constant 0 : i32
      %dma_wait3A_433 = arith.constant 0 : i32
      %dma_wait3A_434 = tpu.memref_slice %arg9[%dma_wait3A_431, %dma_wait3A_432, %dma_wait3A_433] : memref<4x128x32xbf16, #tpu.memory_space<vmem>> -> memref<1x128x32xbf16, #tpu.memory_space<vmem>>
      %dma_wait3A_435 = tpu.memref_squeeze %dma_wait3A_434 : memref<1x128x32xbf16, #tpu.memory_space<vmem>> -> memref<128x32xbf16, #tpu.memory_space<vmem>>
      %dma_wait3A_436 = arith.constant 0 : i32
      %dma_wait3A_437 = tpu.memref_slice %arg7[%add3A_430, %dma_wait3A_436] : memref<80x128xi32, #tpu.memory_space<vmem>> -> memref<1x128xi32, #tpu.memory_space<vmem>>
      %dma_wait3A_438 = tpu.memref_squeeze %dma_wait3A_437 : memref<1x128xi32, #tpu.memory_space<vmem>> -> memref<128xi32, #tpu.memory_space<vmem>>
      %dma_wait3A_439 = arith.constant 0 : i32
      %dma_wait3A_440 = arith.constant 0 : i32
      %dma_wait3A_441 = tpu.memref_slice %arg11[%dma_wait3A_439, %dma_wait3A_440] : memref<10002x32xbf16, #tpu.memory_space<vmem_shared>> -> memref<10002x32xbf16, #tpu.memory_space<vmem_shared>>
      tpu.wait_indirect_dma semaphore(%arg15 : memref<!tpu.dma_semaphore, #tpu.memory_space<semaphore_mem>>) src(%dma_wait3A_435 : memref<128x32xbf16, #tpu.memory_space<vmem>>) dst(%dma_wait3A_441 : memref<10002x32xbf16, #tpu.memory_space<vmem_shared>>)
      %add3A_442 = arith.constant 3 : i32
      %add3A_443 = arith.addi %add3A_402, %add3A_442 : i32
      %dma_wait3A_444 = arith.constant 3 : i32
      %dma_wait3A_445 = arith.constant 0 : i32
      %dma_wait3A_446 = arith.constant 0 : i32
      %dma_wait3A_447 = tpu.memref_slice %arg9[%dma_wait3A_444, %dma_wait3A_445, %dma_wait3A_446] : memref<4x128x32xbf16, #tpu.memory_space<vmem>> -> memref<1x128x32xbf16, #tpu.memory_space<vmem>>
      %dma_wait3A_448 = tpu.memref_squeeze %dma_wait3A_447 : memref<1x128x32xbf16, #tpu.memory_space<vmem>> -> memref<128x32xbf16, #tpu.memory_space<vmem>>
      %dma_wait3A_449 = arith.constant 0 : i32
      %dma_wait3A_450 = tpu.memref_slice %arg7[%add3A_443, %dma_wait3A_449] : memref<80x128xi32, #tpu.memory_space<vmem>> -> memref<1x128xi32, #tpu.memory_space<vmem>>
      %dma_wait3A_451 = tpu.memref_squeeze %dma_wait3A_450 : memref<1x128xi32, #tpu.memory_space<vmem>> -> memref<128xi32, #tpu.memory_space<vmem>>
      %dma_wait3A_452 = arith.constant 0 : i32
      %dma_wait3A_453 = arith.constant 0 : i32
      %dma_wait3A_454 = tpu.memref_slice %arg11[%dma_wait3A_452, %dma_wait3A_453] : memref<10002x32xbf16, #tpu.memory_space<vmem_shared>> -> memref<10002x32xbf16, #tpu.memory_space<vmem_shared>>
      tpu.wait_indirect_dma semaphore(%arg15 : memref<!tpu.dma_semaphore, #tpu.memory_space<semaphore_mem>>) src(%dma_wait3A_448 : memref<128x32xbf16, #tpu.memory_space<vmem>>) dst(%dma_wait3A_454 : memref<10002x32xbf16, #tpu.memory_space<vmem_shared>>)
      %lt3A_455 = arith.constant 9 : i32
      %lt3A_456 = arith.cmpi slt, %scan3A_128, %lt3A_455 : i32
      %convert_element_type3A_457 = arith.extui %lt3A_456 : i1 to i32
      %cond3A_458 = arith.constant 0 : i32
      %cond3A_459 = arith.cmpi ne, %convert_element_type3A_457, %cond3A_458 : i32
      scf.if %cond3A_459 {
        %add3A_460 = arith.constant 12 : i32
        %add3A_461 = arith.addi %mul3A_132, %add3A_460 : i32
        %add3A_462 = arith.constant 0 : i32
        %add3A_463 = arith.addi %add3A_461, %add3A_462 : i32
        %dma_start3A_464 = arith.constant 0 : i32
        %dma_start3A_465 = arith.constant 0 : i32
        %dma_start3A_466 = arith.constant 0 : i32
        %dma_start3A_467 = tpu.memref_slice %arg9[%dma_start3A_464, %dma_start3A_465, %dma_start3A_466] : memref<4x128x32xbf16, #tpu.memory_space<vmem>> -> memref<1x128x32xbf16, #tpu.memory_space<vmem>>
        %dma_start3A_468 = tpu.memref_squeeze %dma_start3A_467 : memref<1x128x32xbf16, #tpu.memory_space<vmem>> -> memref<128x32xbf16, #tpu.memory_space<vmem>>
        %dma_start3A_469 = arith.constant 0 : i32
        %dma_start3A_470 = tpu.memref_slice %arg6[%add3A_463, %dma_start3A_469] : memref<80x128xi32, #tpu.memory_space<vmem>> -> memref<1x128xi32, #tpu.memory_space<vmem>>
        %dma_start3A_471 = tpu.memref_squeeze %dma_start3A_470 : memref<1x128xi32, #tpu.memory_space<vmem>> -> memref<128xi32, #tpu.memory_space<vmem>>
        %dma_start3A_472 = arith.constant 0 : i32
        %dma_start3A_473 = arith.constant 0 : i32
        %dma_start3A_474 = tpu.memref_slice %arg2[%dma_start3A_472, %dma_start3A_473] : memref<10000x32xbf16, #tpu.memory_space<hbm>> -> memref<10000x32xbf16, #tpu.memory_space<hbm>>
        tpu.enqueue_indirect_dma source(%dma_start3A_474 : memref<10000x32xbf16, #tpu.memory_space<hbm>>) target(%dma_start3A_468 : memref<128x32xbf16, #tpu.memory_space<vmem>>) offsets(%dma_start3A_471 : memref<128xi32, #tpu.memory_space<vmem>>) semaphore(%arg13 : memref<!tpu.dma_semaphore, #tpu.memory_space<semaphore_mem>>)
        %add3A_475 = arith.constant 1 : i32
        %add3A_476 = arith.addi %add3A_461, %add3A_475 : i32
        %dma_start3A_477 = arith.constant 1 : i32
        %dma_start3A_478 = arith.constant 0 : i32
        %dma_start3A_479 = arith.constant 0 : i32
        %dma_start3A_480 = tpu.memref_slice %arg9[%dma_start3A_477, %dma_start3A_478, %dma_start3A_479] : memref<4x128x32xbf16, #tpu.memory_space<vmem>> -> memref<1x128x32xbf16, #tpu.memory_space<vmem>>
        %dma_start3A_481 = tpu.memref_squeeze %dma_start3A_480 : memref<1x128x32xbf16, #tpu.memory_space<vmem>> -> memref<128x32xbf16, #tpu.memory_space<vmem>>
        %dma_start3A_482 = arith.constant 0 : i32
        %dma_start3A_483 = tpu.memref_slice %arg6[%add3A_476, %dma_start3A_482] : memref<80x128xi32, #tpu.memory_space<vmem>> -> memref<1x128xi32, #tpu.memory_space<vmem>>
        %dma_start3A_484 = tpu.memref_squeeze %dma_start3A_483 : memref<1x128xi32, #tpu.memory_space<vmem>> -> memref<128xi32, #tpu.memory_space<vmem>>
        %dma_start3A_485 = arith.constant 0 : i32
        %dma_start3A_486 = arith.constant 0 : i32
        %dma_start3A_487 = tpu.memref_slice %arg2[%dma_start3A_485, %dma_start3A_486] : memref<10000x32xbf16, #tpu.memory_space<hbm>> -> memref<10000x32xbf16, #tpu.memory_space<hbm>>
        tpu.enqueue_indirect_dma source(%dma_start3A_487 : memref<10000x32xbf16, #tpu.memory_space<hbm>>) target(%dma_start3A_481 : memref<128x32xbf16, #tpu.memory_space<vmem>>) offsets(%dma_start3A_484 : memref<128xi32, #tpu.memory_space<vmem>>) semaphore(%arg13 : memref<!tpu.dma_semaphore, #tpu.memory_space<semaphore_mem>>)
        %add3A_488 = arith.constant 2 : i32
        %add3A_489 = arith.addi %add3A_461, %add3A_488 : i32
        %dma_start3A_490 = arith.constant 2 : i32
        %dma_start3A_491 = arith.constant 0 : i32
        %dma_start3A_492 = arith.constant 0 : i32
        %dma_start3A_493 = tpu.memref_slice %arg9[%dma_start3A_490, %dma_start3A_491, %dma_start3A_492] : memref<4x128x32xbf16, #tpu.memory_space<vmem>> -> memref<1x128x32xbf16, #tpu.memory_space<vmem>>
        %dma_start3A_494 = tpu.memref_squeeze %dma_start3A_493 : memref<1x128x32xbf16, #tpu.memory_space<vmem>> -> memref<128x32xbf16, #tpu.memory_space<vmem>>
        %dma_start3A_495 = arith.constant 0 : i32
        %dma_start3A_496 = tpu.memref_slice %arg6[%add3A_489, %dma_start3A_495] : memref<80x128xi32, #tpu.memory_space<vmem>> -> memref<1x128xi32, #tpu.memory_space<vmem>>
        %dma_start3A_497 = tpu.memref_squeeze %dma_start3A_496 : memref<1x128xi32, #tpu.memory_space<vmem>> -> memref<128xi32, #tpu.memory_space<vmem>>
        %dma_start3A_498 = arith.constant 0 : i32
        %dma_start3A_499 = arith.constant 0 : i32
        %dma_start3A_500 = tpu.memref_slice %arg2[%dma_start3A_498, %dma_start3A_499] : memref<10000x32xbf16, #tpu.memory_space<hbm>> -> memref<10000x32xbf16, #tpu.memory_space<hbm>>
        tpu.enqueue_indirect_dma source(%dma_start3A_500 : memref<10000x32xbf16, #tpu.memory_space<hbm>>) target(%dma_start3A_494 : memref<128x32xbf16, #tpu.memory_space<vmem>>) offsets(%dma_start3A_497 : memref<128xi32, #tpu.memory_space<vmem>>) semaphore(%arg13 : memref<!tpu.dma_semaphore, #tpu.memory_space<semaphore_mem>>)
        %add3A_501 = arith.constant 3 : i32
        %add3A_502 = arith.addi %add3A_461, %add3A_501 : i32
        %dma_start3A_503 = arith.constant 3 : i32
        %dma_start3A_504 = arith.constant 0 : i32
        %dma_start3A_505 = arith.constant 0 : i32
        %dma_start3A_506 = tpu.memref_slice %arg9[%dma_start3A_503, %dma_start3A_504, %dma_start3A_505] : memref<4x128x32xbf16, #tpu.memory_space<vmem>> -> memref<1x128x32xbf16, #tpu.memory_space<vmem>>
        %dma_start3A_507 = tpu.memref_squeeze %dma_start3A_506 : memref<1x128x32xbf16, #tpu.memory_space<vmem>> -> memref<128x32xbf16, #tpu.memory_space<vmem>>
        %dma_start3A_508 = arith.constant 0 : i32
        %dma_start3A_509 = tpu.memref_slice %arg6[%add3A_502, %dma_start3A_508] : memref<80x128xi32, #tpu.memory_space<vmem>> -> memref<1x128xi32, #tpu.memory_space<vmem>>
        %dma_start3A_510 = tpu.memref_squeeze %dma_start3A_509 : memref<1x128xi32, #tpu.memory_space<vmem>> -> memref<128xi32, #tpu.memory_space<vmem>>
        %dma_start3A_511 = arith.constant 0 : i32
        %dma_start3A_512 = arith.constant 0 : i32
        %dma_start3A_513 = tpu.memref_slice %arg2[%dma_start3A_511, %dma_start3A_512] : memref<10000x32xbf16, #tpu.memory_space<hbm>> -> memref<10000x32xbf16, #tpu.memory_space<hbm>>
        tpu.enqueue_indirect_dma source(%dma_start3A_513 : memref<10000x32xbf16, #tpu.memory_space<hbm>>) target(%dma_start3A_507 : memref<128x32xbf16, #tpu.memory_space<vmem>>) offsets(%dma_start3A_510 : memref<128xi32, #tpu.memory_space<vmem>>) semaphore(%arg13 : memref<!tpu.dma_semaphore, #tpu.memory_space<semaphore_mem>>)
      } else {
      }
    }
    %scan3A_116 = arith.constant 10 : i32
    %barrier3A_117 = arith.constant 0 : index
    tpu.barrier barrier_id(%barrier3A_117)
    %lt3A_118 = arith.constant 15 : i32
    %lt3A_119 = arith.cmpi slt, %arg1, %lt3A_118 : i32
    %convert_element_type3A_120 = arith.extui %lt3A_119 : i1 to i32
    %cond3A_121 = arith.constant 0 : i32
    %cond3A_122 = arith.cmpi ne, %convert_element_type3A_120, %cond3A_121 : i32
    scf.if %cond3A_122 {
      %mul3A_128 = arith.constant 626 : i32
      %mul3A_129 = arith.muli %arg1, %mul3A_128 : i32
      "tpu.region"() ({
        %run_scoped3A = tpu.sem_alloc : memref<!tpu.dma_semaphore, #tpu.memory_space<semaphore_mem>>
        %dma_start3A_130 = arith.constant 0 : i32
        %dma_start3A_131 = tpu.memref_slice %arg5[%arg0, %mul3A_129, %dma_start3A_130] : memref<2x10002x32xbf16, #tpu.memory_space<hbm>> -> memref<1x626x32xbf16, #tpu.memory_space<hbm>>
        %dma_start3A_132 = tpu.memref_squeeze %dma_start3A_131 : memref<1x626x32xbf16, #tpu.memory_space<hbm>> -> memref<626x32xbf16, #tpu.memory_space<hbm>>
        %dma_start3A_133 = arith.constant 0 : i32
        %dma_start3A_134 = tpu.memref_slice %arg11[%mul3A_129, %dma_start3A_133] : memref<10002x32xbf16, #tpu.memory_space<vmem_shared>> -> memref<626x32xbf16, #tpu.memory_space<vmem_shared>>
        tpu.enqueue_dma source(%dma_start3A_134 : memref<626x32xbf16, #tpu.memory_space<vmem_shared>>) target(%dma_start3A_132 : memref<626x32xbf16, #tpu.memory_space<hbm>>) target_semaphore(%run_scoped3A : memref<!tpu.dma_semaphore, #tpu.memory_space<semaphore_mem>>)
        %dma_wait3A = arith.constant 0 : i32
        %dma_wait3A_135 = tpu.memref_slice %arg5[%arg0, %mul3A_129, %dma_wait3A] : memref<2x10002x32xbf16, #tpu.memory_space<hbm>> -> memref<1x626x32xbf16, #tpu.memory_space<hbm>>
        %dma_wait3A_136 = tpu.memref_squeeze %dma_wait3A_135 : memref<1x626x32xbf16, #tpu.memory_space<hbm>> -> memref<626x32xbf16, #tpu.memory_space<hbm>>
        %dma_wait3A_137 = arith.constant 0 : i32
        %dma_wait3A_138 = tpu.memref_slice %arg11[%mul3A_129, %dma_wait3A_137] : memref<10002x32xbf16, #tpu.memory_space<vmem_shared>> -> memref<626x32xbf16, #tpu.memory_space<vmem_shared>>
        tpu.wait_dma2 semaphore(%run_scoped3A : memref<!tpu.dma_semaphore, #tpu.memory_space<semaphore_mem>>) src(%dma_wait3A_138 : memref<626x32xbf16, #tpu.memory_space<vmem_shared>>) dst(%dma_wait3A_136 : memref<626x32xbf16, #tpu.memory_space<hbm>>)
        tpu.yield
      }) : () -> ()
    } else {
    }
    %eq3A_123 = arith.constant 15 : i32
    %eq3A_124 = arith.cmpi eq, %arg1, %eq3A_123 : i32
    %convert_element_type3A_125 = arith.extui %eq3A_124 : i1 to i32
    %cond3A_126 = arith.constant 0 : i32
    %cond3A_127 = arith.cmpi ne, %convert_element_type3A_125, %cond3A_126 : i32
    scf.if %cond3A_127 {
      "tpu.region"() ({
        %run_scoped3A = tpu.sem_alloc : memref<!tpu.dma_semaphore, #tpu.memory_space<semaphore_mem>>
        %dma_start3A_128 = arith.constant 9390 : i32
        %dma_start3A_129 = arith.constant 0 : i32
        %dma_start3A_130 = tpu.memref_slice %arg5[%arg0, %dma_start3A_128, %dma_start3A_129] : memref<2x10002x32xbf16, #tpu.memory_space<hbm>> -> memref<1x612x32xbf16, #tpu.memory_space<hbm>>
        %dma_start3A_131 = tpu.memref_squeeze %dma_start3A_130 : memref<1x612x32xbf16, #tpu.memory_space<hbm>> -> memref<612x32xbf16, #tpu.memory_space<hbm>>
        %dma_start3A_132 = arith.constant 9390 : i32
        %dma_start3A_133 = arith.constant 0 : i32
        %dma_start3A_134 = tpu.memref_slice %arg11[%dma_start3A_132, %dma_start3A_133] : memref<10002x32xbf16, #tpu.memory_space<vmem_shared>> -> memref<612x32xbf16, #tpu.memory_space<vmem_shared>>
        tpu.enqueue_dma source(%dma_start3A_134 : memref<612x32xbf16, #tpu.memory_space<vmem_shared>>) target(%dma_start3A_131 : memref<612x32xbf16, #tpu.memory_space<hbm>>) target_semaphore(%run_scoped3A : memref<!tpu.dma_semaphore, #tpu.memory_space<semaphore_mem>>)
        %dma_wait3A = arith.constant 9390 : i32
        %dma_wait3A_135 = arith.constant 0 : i32
        %dma_wait3A_136 = tpu.memref_slice %arg5[%arg0, %dma_wait3A, %dma_wait3A_135] : memref<2x10002x32xbf16, #tpu.memory_space<hbm>> -> memref<1x612x32xbf16, #tpu.memory_space<hbm>>
        %dma_wait3A_137 = tpu.memref_squeeze %dma_wait3A_136 : memref<1x612x32xbf16, #tpu.memory_space<hbm>> -> memref<612x32xbf16, #tpu.memory_space<hbm>>
        %dma_wait3A_138 = arith.constant 9390 : i32
        %dma_wait3A_139 = arith.constant 0 : i32
        %dma_wait3A_140 = tpu.memref_slice %arg11[%dma_wait3A_138, %dma_wait3A_139] : memref<10002x32xbf16, #tpu.memory_space<vmem_shared>> -> memref<612x32xbf16, #tpu.memory_space<vmem_shared>>
        tpu.wait_dma2 semaphore(%run_scoped3A : memref<!tpu.dma_semaphore, #tpu.memory_space<semaphore_mem>>) src(%dma_wait3A_140 : memref<612x32xbf16, #tpu.memory_space<vmem_shared>>) dst(%dma_wait3A_137 : memref<612x32xbf16, #tpu.memory_space<hbm>>)
        tpu.yield
      }) : () -> ()
    } else {
    }
    return
  }
}

module attributes {stable_mosaic.version = 14 : i64} {
  func.func @_pre_body(%arg0: memref<10000x128xf32, #tpu.memory_space<vmem>>, %arg1: memref<128x64xf32, #tpu.memory_space<vmem>>, %arg2: memref<1x32xf32, #tpu.memory_space<vmem>>, %arg3: memref<10000x32xbf16, #tpu.memory_space<vmem>>, %arg4: memref<10000x32xf32, #tpu.memory_space<vmem>>) attributes {dimension_semantics = [], scalar_prefetch = 0 : i64, scratch_operands = 0 : i64, tpu.core_type = #tpu.core_type<tc>} {
    %get3A = arith.constant 0 : index
    %get3A_0 = arith.constant 0 : index
    %get3A_1 = vector.load %arg0[%get3A, %get3A_0] : memref<10000x128xf32, #tpu.memory_space<vmem>>, vector<10000x128xf32>
    %get3A_2 = arith.constant 0 : index
    %get3A_3 = arith.constant 0 : index
    %get3A_4 = vector.load %arg1[%get3A_2, %get3A_3] : memref<128x64xf32, #tpu.memory_space<vmem>>, vector<128x64xf32>
    %dot_general3A = arith.constant dense<0.000000e+00> : vector<10000x64xf32>
    %dot_general3A_5 = tpu.matmul %get3A_1, %get3A_4, %dot_general3A {dimension_numbers = #tpu.dot_dimension_numbers<[1], [0], [0], [1], [0, 0, 1, 1], [], []>, transpose_lhs_hint = false} : vector<10000x128xf32>, vector<128x64xf32>, vector<10000x64xf32> -> vector<10000x64xf32>
    %slice3A = vector.extract_strided_slice %dot_general3A_5 {offsets = [0, 0], sizes = [10000, 32], strides = [1, 1]} : vector<10000x64xf32> to vector<10000x32xf32>
    %convert_element_type3A = arith.truncf %slice3A : vector<10000x32xf32> to vector<10000x32xbf16>
    %swap3A = arith.constant 0 : index
    %swap3A_6 = arith.constant 0 : index
    %swap3A_7 = vector.load %arg3[%swap3A, %swap3A_6] : memref<10000x32xbf16, #tpu.memory_space<vmem>>, vector<10000x32xbf16>
    tpu.vector_store %arg3[%swap3A, %swap3A_6], %convert_element_type3A {strides = array<i32>} : memref<10000x32xbf16, #tpu.memory_space<vmem>>, vector<10000x32xbf16>,
    %slice3A_8 = vector.extract_strided_slice %dot_general3A_5 {offsets = [0, 32], sizes = [10000, 32], strides = [1, 1]} : vector<10000x64xf32> to vector<10000x32xf32>
    %get3A_9 = arith.constant 0 : index
    %get3A_10 = arith.constant 0 : index
    %get3A_11 = vector.load %arg2[%get3A_9, %get3A_10] : memref<1x32xf32, #tpu.memory_space<vmem>>, vector<1x32xf32>
    %add3A = vector.broadcast %get3A_11 : vector<1x32xf32> to vector<10000x32xf32>
    %add3A_12 = arith.addf %slice3A_8, %add3A : vector<10000x32xf32>
    %swap3A_13 = arith.constant 0 : index
    %swap3A_14 = arith.constant 0 : index
    %swap3A_15 = vector.load %arg4[%swap3A_13, %swap3A_14] : memref<10000x32xf32, #tpu.memory_space<vmem>>, vector<10000x32xf32>
    tpu.vector_store %arg4[%swap3A_13, %swap3A_14], %add3A_12 {strides = array<i32>} : memref<10000x32xf32, #tpu.memory_space<vmem>>, vector<10000x32xf32>,
    return
  }
}

module attributes {stable_mosaic.version = 14 : i64} {
  func.func @_mid_body(%arg0: memref<10000x32xbf16, #tpu.memory_space<vmem>>, %arg1: memref<10000x32xbf16, #tpu.memory_space<vmem>>, %arg2: memref<10000x16xbf16, #tpu.memory_space<vmem>>, %arg3: memref<10000x16xbf16, #tpu.memory_space<vmem>>, %arg4: memref<10000x32xf32, #tpu.memory_space<vmem>>, %arg5: memref<32x64xf32, #tpu.memory_space<vmem>>, %arg6: memref<1x32xf32, #tpu.memory_space<vmem>>, %arg7: memref<10000x32xbf16, #tpu.memory_space<vmem>>, %arg8: memref<10000x32xf32, #tpu.memory_space<vmem>>) attributes {dimension_semantics = [], scalar_prefetch = 0 : i64, scratch_operands = 0 : i64, tpu.core_type = #tpu.core_type<tc>} {
    %get3A = arith.constant 0 : index
    %get3A_0 = arith.constant 0 : index
    %get3A_1 = vector.load %arg2[%get3A, %get3A_0] : memref<10000x16xbf16, #tpu.memory_space<vmem>>, vector<10000x16xbf16>
    %slice3A = vector.extract_strided_slice %get3A_1 {offsets = [0, 0], sizes = [10000, 1], strides = [1, 1]} : vector<10000x16xbf16> to vector<10000x1xbf16>
    %convert_element_type3A = arith.extf %slice3A : vector<10000x1xbf16> to vector<10000x1xf32>
    %get3A_2 = arith.constant 0 : index
    %get3A_3 = arith.constant 0 : index
    %get3A_4 = vector.load %arg3[%get3A_2, %get3A_3] : memref<10000x16xbf16, #tpu.memory_space<vmem>>, vector<10000x16xbf16>
    %slice3A_5 = vector.extract_strided_slice %get3A_4 {offsets = [0, 0], sizes = [10000, 1], strides = [1, 1]} : vector<10000x16xbf16> to vector<10000x1xbf16>
    %convert_element_type3A_6 = arith.extf %slice3A_5 : vector<10000x1xbf16> to vector<10000x1xf32>
    %add3A = arith.addf %convert_element_type3A, %convert_element_type3A_6 : vector<10000x1xf32>
    %max3A = arith.constant 1.000000e+00 : f32
    %max3A_7 = vector.broadcast %max3A : f32 to vector<10000x1xf32>
    %max3A_8 = arith.maximumf %add3A, %max3A_7 : vector<10000x1xf32>
    %div3A = arith.constant 1.000000e+00 : f32
    %div3A_9 = vector.broadcast %div3A : f32 to vector<10000x1xf32>
    %div3A_10 = arith.divf %div3A_9, %max3A_8 : vector<10000x1xf32>
    %get3A_11 = arith.constant 0 : index
    %get3A_12 = arith.constant 0 : index
    %get3A_13 = vector.load %arg0[%get3A_11, %get3A_12] : memref<10000x32xbf16, #tpu.memory_space<vmem>>, vector<10000x32xbf16>
    %convert_element_type3A_14 = arith.extf %get3A_13 : vector<10000x32xbf16> to vector<10000x32xf32>
    %get3A_15 = arith.constant 0 : index
    %get3A_16 = arith.constant 0 : index
    %get3A_17 = vector.load %arg1[%get3A_15, %get3A_16] : memref<10000x32xbf16, #tpu.memory_space<vmem>>, vector<10000x32xbf16>
    %convert_element_type3A_18 = arith.extf %get3A_17 : vector<10000x32xbf16> to vector<10000x32xf32>
    %add3A_19 = arith.addf %convert_element_type3A_14, %convert_element_type3A_18 : vector<10000x32xf32>
    %mul3A = vector.broadcast %div3A_10 : vector<10000x1xf32> to vector<10000x32xf32>
    %mul3A_20 = arith.mulf %add3A_19, %mul3A : vector<10000x32xf32>
    %get3A_21 = arith.constant 0 : index
    %get3A_22 = arith.constant 0 : index
    %get3A_23 = vector.load %arg4[%get3A_21, %get3A_22] : memref<10000x32xf32, #tpu.memory_space<vmem>>, vector<10000x32xf32>
    %add3A_24 = arith.addf %mul3A_20, %get3A_23 : vector<10000x32xf32>
    %max3A_25 = arith.constant 0.000000e+00 : f32
    %max3A_26 = vector.broadcast %max3A_25 : f32 to vector<10000x32xf32>
    %max3A_27 = arith.maximumf %add3A_24, %max3A_26 : vector<10000x32xf32>
    %get3A_28 = arith.constant 0 : index
    %get3A_29 = arith.constant 0 : index
    %get3A_30 = vector.load %arg5[%get3A_28, %get3A_29] : memref<32x64xf32, #tpu.memory_space<vmem>>, vector<32x64xf32>
    %dot_general3A = arith.constant dense<0.000000e+00> : vector<10000x64xf32>
    %dot_general3A_31 = tpu.matmul %max3A_27, %get3A_30, %dot_general3A {dimension_numbers = #tpu.dot_dimension_numbers<[1], [0], [0], [1], [0, 0, 1, 1], [], []>, transpose_lhs_hint = false} : vector<10000x32xf32>, vector<32x64xf32>, vector<10000x64xf32> -> vector<10000x64xf32>
    %slice3A_32 = vector.extract_strided_slice %dot_general3A_31 {offsets = [0, 0], sizes = [10000, 32], strides = [1, 1]} : vector<10000x64xf32> to vector<10000x32xf32>
    %convert_element_type3A_33 = arith.truncf %slice3A_32 : vector<10000x32xf32> to vector<10000x32xbf16>
    %swap3A = arith.constant 0 : index
    %swap3A_34 = arith.constant 0 : index
    %swap3A_35 = vector.load %arg7[%swap3A, %swap3A_34] : memref<10000x32xbf16, #tpu.memory_space<vmem>>, vector<10000x32xbf16>
    tpu.vector_store %arg7[%swap3A, %swap3A_34], %convert_element_type3A_33 {strides = array<i32>} : memref<10000x32xbf16, #tpu.memory_space<vmem>>, vector<10000x32xbf16>,
    %slice3A_36 = vector.extract_strided_slice %dot_general3A_31 {offsets = [0, 32], sizes = [10000, 32], strides = [1, 1]} : vector<10000x64xf32> to vector<10000x32xf32>
    %get3A_37 = arith.constant 0 : index
    %get3A_38 = arith.constant 0 : index
    %get3A_39 = vector.load %arg6[%get3A_37, %get3A_38] : memref<1x32xf32, #tpu.memory_space<vmem>>, vector<1x32xf32>
    %add3A_40 = vector.broadcast %get3A_39 : vector<1x32xf32> to vector<10000x32xf32>
    %add3A_41 = arith.addf %slice3A_36, %add3A_40 : vector<10000x32xf32>
    %swap3A_42 = arith.constant 0 : index
    %swap3A_43 = arith.constant 0 : index
    %swap3A_44 = vector.load %arg8[%swap3A_42, %swap3A_43] : memref<10000x32xf32, #tpu.memory_space<vmem>>, vector<10000x32xf32>
    tpu.vector_store %arg8[%swap3A_42, %swap3A_43], %add3A_41 {strides = array<i32>} : memref<10000x32xf32, #tpu.memory_space<vmem>>, vector<10000x32xf32>,
    return
  }
}

module attributes {stable_mosaic.version = 14 : i64} {
  func.func @_post_body(%arg0: memref<10000x32xbf16, #tpu.memory_space<vmem>>, %arg1: memref<10000x32xbf16, #tpu.memory_space<vmem>>, %arg2: memref<10000x16xbf16, #tpu.memory_space<vmem>>, %arg3: memref<10000x16xbf16, #tpu.memory_space<vmem>>, %arg4: memref<10000x32xf32, #tpu.memory_space<vmem>>, %arg5: memref<10000x32xf32, #tpu.memory_space<vmem>>) attributes {dimension_semantics = [], scalar_prefetch = 0 : i64, scratch_operands = 0 : i64, tpu.core_type = #tpu.core_type<tc>} {
    %get3A = arith.constant 0 : index
    %get3A_0 = arith.constant 0 : index
    %get3A_1 = vector.load %arg2[%get3A, %get3A_0] : memref<10000x16xbf16, #tpu.memory_space<vmem>>, vector<10000x16xbf16>
    %slice3A = vector.extract_strided_slice %get3A_1 {offsets = [0, 0], sizes = [10000, 1], strides = [1, 1]} : vector<10000x16xbf16> to vector<10000x1xbf16>
    %convert_element_type3A = arith.extf %slice3A : vector<10000x1xbf16> to vector<10000x1xf32>
    %get3A_2 = arith.constant 0 : index
    %get3A_3 = arith.constant 0 : index
    %get3A_4 = vector.load %arg3[%get3A_2, %get3A_3] : memref<10000x16xbf16, #tpu.memory_space<vmem>>, vector<10000x16xbf16>
    %slice3A_5 = vector.extract_strided_slice %get3A_4 {offsets = [0, 0], sizes = [10000, 1], strides = [1, 1]} : vector<10000x16xbf16> to vector<10000x1xbf16>
    %convert_element_type3A_6 = arith.extf %slice3A_5 : vector<10000x1xbf16> to vector<10000x1xf32>
    %add3A = arith.addf %convert_element_type3A, %convert_element_type3A_6 : vector<10000x1xf32>
    %max3A = arith.constant 1.000000e+00 : f32
    %max3A_7 = vector.broadcast %max3A : f32 to vector<10000x1xf32>
    %max3A_8 = arith.maximumf %add3A, %max3A_7 : vector<10000x1xf32>
    %div3A = arith.constant 1.000000e+00 : f32
    %div3A_9 = vector.broadcast %div3A : f32 to vector<10000x1xf32>
    %div3A_10 = arith.divf %div3A_9, %max3A_8 : vector<10000x1xf32>
    %get3A_11 = arith.constant 0 : index
    %get3A_12 = arith.constant 0 : index
    %get3A_13 = vector.load %arg0[%get3A_11, %get3A_12] : memref<10000x32xbf16, #tpu.memory_space<vmem>>, vector<10000x32xbf16>
    %convert_element_type3A_14 = arith.extf %get3A_13 : vector<10000x32xbf16> to vector<10000x32xf32>
    %get3A_15 = arith.constant 0 : index
    %get3A_16 = arith.constant 0 : index
    %get3A_17 = vector.load %arg1[%get3A_15, %get3A_16] : memref<10000x32xbf16, #tpu.memory_space<vmem>>, vector<10000x32xbf16>
    %convert_element_type3A_18 = arith.extf %get3A_17 : vector<10000x32xbf16> to vector<10000x32xf32>
    %add3A_19 = arith.addf %convert_element_type3A_14, %convert_element_type3A_18 : vector<10000x32xf32>
    %mul3A = vector.broadcast %div3A_10 : vector<10000x1xf32> to vector<10000x32xf32>
    %mul3A_20 = arith.mulf %add3A_19, %mul3A : vector<10000x32xf32>
    %get3A_21 = arith.constant 0 : index
    %get3A_22 = arith.constant 0 : index
    %get3A_23 = vector.load %arg4[%get3A_21, %get3A_22] : memref<10000x32xf32, #tpu.memory_space<vmem>>, vector<10000x32xf32>
    %add3A_24 = arith.addf %mul3A_20, %get3A_23 : vector<10000x32xf32>
    %swap3A = arith.constant 0 : index
    %swap3A_25 = arith.constant 0 : index
    %swap3A_26 = vector.load %arg5[%swap3A, %swap3A_25] : memref<10000x32xf32, #tpu.memory_space<vmem>>, vector<10000x32xf32>
    tpu.vector_store %arg5[%swap3A, %swap3A_25], %add3A_24 {strides = array<i32>} : memref<10000x32xf32, #tpu.memory_space<vmem>>, vector<10000x32xf32>,
    return
  }
}

</mosaic_0001>

<sc_bundles>
// kernel: kernel.10.cloned.1.call-start
scs
__scs_entry_jumppad:
0x0: {  	(pc) =	sbr.rel $0x88, $3  }
0x1: {  	(tag) =	ssettag $0x0;
	lr =	simm.s32 $0x1  }
0x2: {  	[smem:$0x3F99] =	sst lr;
	_ =	strace $0xD0000000  }
0x3: {  	_ = 	snop  }
0x4: {  	_ = 	snop  }
0x5: {  	_ = 	snop  }
0x6: {  	_ = 	snop  }
0x7: {  	_ = 	snop  }
__scs_overlays_trampoline_lowered:
0x8: {  	[smem:$0x3FA8] =	sst s0  }
0x9: {  	[smem:$0x3FA9] =	sst s1  }
0xa: {  	[smem:$0x3FAA] =	sst s2  }
0xb: {  	[smem:$0x3FAB] =	sst s3  }
0xc: {  	[smem:$0x3FAC] =	sst s4  }
0xd: {  	[smem:$0x3FAD] =	sst s5  }
0xe: {  	[smem:$0x3FAE] =	sst s6  }
0xf: {  	[smem:$0x3FAF] =	sst s7  }
0x10: {  	[smem:$0x3FB0] =	sst s8  }
0x11: {  	[smem:$0x3FB1] =	sst s9;
	s0 =	simm.s32 @!p0 $0x0  }
0x12: {  	s1 =	sld [smem:$0x3F97];
	s0 =	simm.s32 @p0 $0x1  }
0x13: {  	[smem:$0x3FB2] =	sst s0;
	s0 =	simm.s32 @!p1 $0x0  }
0x14: {  	s2 =	sld [smem:$0x3F96];
	s0 =	simm.s32 @p1 $0x1  }
0x15: {  	[smem:$0x3FB3] =	sst s0;
	s0 =	simm.s32 @!p2 $0x0  }
0x16: {  	s3 =	sld [smem:$0x3FDB];
	s0 =	simm.s32 @p2 $0x1  }
0x17: {  	s4 =	simm.s32 $0x1BF5;
	[smem:$0x3FB5] =	sst s0  }
0x18: {  	s0 =	sld [smem:$0x3F98];
	_ =	swait.ge [sflag:s4], $0x0  }
0x19: {  	s7 =	sld [smem:$0x3F99]  }
0x1a: {  	s8 =	sadd.s32 $0xFFFFE003, lr  }
0x1b: {  	s9 =	sadd.s32 $0xFFFFFEF7, lr;
	s5 =	simm.s32 $0xFFFFFFFF;
	p2 =	slt.u32 s8, $0xFFFFF086  }
0x1c: {  	p1 =	slt.u32 s9, $0xF7A;
	s5 =	simm.s32 @!p2 $0x0  }
0x1d: {  	s5 =	simm.s32 @p1 $0x1;
	p0 =	seq.s32 s7, s2  }
0x1e: {  	s7 =	smul.u32 @!p0 $0xF7A, s2;
	p2 =	seq.s32 @!p0 s5, $0x0  }
0x1f: {  	s9 =	smul.u32 $0xF7A, s1;
	s8 =	simm.s32 @!p0 $0x1BF5;
	p2 =	por !p2, p0  }
0x20: {  	[sflag:s8] =	ssyncset.s32 @!p0 $0xFFFFF086;
	s6 =	sadd.s32 @!p0 s3, s7;
	s7 =	simm.s32 @!p0 $0x108  }
0x21: {  	s3 =	sadd.s32 s3, s9;
	s6 =	sadd.s32 @!p0 $0x88, s6;
	s7 =	simm.s32 @p2 $0x1082  }
0x22: {  	[simem:s7], [sflag:s8] =	dma.local @!p0 [hbm:s6], $0xF7A  }
0x23: {  	s9 =	sor.u32 $0xD0000000, s2;
	s6 =	simm.s32 $0x108;
	_ =	swait.ge @!p0 [sflag:s8], $0x0  }
0x24: {  	s3 =	sadd.s32 $0x88, s3;
	s6 =	simm.s32 @!p1 $0x1082;
	[sflag:s4] =	ssyncset.s32 $0xFFFFF086  }
0x25: {  	[simem:s6], [sflag:s4] =	dma.local [hbm:s3], $0xF7A  }
0x26: {  	[smem:$0x3F99] =	sst s1;
	(tag) =	ssettag s2;
	_ =	strace s9  }
0x27: {  	s1 =	sld [smem:$0x3FA9]  }
0x28: {  	s2 =	sld [smem:$0x3FAA]  }
0x29: {  	s4 =	sld [smem:$0x3FAC]  }
0x2a: {  	p0 =	seq.s32 s5, $0x0;
	s5 =	sld [smem:$0x3FAD]  }
0x2b: {  	s6 =	sld [smem:$0x3FAE]  }
0x2c: {  	s7 =	sld [smem:$0x3FAF]  }
0x2d: {  	s3 =	simm.s32 $0x108;
	s8 =	sld [smem:$0x3FB0]  }
0x2e: {  	s3 =	simm.s32 @!p0 $0x1082;
	s9 =	sld [smem:$0x3FB1]  }
0x2f: {  	lr =	sadd.s32 s0, s3;
	s0 =	sld [smem:$0x3FA8]  }
0x30: {  	s3 =	sld [smem:$0x3FAB]  }
0x31: {  	[smem:$0x3FB4] =	sst s10  }
0x32: {  	s10 =	sld [smem:$0x3FB2];
	_ =	sdelay $0x3  }
0x33: {  	p0 =	seq.s32 s10, $0x1;
	s10 =	sld [smem:$0x3FB4];
	_ =	sdelay $0x3  }
0x34: {  	[smem:$0x3FB4] =	sst s10  }
0x35: {  	s10 =	sld [smem:$0x3FB3];
	_ =	sdelay $0x3  }
0x36: {  	p1 =	seq.s32 s10, $0x1;
	s10 =	sld [smem:$0x3FB4];
	_ =	sdelay $0x3  }
0x37: {  	[smem:$0x3FB4] =	sst s10  }
0x38: {  	s10 =	sld [smem:$0x3FB5]  }
0x39: {  	_ = 	snop;
	(pc) =	sbr.ind lr, $3  }
0x3a: {  	_ = 	snop  }
0x3b: {  	_ = 	snop  }
0x3c: {  	p2 =	seq.s32 s10, $0x1;
	s10 =	sld [smem:$0x3FB4]  }
0x3d: {  	_ =	shalt  }
0x3e: {  	_ =	shalt  }
0x3f: {  	_ =	shalt  }
0x40: {  	_ =	shalt  }
0x41: {  	_ =	shalt  }
0x42: {  	_ =	shalt  }
0x43: {  	_ =	shalt  }
0x44: {  	_ =	shalt  }
0x45: {  	_ =	shalt  }
0x46: {  	_ =	shalt  }
0x47: {  	_ =	shalt  }
0x48: {  	_ =	shalt  }
0x49: {  	_ =	shalt  }
0x4a: {  	_ =	shalt  }
0x4b: {  	_ =	shalt  }
0x4c: {  	_ =	shalt  }
0x4d: {  	_ =	shalt  }
0x4e: {  	_ =	shalt  }
0x4f: {  	_ =	shalt  }
0x50: {  	_ =	shalt  }
0x51: {  	_ =	shalt  }
0x52: {  	_ =	shalt  }
0x53: {  	_ =	shalt  }
0x54: {  	_ =	shalt  }
0x55: {  	_ =	shalt  }
0x56: {  	_ =	shalt  }
0x57: {  	_ =	shalt  }
0x58: {  	_ =	shalt  }
0x59: {  	_ =	shalt  }
0x5a: {  	_ =	shalt  }
0x5b: {  	_ =	shalt  }
0x5c: {  	_ =	shalt  }
0x5d: {  	_ =	shalt  }
0x5e: {  	_ =	shalt  }
0x5f: {  	_ =	shalt  }
0x60: {  	_ =	shalt  }
0x61: {  	_ =	shalt  }
0x62: {  	_ =	shalt  }
0x63: {  	_ =	shalt  }
0x64: {  	_ =	shalt  }
0x65: {  	_ =	shalt  }
0x66: {  	_ =	shalt  }
0x67: {  	_ =	shalt  }
0x68: {  	_ =	shalt  }
0x69: {  	_ =	shalt  }
0x6a: {  	_ =	shalt  }
0x6b: {  	_ =	shalt  }
0x6c: {  	_ =	shalt  }
0x6d: {  	_ =	shalt  }
0x6e: {  	_ =	shalt  }
0x6f: {  	_ =	shalt  }
0x70: {  	_ =	shalt  }
0x71: {  	_ =	shalt  }
0x72: {  	_ =	shalt  }
0x73: {  	_ =	shalt  }
0x74: {  	_ =	shalt  }
0x75: {  	_ =	shalt  }
0x76: {  	_ =	shalt  }
0x77: {  	_ =	shalt  }
0x78: {  	_ =	shalt  }
0x79: {  	_ =	shalt  }
0x7a: {  	_ =	shalt  }
0x7b: {  	_ =	shalt  }
0x7c: {  	_ =	shalt  }
0x7d: {  	_ =	shalt  }
0x7e: {  	_ =	shalt  }
0x7f: {  	_ =	shalt  }
0x80: {  	_ =	shalt  }
0x81: {  	_ =	shalt  }
0x82: {  	_ =	shalt  }
0x83: {  	_ =	shalt  }
0x84: {  	_ =	shalt  }
0x85: {  	_ =	shalt  }
0x86: {  	_ =	shalt  }
0x87: {  	_ =	shalt  }
.Lfunc_end0:
.L_simem_size_0:
called_computation.1_lowered:
.L_overlay_start_0:
0x88: {  	s2 =	sld [smem:$0x3FD9]  }
0x89: {  	s3 =	sld [smem:$0x3FFE];
	_ =	sdelay $0x1  }
0x8a: {  	s1 =	srdreg.scid  }
0x8b: {  	s0 =	sand.u32 $0x1, s1  }
0x8c: {  	s17 =	sshll.u32 s0, $0xA;
	s2 =	sadd.s32 s3, s2  }
0x8d: {  	s2 =	sadd.s32 s2, s17  }
0x8e: {  	[smem:$0x3FC0] =	sst s2  }
0x8f: {  	_ = 	snop  }
0x90: {  	s2 =	sld [smem:$0x3FD0];
	(tm) =	ssettm $0x1  }
0x91: {  	s18 =	sld [smem:$0x3FFB];
	_ =	sdelay $0x3  }
0x92: {  	_ =	strace s18  }
0x93: {  	s3 =	sld [smem:$0x3FFC];
	_ =	sdelay $0x3  }
0x94: {  	_ =	strace s3  }
0x95: {  	s3 =	sld [smem:$0x3FFD];
	_ =	sdelay $0x3  }
0x96: {  	_ =	strace s3  }
0x97: {  	_ =	strace $0x8FFFFFFF  }
0x98: {  	s19 =	sld [smem:$0x3FDB];
	_ =	sdelay $0x1  }
0x99: {  	s4 =	simm.s32 $_scs_section_size  }
0x9a: {  	s5 =	simm.s32 $_size__tile_overlayer_lowered;
	s6 =	simm.s32 $_tile_overlayer_lowered  }
0x9b: {  	s22 =	simm.s32 $0x1BFF;
	s21 =	sshll.u32 s6, $0x1;
	s3 =	sadd.s32 s4, s19  }
0x9c: {  	s7 =	simm.s32 $0x0;
	s20 =	sshll.u32 s5, $0x1;
	s5 =	sadd.s32 s21, s3  }
0x9d: {  	[timem:s7], [sflag:s22] =	dma.local [hbm:s5], s20  }
0x9e: {  	_ =	swait.ge [sflag:s22], s20  }
0x9f: {  	s4 =	ssub.s32 $0x0, s20;
	[sflag:s22] =	ssyncset.done $0x0  }
0xa0: {  	[sflag:s22] =	ssyncadd.s32 s4;
	_ =	sdelay $0x1  }
0xa1: {  	s23 =	simm.s32 $0x1B8B  }
0xa2: {  	_ =	swait.ge [sflag:s23], $0x1  }
0xa3: {  	[sflag:s23] =	ssyncset.done $0x0  }
0xa4: {  	s25 =	simm.s32 $0x1B8E;
	s24 =	sld [smem:$0x3FFE];
	[sflag:s23] =	ssyncadd.s32 $0xFFFFFFFF  }
0xa5: {  	s26 =	simm.s32 $execute0_lowered;
	[smem:$0x3FD2] =	sst s25  }
0xa6: {  	s5 =	sshll.u32 s26, $0x1;
	_ =	strace $0x80000049;
	[dreg:$0x1] =	wrdreg $0xFFFFFFFF  }
0xa7: {  	s28 =	simm.s32 $_size_execute0_lowered;
	s3 =	sadd.s32 s3, s5;
	[dreg:$0x0] =	wrdreg $0x0  }
0xa8: {  	s5 =	sshll.u32 s28, $0x1;
	[dreg:$0x2] =	wrdreg s3  }
0xa9: {  	[dreg:$0x3] =	wrdreg s5  }
0xaa: {  	[dreg:$0x4] =	wrdreg $0xC0  }
0xab: {  	_ =	task [dreg:s7], $0x5FFFF  }
0xac: {  	[dreg:$0x1] =	wrdreg $0xFFFFFFFF  }
0xad: {  	[dreg:$0x0] =	wrdreg $0x60  }
0xae: {  	[dreg:$0x2] =	wrdreg s24  }
0xaf: {  	[dreg:$0x3] =	wrdreg s2  }
0xb0: {  	[dreg:$0x4] =	wrdreg $0xB7200  }
0xb1: {  	[dreg:$0x5] =	wrdreg $0x9  }
0xb2: {  	_ =	task.clear_ibuf [dreg:s7], $0x6FFFF;
	_ =	strace $0x90000049  }
0xb3: {  	s29 =	simm.s32 $0x9;
	_ =	strace $0x8000004B  }
0xb4: {  	_ =	swait.ge [sflag:s29], $0x1  }
0xb5: {  	[sflag:s29] =	ssyncadd.s32 $0xFFFFFFFF  }
0xb6: {  	_ =	strace $0x9000004B  }
0xb7: {  	_ =	sfence  }
0xb8: {  	s30 =	sld [smem:$0x0];
	_ =	sdelay $0x2  }
0xb9: {  	s31 =	sshll.u32 s1, $0xD;
	s1 =	sshrl.u32 s1, $0x2  }
0xba: {  	s3 =	sand.u32 $0x4000, s31;
	s1 =	sadd.s32 s1, s30  }
0xbb: {  	s0 =	sor.u32 s3, s0;
	s1 =	sshll.u32 s1, $0x11  }
0xbc: {  	s0 =	sor.u32 s1, s0  }
0xbd: {  	s0 =	sadd.s32 $0x8F2B, s0  }
0xbe: {  	[sflag:s0] =	ssyncadd.remote.s32 $0x1  }
0xbf: {  	_ =	sfence.sel $0xFFFF  }
0xc0: {  	[dreg:$0x0] =	wrdreg $0xFFFFFFFF;
	(pc) =	sbr.abs _section_cstart, $3  }
0xc1: {  	[dreg:$0x1] =	wrdreg $0xFFFFFFFF  }
0xc2: {  	_ =	task.clear_ibuf [dreg:s7], $0x2FFFF;
	_ =	strace $0x9FFFFFFF  }
0xc3: {  	(tm) =	ssettm $0x7FFFFFFF  }
tec
execute0_lowered:
.L_overlay_start_1:
0x0: {  	(tag) =	ssettag $0x1  }
0x1: {  	s0 =	rddreg [dreg:$0x0]  }
0x2: {  	s1 =	rddreg [dreg:$0x1]  }
0x3: {  	s2 =	rddreg [dreg:$0x2]  }
0x4: {  	s4 =	srdreg.scid;
	s13 =	stileid.u32  }
0x5: {  	s3 =	simm.s32 $0x0;
	s14 =	simm.s32 $0x80;
	s15 =	simm.s32 $0x5000  }
0x6: {  	s16 =	simm.s32 $0x5800;
	s18 =	simm.s32 $0x6000;
	s20 =	simm.s32 $0x6800  }
0x7: {  	s22 =	simm.s32 $0x7000;
	s28 =	simm.s32 $0x8000;
	s30 =	simm.s32 $0x8800  }
0x8: {  	s31 =	simm.s32 $0x1;
	s17 =	simm.s32 $0x4;
	s21 =	simm.s32 $0x4F00  }
0x9: {  	s23 =	simm.s32 $0x4F80;
	s5 =	sand.u32 $0x1, s4;
	s8 =	smul.u32 $0x9C80, s13  }
0xa: {  	s24 =	sshll.u32 s13, $0x1;
	[smem:$0x7FF] =	sst s3;
	s10 =	smul.u32 $0x4E40, s13  }
0xb: {  	p0 =	seq.s32 s13, $0xF;
	s13 =	simm.s32 $0x3;
	s4 =	sor.u32 s5, s24  }
0xc: {  	_ =	strace $0x8000004A;
	s7 =	ssub.s32 $0x2, s5;
	s9 =	smul.u32 $0x4E240, s5  }
0xd: {  	s24 =	simm.s32 $0x7800;
	s6 =	smul.u32 $0x500, s4;
	s4 =	sadd.s32 $0x1C00, s0  }
0xe: {  	s25 =	sshrl.u32 s7, $0x1;
	s26 =	sshrl.u32 s8, $0x2;
	s8 =	sadd.s32 $0x24AE0, s2  }
0xf: {  	s11 =	ssub.s32 s7, s25;
	s7 =	sadd.s32 s26, s2;
	s29 =	sadd.s32 s10, s9  }
0x10: {  	s9 =	sshrl.u32 s9, $0x4;
	s10 =	sshrl.u32 s10, $0x1;
	s26 =	simm.s32 $0x0  }
0x11: {  	s0 =	sadd.s32 s6, s0;
	s12 =	sadd.s32 s1, s9;
	s11 =	smax.u32 s11, $0x1  }
0x12: {  	s5 =	sadd.s32 $0x37E00, s0;
	s6 =	sadd.s32 $0x2DE00, s0;
	s0 =	sshrl.u32 s29, $0x4  }
0x13: {  	s9 =	sadd.s32 s1, s0;
	s0 =	sadd.s32 s10, s2;
	s10 =	sadd.s32 $0x495C, s12  }
0x14: {  	v0 =	vimm.bf16 $0.0e+00;
	s12 =	simm.s32 $0x5;
	s25 =	sshrl.u32 @!p0 s0, $0x3;
	s0 =	simm.s32 $0x2  }
.LBB2_1:
0x15: {  	[tilespmem:s3], [sflag:$0x5] =	stream.linear.gather [hbm4b:s5+s3], $0x2800, $0x38;
	[tilespmem:$0xDE38] =	vst v63  }
0x16: {  	_ =	swait.ge [sflag:s12], $0x2800  }
0x17: {  	[sflag:s12] =	ssyncset.done $0x0  }
0x18: {  	s1 =	simm.s32 $0x2800;
	[sflag:s12] =	ssyncadd.s32 $0xFFFFD800  }
0x19: {  	[tilespmem:s1], [sflag:$0x5] =	stream.linear.gather [hbm4b:s6+s3], $0x2800, $0x38;
	[tilespmem:$0xDE38] =	vst v63  }
0x1a: {  	_ =	swait.ge [sflag:s12], $0x2800  }
0x1b: {  	[sflag:s12] =	ssyncset.done $0x0  }
0x1c: {  	s29 =	simm.s32 $0x80;
	s1 =	simm.s32 $0x0;
	[sflag:s12] =	ssyncadd.s32 $0xFFFFD800  }
.LBB2_2:
0x1d: {  	p1 =	sne.s32 s29, $0x9C00;
	[tilespmem:s1+$0x9018] =	vst.msk $0xff, v0;
	s19 =	smov.u32 s29;
	s29 =	sadd.s32 $0x80, s29  }
.Ltmp0:
0x1e: {  	[tilespmem:s1+$0x9008] =	vst.msk $0xff, v0;
	(pc) =	sbr.rel @p1 .LBB2_2-.Ltmp0, $3  }
0x1f: {  	[tilespmem:s1+$0x9000] =	vst.msk $0xff, v0  }
0x20: {  	[tilespmem:s1+$0x9010] =	vst.msk $0xff, v0;
	_ =	sdelay $0x1  }
0x21: {  	s1 =	sshra.s32 s19, $0x2  }
0x22: {  	[tilespmem:s1+$0x9018] =	vst.msk $0xff, v0  }
0x23: {  	[tilespmem:s1+$0x9008] =	vst.msk $0xff, v0  }
0x24: {  	[tilespmem:s1+$0x9000] =	vst.msk $0xff, v0  }
0x25: {  	[tilespmem:s1+$0x9010] =	vst.msk $0xff, v0;
	s1 =	simm.s32 @p0 $0x9000  }
0x26: {  	[spmem:s8] =	stream.linear.scatter @p0 [tilespmem:s1], [sflag:$0x5], $0x2640, $0x38;
	[tilespmem:$0xDE38] =	vst v63  }
0x27: {  	s1 =	simm.s32 @p0 $0x5  }
0x28: {  	_ =	swait.ge @p0 [sflag:s1], $0x2640  }
0x29: {  	[sflag:s1] =	ssyncset.done @p0 $0x0  }
0x2a: {  	[sflag:s1] =	ssyncadd.s32 @p0 $0xFFFFD9C0;
	s1 =	simm.s32 @!p0 $0x9000  }
0x2b: {  	[spmem:s7] =	stream.linear.scatter @!p0 [tilespmem:s1], [sflag:$0x5], $0x2720, $0x38;
	[tilespmem:$0xDE38] =	vst v63  }
0x2c: {  	s1 =	simm.s32 @!p0 $0x5  }
0x2d: {  	_ =	swait.ge @!p0 [sflag:s1], $0x2720  }
0x2e: {  	[sflag:s1] =	ssyncset.done @!p0 $0x0  }
0x2f: {  	[sflag:s1] =	ssyncadd.s32 @!p0 $0xFFFFD8E0  }
0x30: {  	s19 =	simm.s32 $0x0;
	[bflag:$0x0] =	sbarrier.arrive $0xFFFF  }
0x31: {  	[tilespmem:s15], [sflag:$0x1] =	stream.indirect.gather [hbm4b:s4+s14], $0x10, s19, s14, $0xb8;
	[tilespmem:$0xDE38] =	vst v63  }
0x32: {  	_ = 	snop  }
0x33: {  	[tilespmem:s16], [sflag:$0x1] =	stream.indirect.gather [hbm4b:s4+s14], $0x10, s14, s14, $0xb8;
	[tilespmem:$0xDE38] =	vst v63  }
0x34: {  	s19 =	simm.s32 $0x100  }
0x35: {  	[tilespmem:s18], [sflag:$0x1] =	stream.indirect.gather [hbm4b:s4+s14], $0x10, s19, s14, $0xb8;
	[tilespmem:$0xDE38] =	vst v63  }
0x36: {  	s19 =	simm.s32 $0x180  }
0x37: {  	[tilespmem:s20], [sflag:$0x1] =	stream.indirect.gather [hbm4b:s4+s14], $0x10, s19, s14, $0xb8;
	[tilespmem:$0xDE38] =	vst v63  }
0x38: {  	s19 =	simm.s32 $0x200  }
0x39: {  	[tilespmem:s22], [sflag:$0x2] =	stream.indirect.gather [hbm4b:s4+s14], $0x10, s19, s14, $0xb8;
	[tilespmem:$0xDE38] =	vst v63  }
0x3a: {  	s19 =	simm.s32 $0x280  }
0x3b: {  	[tilespmem:s24], [sflag:$0x2] =	stream.indirect.gather [hbm4b:s4+s14], $0x10, s19, s14, $0xb8;
	[tilespmem:$0xDE38] =	vst v63  }
0x3c: {  	s19 =	simm.s32 $0x300  }
0x3d: {  	[tilespmem:s28], [sflag:$0x2] =	stream.indirect.gather [hbm4b:s4+s14], $0x10, s19, s14, $0xb8;
	[tilespmem:$0xDE38] =	vst v63  }
0x3e: {  	s19 =	simm.s32 $0x380  }
0x3f: {  	[tilespmem:s30], [sflag:$0x2] =	stream.indirect.gather [hbm4b:s4+s14], $0x10, s19, s14, $0xb8;
	[tilespmem:$0xDE38] =	vst v63  }
0x40: {  	_ =	swait.ge [sflag:s31], $0x800  }
0x41: {  	[sflag:s31] =	ssyncset.done $0x0  }
0x42: {  	[sflag:s31] =	ssyncadd.s32 $0xFFFFF800  }
0x43: {  	_ =	swait.ge [sflag:s31], $0x800  }
0x44: {  	[sflag:s31] =	ssyncset.done $0x0  }
0x45: {  	[sflag:s31] =	ssyncadd.s32 $0xFFFFF800  }
0x46: {  	_ =	swait.ge [sflag:s31], $0x800  }
0x47: {  	[sflag:s31] =	ssyncset.done $0x0  }
0x48: {  	[sflag:s31] =	ssyncadd.s32 $0xFFFFF800  }
0x49: {  	_ =	swait.ge [sflag:s31], $0x800  }
0x4a: {  	[sflag:s31] =	ssyncset.done $0x0  }
0x4b: {  	s19 =	simm.s32 $0x2800;
	[sflag:s31] =	ssyncadd.s32 $0xFFFFF800  }
0x4c: {  	[spmem:s2] =	stream.indirect.scatter.add.bf16 [tilespmem:s15], [sflag:$0x3], $0x10, s19, s14, $0xb8;
	[tilespmem:$0xDE38] =	vst v63  }
0x4d: {  	s19 =	simm.s32 $0x2880  }
0x4e: {  	[spmem:s2] =	stream.indirect.scatter.add.bf16 [tilespmem:s16], [sflag:$0x3], $0x10, s19, s14, $0xb8;
	[tilespmem:$0xDE38] =	vst v63  }
0x4f: {  	s19 =	simm.s32 $0x2900  }
0x50: {  	[spmem:s2] =	stream.indirect.scatter.add.bf16 [tilespmem:s18], [sflag:$0x3], $0x10, s19, s14, $0xb8;
	[tilespmem:$0xDE38] =	vst v63  }
0x51: {  	s19 =	simm.s32 $0x2980  }
0x52: {  	[spmem:s2] =	stream.indirect.scatter.add.bf16 [tilespmem:s20], [sflag:$0x3], $0x10, s19, s14, $0xb8;
	[tilespmem:$0xDE38] =	vst v63  }
0x53: {  	_ =	swait.ge [sflag:s0], $0x800  }
0x54: {  	[sflag:s0] =	ssyncset.done $0x0  }
0x55: {  	[sflag:s0] =	ssyncadd.s32 $0xFFFFF800  }
0x56: {  	_ =	swait.ge [sflag:s0], $0x800  }
0x57: {  	[sflag:s0] =	ssyncset.done $0x0  }
0x58: {  	[sflag:s0] =	ssyncadd.s32 $0xFFFFF800  }
0x59: {  	_ =	swait.ge [sflag:s0], $0x800  }
0x5a: {  	[sflag:s0] =	ssyncset.done $0x0  }
0x5b: {  	[sflag:s0] =	ssyncadd.s32 $0xFFFFF800  }
0x5c: {  	_ =	swait.ge [sflag:s0], $0x800  }
0x5d: {  	[sflag:s0] =	ssyncset.done $0x0  }
0x5e: {  	s19 =	simm.s32 $0x2A00;
	[sflag:s0] =	ssyncadd.s32 $0xFFFFF800  }
0x5f: {  	[spmem:s2] =	stream.indirect.scatter.add.bf16 [tilespmem:s22], [sflag:$0x4], $0x10, s19, s14, $0xb8;
	[tilespmem:$0xDE38] =	vst v63  }
0x60: {  	s19 =	simm.s32 $0x2A80  }
0x61: {  	[spmem:s2] =	stream.indirect.scatter.add.bf16 [tilespmem:s24], [sflag:$0x4], $0x10, s19, s14, $0xb8;
	[tilespmem:$0xDE38] =	vst v63  }
0x62: {  	s19 =	simm.s32 $0x2B00  }
0x63: {  	[spmem:s2] =	stream.indirect.scatter.add.bf16 [tilespmem:s28], [sflag:$0x4], $0x10, s19, s14, $0xb8;
	[tilespmem:$0xDE38] =	vst v63  }
0x64: {  	s19 =	simm.s32 $0x2B80  }
0x65: {  	[spmem:s2] =	stream.indirect.scatter.add.bf16 [tilespmem:s30], [sflag:$0x4], $0x10, s19, s14, $0xb8;
	[tilespmem:$0xDE38] =	vst v63  }
0x66: {  	_ =	swait.ge [sflag:s13], $0x800  }
0x67: {  	[sflag:s13] =	ssyncset.done $0x0  }
0x68: {  	[sflag:s13] =	ssyncadd.s32 $0xFFFFF800  }
0x69: {  	_ =	swait.ge [sflag:s13], $0x800  }
0x6a: {  	[sflag:s13] =	ssyncset.done $0x0  }
0x6b: {  	[sflag:s13] =	ssyncadd.s32 $0xFFFFF800  }
0x6c: {  	_ =	swait.ge [sflag:s13], $0x800  }
0x6d: {  	[sflag:s13] =	ssyncset.done $0x0  }
0x6e: {  	[sflag:s13] =	ssyncadd.s32 $0xFFFFF800  }
0x6f: {  	_ =	swait.ge [sflag:s13], $0x800  }
0x70: {  	[sflag:s13] =	ssyncset.done $0x0  }
0x71: {  	s19 =	simm.s32 $0x400;
	[sflag:s13] =	ssyncadd.s32 $0xFFFFF800  }
0x72: {  	[tilespmem:s15], [sflag:$0x1] =	stream.indirect.gather [hbm4b:s4+s14], $0x10, s19, s14, $0xb8;
	[tilespmem:$0xDE38] =	vst v63  }
0x73: {  	s19 =	simm.s32 $0x480  }
0x74: {  	[tilespmem:s16], [sflag:$0x1] =	stream.indirect.gather [hbm4b:s4+s14], $0x10, s19, s14, $0xb8;
	[tilespmem:$0xDE38] =	vst v63  }
0x75: {  	s19 =	simm.s32 $0x500  }
0x76: {  	[tilespmem:s18], [sflag:$0x1] =	stream.indirect.gather [hbm4b:s4+s14], $0x10, s19, s14, $0xb8;
	[tilespmem:$0xDE38] =	vst v63  }
0x77: {  	s19 =	simm.s32 $0x580  }
0x78: {  	[tilespmem:s20], [sflag:$0x1] =	stream.indirect.gather [hbm4b:s4+s14], $0x10, s19, s14, $0xb8;
	[tilespmem:$0xDE38] =	vst v63  }
0x79: {  	_ =	swait.ge [sflag:s17], $0x800  }
0x7a: {  	[sflag:s17] =	ssyncset.done $0x0  }
0x7b: {  	[sflag:s17] =	ssyncadd.s32 $0xFFFFF800  }
0x7c: {  	_ =	swait.ge [sflag:s17], $0x800  }
0x7d: {  	[sflag:s17] =	ssyncset.done $0x0  }
0x7e: {  	[sflag:s17] =	ssyncadd.s32 $0xFFFFF800  }
0x7f: {  	_ =	swait.ge [sflag:s17], $0x800  }
0x80: {  	[sflag:s17] =	ssyncset.done $0x0  }
0x81: {  	[sflag:s17] =	ssyncadd.s32 $0xFFFFF800  }
0x82: {  	_ =	swait.ge [sflag:s17], $0x800  }
0x83: {  	[sflag:s17] =	ssyncset.done $0x0  }
0x84: {  	s19 =	simm.s32 $0x600;
	[sflag:s17] =	ssyncadd.s32 $0xFFFFF800  }
0x85: {  	[tilespmem:s22], [sflag:$0x2] =	stream.indirect.gather [hbm4b:s4+s14], $0x10, s19, s14, $0xb8;
	[tilespmem:$0xDE38] =	vst v63  }
0x86: {  	s19 =	simm.s32 $0x680  }
0x87: {  	[tilespmem:s24], [sflag:$0x2] =	stream.indirect.gather [hbm4b:s4+s14], $0x10, s19, s14, $0xb8;
	[tilespmem:$0xDE38] =	vst v63  }
0x88: {  	s29 =	simm.s32 $0x1000;
	s1 =	simm.s32 $0x780;
	s19 =	simm.s32 $0x700  }
0x89: {  	[tilespmem:s28], [sflag:$0x2] =	stream.indirect.gather [hbm4b:s4+s14], $0x10, s19, s14, $0xb8;
	[tilespmem:$0xDE38] =	vst v63  }
.LBB2_4:
0x8a: {  	[tilespmem:s30], [sflag:$0x2] =	stream.indirect.gather [hbm4b:s4+s14], $0x10, s1, s14, $0xb8;
	[tilespmem:$0xDE38] =	vst v63  }
0x8b: {  	s1 =	smov.u32 s29  }
0x8c: {  	p1 =	sne.s32 s29, $0x8000;
	s29 =	sadd.s32 $0x1000, s29;
	_ =	swait.ge [sflag:s31], $0x800  }
0x8d: {  	[sflag:s31] =	ssyncset.done $0x0  }
0x8e: {  	[sflag:s31] =	ssyncadd.s32 $0xFFFFF800  }
0x8f: {  	_ =	swait.ge [sflag:s31], $0x800  }
0x90: {  	[sflag:s31] =	ssyncset.done $0x0  }
0x91: {  	[sflag:s31] =	ssyncadd.s32 $0xFFFFF800  }
0x92: {  	_ =	swait.ge [sflag:s31], $0x800  }
0x93: {  	[sflag:s31] =	ssyncset.done $0x0  }
0x94: {  	[sflag:s31] =	ssyncadd.s32 $0xFFFFF800  }
0x95: {  	_ =	swait.ge [sflag:s31], $0x800  }
0x96: {  	s1 =	sshra.s32 s1, $0x2;
	[sflag:s31] =	ssyncset.done $0x0  }
0x97: {  	s19 =	sadd.s32 $0x2800, s1;
	[sflag:s31] =	ssyncadd.s32 $0xFFFFF800  }
0x98: {  	[spmem:s2] =	stream.indirect.scatter.add.bf16 [tilespmem:s15], [sflag:$0x3], $0x10, s19, s14, $0xb8;
	[tilespmem:$0xDE38] =	vst v63  }
0x99: {  	s19 =	sadd.s32 $0x2880, s1  }
0x9a: {  	[spmem:s2] =	stream.indirect.scatter.add.bf16 [tilespmem:s16], [sflag:$0x3], $0x10, s19, s14, $0xb8;
	[tilespmem:$0xDE38] =	vst v63  }
0x9b: {  	s19 =	sadd.s32 $0x2900, s1  }
0x9c: {  	[spmem:s2] =	stream.indirect.scatter.add.bf16 [tilespmem:s18], [sflag:$0x3], $0x10, s19, s14, $0xb8;
	[tilespmem:$0xDE38] =	vst v63  }
0x9d: {  	s19 =	sadd.s32 $0x2980, s1  }
0x9e: {  	[spmem:s2] =	stream.indirect.scatter.add.bf16 [tilespmem:s20], [sflag:$0x3], $0x10, s19, s14, $0xb8;
	[tilespmem:$0xDE38] =	vst v63  }
0x9f: {  	_ =	swait.ge [sflag:s0], $0x800  }
0xa0: {  	[sflag:s0] =	ssyncset.done $0x0  }
0xa1: {  	[sflag:s0] =	ssyncadd.s32 $0xFFFFF800  }
0xa2: {  	_ =	swait.ge [sflag:s0], $0x800  }
0xa3: {  	[sflag:s0] =	ssyncset.done $0x0  }
0xa4: {  	[sflag:s0] =	ssyncadd.s32 $0xFFFFF800  }
0xa5: {  	_ =	swait.ge [sflag:s0], $0x800  }
0xa6: {  	[sflag:s0] =	ssyncset.done $0x0  }
0xa7: {  	[sflag:s0] =	ssyncadd.s32 $0xFFFFF800  }
0xa8: {  	_ =	swait.ge [sflag:s0], $0x800  }
0xa9: {  	[sflag:s0] =	ssyncset.done $0x0  }
0xaa: {  	s19 =	sadd.s32 $0x2A00, s1;
	[sflag:s0] =	ssyncadd.s32 $0xFFFFF800  }
0xab: {  	[spmem:s2] =	stream.indirect.scatter.add.bf16 [tilespmem:s22], [sflag:$0x4], $0x10, s19, s14, $0xb8;
	[tilespmem:$0xDE38] =	vst v63  }
0xac: {  	s19 =	sadd.s32 $0x2A80, s1  }
0xad: {  	[spmem:s2] =	stream.indirect.scatter.add.bf16 [tilespmem:s24], [sflag:$0x4], $0x10, s19, s14, $0xb8;
	[tilespmem:$0xDE38] =	vst v63  }
0xae: {  	s19 =	sadd.s32 $0x2B00, s1  }
0xaf: {  	[spmem:s2] =	stream.indirect.scatter.add.bf16 [tilespmem:s28], [sflag:$0x4], $0x10, s19, s14, $0xb8;
	[tilespmem:$0xDE38] =	vst v63  }
0xb0: {  	s19 =	sadd.s32 $0x2B80, s1  }
0xb1: {  	[spmem:s2] =	stream.indirect.scatter.add.bf16 [tilespmem:s30], [sflag:$0x4], $0x10, s19, s14, $0xb8;
	[tilespmem:$0xDE38] =	vst v63  }
0xb2: {  	_ =	swait.ge [sflag:s13], $0x800  }
0xb3: {  	[sflag:s13] =	ssyncset.done $0x0  }
0xb4: {  	[sflag:s13] =	ssyncadd.s32 $0xFFFFF800  }
0xb5: {  	_ =	swait.ge [sflag:s13], $0x800  }
0xb6: {  	[sflag:s13] =	ssyncset.done $0x0  }
0xb7: {  	[sflag:s13] =	ssyncadd.s32 $0xFFFFF800  }
0xb8: {  	_ =	swait.ge [sflag:s13], $0x800  }
0xb9: {  	[sflag:s13] =	ssyncset.done $0x0  }
0xba: {  	[sflag:s13] =	ssyncadd.s32 $0xFFFFF800  }
0xbb: {  	_ =	swait.ge [sflag:s13], $0x800  }
0xbc: {  	[sflag:s13] =	ssyncset.done $0x0  }
0xbd: {  	s19 =	sadd.s32 $0x400, s1;
	[sflag:s13] =	ssyncadd.s32 $0xFFFFF800  }
0xbe: {  	[tilespmem:s15], [sflag:$0x1] =	stream.indirect.gather [hbm4b:s4+s14], $0x10, s19, s14, $0xb8;
	[tilespmem:$0xDE38] =	vst v63  }
0xbf: {  	s19 =	sadd.s32 $0x480, s1  }
0xc0: {  	[tilespmem:s16], [sflag:$0x1] =	stream.indirect.gather [hbm4b:s4+s14], $0x10, s19, s14, $0xb8;
	[tilespmem:$0xDE38] =	vst v63  }
0xc1: {  	s19 =	sadd.s32 $0x500, s1  }
0xc2: {  	[tilespmem:s18], [sflag:$0x1] =	stream.indirect.gather [hbm4b:s4+s14], $0x10, s19, s14, $0xb8;
	[tilespmem:$0xDE38] =	vst v63  }
0xc3: {  	s19 =	sadd.s32 $0x580, s1  }
0xc4: {  	[tilespmem:s20], [sflag:$0x1] =	stream.indirect.gather [hbm4b:s4+s14], $0x10, s19, s14, $0xb8;
	[tilespmem:$0xDE38] =	vst v63  }
0xc5: {  	_ =	swait.ge [sflag:s17], $0x800  }
0xc6: {  	[sflag:s17] =	ssyncset.done $0x0  }
0xc7: {  	[sflag:s17] =	ssyncadd.s32 $0xFFFFF800  }
0xc8: {  	_ =	swait.ge [sflag:s17], $0x800  }
0xc9: {  	[sflag:s17] =	ssyncset.done $0x0  }
0xca: {  	[sflag:s17] =	ssyncadd.s32 $0xFFFFF800  }
0xcb: {  	_ =	swait.ge [sflag:s17], $0x800  }
0xcc: {  	[sflag:s17] =	ssyncset.done $0x0  }
0xcd: {  	[sflag:s17] =	ssyncadd.s32 $0xFFFFF800  }
0xce: {  	_ =	swait.ge [sflag:s17], $0x800  }
0xcf: {  	[sflag:s17] =	ssyncset.done $0x0  }
0xd0: {  	s19 =	sadd.s32 $0x600, s1;
	[sflag:s17] =	ssyncadd.s32 $0xFFFFF800  }
0xd1: {  	[tilespmem:s22], [sflag:$0x2] =	stream.indirect.gather [hbm4b:s4+s14], $0x10, s19, s14, $0xb8;
	[tilespmem:$0xDE38] =	vst v63  }
.Ltmp1:
0xd2: {  	s19 =	sadd.s32 $0x680, s1;
	(pc) =	sbr.rel @p1 .LBB2_4-.Ltmp1, $4  }
0xd3: {  	[tilespmem:s24], [sflag:$0x2] =	stream.indirect.gather [hbm4b:s4+s14], $0x10, s19, s14, $0xb8;
	[tilespmem:$0xDE38] =	vst v63  }
0xd4: {  	s19 =	sadd.s32 $0x700, s1  }
0xd5: {  	[tilespmem:s28], [sflag:$0x2] =	stream.indirect.gather [hbm4b:s4+s14], $0x10, s19, s14, $0xb8;
	[tilespmem:$0xDE38] =	vst v63  }
0xd6: {  	s1 =	sadd.s32 $0x780, s1  }
0xd7: {  	[tilespmem:s30], [sflag:$0x2] =	stream.indirect.gather [hbm4b:s4+s14], $0x10, s1, s14, $0xb8;
	[tilespmem:$0xDE38] =	vst v63  }
0xd8: {  	_ =	swait.ge [sflag:s31], $0x800  }
0xd9: {  	[sflag:s31] =	ssyncset.done $0x0  }
0xda: {  	[sflag:s31] =	ssyncadd.s32 $0xFFFFF800  }
0xdb: {  	_ =	swait.ge [sflag:s31], $0x800  }
0xdc: {  	[sflag:s31] =	ssyncset.done $0x0  }
0xdd: {  	[sflag:s31] =	ssyncadd.s32 $0xFFFFF800  }
0xde: {  	_ =	swait.ge [sflag:s31], $0x800  }
0xdf: {  	[sflag:s31] =	ssyncset.done $0x0  }
0xe0: {  	[sflag:s31] =	ssyncadd.s32 $0xFFFFF800  }
0xe1: {  	_ =	swait.ge [sflag:s31], $0x800  }
0xe2: {  	[sflag:s31] =	ssyncset.done $0x0  }
0xe3: {  	s19 =	simm.s32 $0x4C00;
	[sflag:s31] =	ssyncadd.s32 $0xFFFFF800  }
0xe4: {  	[spmem:s2] =	stream.indirect.scatter.add.bf16 [tilespmem:s15], [sflag:$0x3], $0x10, s19, s14, $0xb8;
	[tilespmem:$0xDE38] =	vst v63  }
0xe5: {  	s29 =	simm.s32 $0x4C80  }
0xe6: {  	[spmem:s2] =	stream.indirect.scatter.add.bf16 [tilespmem:s16], [sflag:$0x3], $0x10, s29, s14, $0xb8;
	[tilespmem:$0xDE38] =	vst v63  }
0xe7: {  	s19 =	simm.s32 $0x4D00  }
0xe8: {  	[spmem:s2] =	stream.indirect.scatter.add.bf16 [tilespmem:s18], [sflag:$0x3], $0x10, s19, s14, $0xb8;
	[tilespmem:$0xDE38] =	vst v63  }
0xe9: {  	s29 =	simm.s32 $0x4D80  }
0xea: {  	[spmem:s2] =	stream.indirect.scatter.add.bf16 [tilespmem:s20], [sflag:$0x3], $0x10, s29, s14, $0xb8;
	[tilespmem:$0xDE38] =	vst v63  }
0xeb: {  	_ =	swait.ge [sflag:s0], $0x800  }
0xec: {  	[sflag:s0] =	ssyncset.done $0x0  }
0xed: {  	[sflag:s0] =	ssyncadd.s32 $0xFFFFF800  }
0xee: {  	_ =	swait.ge [sflag:s0], $0x800  }
0xef: {  	[sflag:s0] =	ssyncset.done $0x0  }
0xf0: {  	[sflag:s0] =	ssyncadd.s32 $0xFFFFF800  }
0xf1: {  	_ =	swait.ge [sflag:s0], $0x800  }
0xf2: {  	[sflag:s0] =	ssyncset.done $0x0  }
0xf3: {  	[sflag:s0] =	ssyncadd.s32 $0xFFFFF800  }
0xf4: {  	_ =	swait.ge [sflag:s0], $0x800  }
0xf5: {  	[sflag:s0] =	ssyncset.done $0x0  }
0xf6: {  	s19 =	simm.s32 $0x4E00;
	[sflag:s0] =	ssyncadd.s32 $0xFFFFF800  }
0xf7: {  	[spmem:s2] =	stream.indirect.scatter.add.bf16 [tilespmem:s22], [sflag:$0x4], $0x10, s19, s14, $0xb8;
	[tilespmem:$0xDE38] =	vst v63  }
0xf8: {  	s29 =	simm.s32 $0x4E80  }
0xf9: {  	[spmem:s2] =	stream.indirect.scatter.add.bf16 [tilespmem:s24], [sflag:$0x4], $0x10, s29, s14, $0xb8;
	[tilespmem:$0xDE38] =	vst v63  }
0xfa: {  	_ = 	snop  }
0xfb: {  	[spmem:s2] =	stream.indirect.scatter.add.bf16 [tilespmem:s28], [sflag:$0x4], $0x10, s21, s14, $0xb8;
	[tilespmem:$0xDE38] =	vst v63  }
0xfc: {  	_ = 	snop  }
0xfd: {  	[spmem:s2] =	stream.indirect.scatter.add.bf16 [tilespmem:s30], [sflag:$0x4], $0x10, s23, s14, $0xb8;
	[tilespmem:$0xDE38] =	vst v63  }
0xfe: {  	_ =	swait.ge [sflag:s13], $0x800  }
0xff: {  	[sflag:s13] =	ssyncset.done $0x0  }
0x100: {  	[sflag:s13] =	ssyncadd.s32 $0xFFFFF800  }
0x101: {  	_ =	swait.ge [sflag:s13], $0x800  }
0x102: {  	[sflag:s13] =	ssyncset.done $0x0  }
0x103: {  	[sflag:s13] =	ssyncadd.s32 $0xFFFFF800  }
0x104: {  	_ =	swait.ge [sflag:s13], $0x800  }
0x105: {  	[sflag:s13] =	ssyncset.done $0x0  }
0x106: {  	[sflag:s13] =	ssyncadd.s32 $0xFFFFF800  }
0x107: {  	_ =	swait.ge [sflag:s13], $0x800  }
0x108: {  	[sflag:s13] =	ssyncset.done $0x0  }
0x109: {  	[sflag:s13] =	ssyncadd.s32 $0xFFFFF800  }
0x10a: {  	_ =	swait.ge [sflag:s17], $0x800  }
0x10b: {  	[sflag:s17] =	ssyncset.done $0x0  }
0x10c: {  	[sflag:s17] =	ssyncadd.s32 $0xFFFFF800  }
0x10d: {  	_ =	swait.ge [sflag:s17], $0x800  }
0x10e: {  	[sflag:s17] =	ssyncset.done $0x0  }
0x10f: {  	[sflag:s17] =	ssyncadd.s32 $0xFFFFF800  }
0x110: {  	_ =	swait.ge [sflag:s17], $0x800  }
0x111: {  	[sflag:s17] =	ssyncset.done $0x0  }
0x112: {  	[sflag:s17] =	ssyncadd.s32 $0xFFFFF800  }
0x113: {  	_ =	swait.ge [sflag:s17], $0x800  }
0x114: {  	[sflag:s17] =	ssyncset.done $0x0  }
0x115: {  	[sflag:s17] =	ssyncadd.s32 $0xFFFFF800  }
0x116: {  	s1 =	sshrl.u32 @p0 s8, $0x3;
	s19 =	simm.s32 @p0 $0x1FC5;
	[bflag:$0x0] =	sbarrier.arrive $0xFFFF  }
0x117: {  	[hbm:s10], [sflag:s19] =	dma.local @p0 [spmem:s1], $0x4C8  }
0x118: {  	s1 =	simm.s32 @p0 $0x5  }
0x119: {  	s19 =	stileid.u32;
	_ =	swait.ge @p0 [sflag:s1], $0x4C8  }
0x11a: {  	s26 =	sadd.s32 $0x1, s26;
	s19 =	sshll.u32 @!p0 s19, $0x6;
	[sflag:s1] =	ssyncset.done @p0 $0x0  }
0x11b: {  	p1 =	sne.s32 s26, s11;
	[sflag:s1] =	ssyncadd.s32 @p0 $0xFFFFFB38;
	s1 =	sor.u32 @!p0 $0x1C05, s19  }
0x11c: {  	[hbm:s9], [sflag:s1] =	dma.local @!p0 [spmem:s25], $0x4E4  }
.Ltmp2:
0x11d: {  	_ = 	snop;
	(pc) =	sbr.rel @p1 .LBB2_1-.Ltmp2, $4  }
0x11e: {  	s1 =	simm.s32 @!p0 $0x5  }
0x11f: {  	_ =	swait.ge @!p0 [sflag:s1], $0x4E4  }
0x120: {  	[sflag:s1] =	ssyncset.done @!p0 $0x0  }
0x121: {  	[sflag:s1] =	ssyncadd.s32 @!p0 $0xFFFFFB1C  }
0x122: {  	_ =	sfence.sel $0x180000  }
0x123: {  	[bflag:$0x0] =	sbarrier.arrive $0xFFFF  }
0x124: {  	_ =	strace $0x9000004A  }
0x125: {  	s0 =	stileid.u32;
	[bflag:$0x2] =	sbarrier.arrive $0xFFFF  }
0x126: {  	p0 =	sne.s32 s0, $0x0;
	s0 =	rddreg [dreg:$0x3]  }
0x127: {  	s0 =	sadd.s32 @!p0 $0x100000, s0  }
0x128: {  	[sflag:s0] =	ssyncadd.tile.s32 @!p0 $0x1;
	_ =	shalt  }
.Lfunc_end2:
_tile_overlayer_lowered:
.L_overlay_start_2:
0x129: {  	(tag) =	ssettag $0x2  }
0x12a: {  	s0 =	rddreg [dreg:$0x0];
	s2 =	stileid.u32  }
0x12b: {  	s1 =	rddreg [dreg:$0x1];
	p0 =	sne.s32 s2, $0x0  }
0x12c: {  	s3 =	rddreg [dreg:$0x2];
	[bflag:$0x3] =	sbarrier.arrive $0xFFFF;
	s2 =	simm.s32 @!p0 $0x1C05  }
0x12d: {  	[timem:s3], [sflag:s2] =	dma.local @!p0 [hbm:s0], s1  }
0x12e: {  	s0 =	simm.s32 @!p0 $0x5  }
0x12f: {  	_ =	swait.ge @!p0 [sflag:s0], s1  }
0x130: {  	s1 =	ssub.s32 @!p0 $0x0, s1;
	[sflag:s0] =	ssyncset.done @!p0 $0x0  }
0x131: {  	[sflag:s0] =	ssyncadd.s32 @!p0 s1  }
0x132: {  	[bflag:$0x3] =	sbarrier.arrive $0xFFFF  }
0x133: {  	_ =	shalt  }

// kernel: kernel.7.cloned.1.call-start
scs
__scs_entry_jumppad:
0x0: {  	(pc) =	sbr.rel $0x88, $3  }
0x1: {  	(tag) =	ssettag $0x0;
	lr =	simm.s32 $0x1  }
0x2: {  	[smem:$0x3F99] =	sst lr;
	_ =	strace $0xD0000000  }
0x3: {  	_ = 	snop  }
0x4: {  	_ = 	snop  }
0x5: {  	_ = 	snop  }
0x6: {  	_ = 	snop  }
0x7: {  	_ = 	snop  }
__scs_overlays_trampoline_lowered:
0x8: {  	[smem:$0x3FA8] =	sst s0  }
0x9: {  	[smem:$0x3FA9] =	sst s1  }
0xa: {  	[smem:$0x3FAA] =	sst s2  }
0xb: {  	[smem:$0x3FAB] =	sst s3  }
0xc: {  	[smem:$0x3FAC] =	sst s4  }
0xd: {  	[smem:$0x3FAD] =	sst s5  }
0xe: {  	[smem:$0x3FAE] =	sst s6  }
0xf: {  	[smem:$0x3FAF] =	sst s7  }
0x10: {  	[smem:$0x3FB0] =	sst s8  }
0x11: {  	[smem:$0x3FB1] =	sst s9;
	s0 =	simm.s32 @!p0 $0x0  }
0x12: {  	s1 =	sld [smem:$0x3F97];
	s0 =	simm.s32 @p0 $0x1  }
0x13: {  	[smem:$0x3FB2] =	sst s0;
	s0 =	simm.s32 @!p1 $0x0  }
0x14: {  	s2 =	sld [smem:$0x3F96];
	s0 =	simm.s32 @p1 $0x1  }
0x15: {  	[smem:$0x3FB3] =	sst s0;
	s0 =	simm.s32 @!p2 $0x0  }
0x16: {  	s3 =	sld [smem:$0x3FDB];
	s0 =	simm.s32 @p2 $0x1  }
0x17: {  	s4 =	simm.s32 $0x1BF5;
	[smem:$0x3FB5] =	sst s0  }
0x18: {  	s0 =	sld [smem:$0x3F98];
	_ =	swait.ge [sflag:s4], $0x0  }
0x19: {  	s7 =	sld [smem:$0x3F99]  }
0x1a: {  	s8 =	sadd.s32 $0xFFFFE003, lr  }
0x1b: {  	s9 =	sadd.s32 $0xFFFFFEF7, lr;
	s5 =	simm.s32 $0xFFFFFFFF;
	p2 =	slt.u32 s8, $0xFFFFF086  }
0x1c: {  	p1 =	slt.u32 s9, $0xF7A;
	s5 =	simm.s32 @!p2 $0x0  }
0x1d: {  	s5 =	simm.s32 @p1 $0x1;
	p0 =	seq.s32 s7, s2  }
0x1e: {  	s7 =	smul.u32 @!p0 $0xF7A, s2;
	p2 =	seq.s32 @!p0 s5, $0x0  }
0x1f: {  	s9 =	smul.u32 $0xF7A, s1;
	s8 =	simm.s32 @!p0 $0x1BF5;
	p2 =	por !p2, p0  }
0x20: {  	[sflag:s8] =	ssyncset.s32 @!p0 $0xFFFFF086;
	s6 =	sadd.s32 @!p0 s3, s7;
	s7 =	simm.s32 @!p0 $0x108  }
0x21: {  	s3 =	sadd.s32 s3, s9;
	s6 =	sadd.s32 @!p0 $0x88, s6;
	s7 =	simm.s32 @p2 $0x1082  }
0x22: {  	[simem:s7], [sflag:s8] =	dma.local @!p0 [hbm:s6], $0xF7A  }
0x23: {  	s9 =	sor.u32 $0xD0000000, s2;
	s6 =	simm.s32 $0x108;
	_ =	swait.ge @!p0 [sflag:s8], $0x0  }
0x24: {  	s3 =	sadd.s32 $0x88, s3;
	s6 =	simm.s32 @!p1 $0x1082;
	[sflag:s4] =	ssyncset.s32 $0xFFFFF086  }
0x25: {  	[simem:s6], [sflag:s4] =	dma.local [hbm:s3], $0xF7A  }
0x26: {  	[smem:$0x3F99] =	sst s1;
	(tag) =	ssettag s2;
	_ =	strace s9  }
0x27: {  	s1 =	sld [smem:$0x3FA9]  }
0x28: {  	s2 =	sld [smem:$0x3FAA]  }
0x29: {  	s4 =	sld [smem:$0x3FAC]  }
0x2a: {  	p0 =	seq.s32 s5, $0x0;
	s5 =	sld [smem:$0x3FAD]  }
0x2b: {  	s6 =	sld [smem:$0x3FAE]  }
0x2c: {  	s7 =	sld [smem:$0x3FAF]  }
0x2d: {  	s3 =	simm.s32 $0x108;
	s8 =	sld [smem:$0x3FB0]  }
0x2e: {  	s3 =	simm.s32 @!p0 $0x1082;
	s9 =	sld [smem:$0x3FB1]  }
0x2f: {  	lr =	sadd.s32 s0, s3;
	s0 =	sld [smem:$0x3FA8]  }
0x30: {  	s3 =	sld [smem:$0x3FAB]  }
0x31: {  	[smem:$0x3FB4] =	sst s10  }
0x32: {  	s10 =	sld [smem:$0x3FB2];
	_ =	sdelay $0x3  }
0x33: {  	p0 =	seq.s32 s10, $0x1;
	s10 =	sld [smem:$0x3FB4];
	_ =	sdelay $0x3  }
0x34: {  	[smem:$0x3FB4] =	sst s10  }
0x35: {  	s10 =	sld [smem:$0x3FB3];
	_ =	sdelay $0x3  }
0x36: {  	p1 =	seq.s32 s10, $0x1;
	s10 =	sld [smem:$0x3FB4];
	_ =	sdelay $0x3  }
0x37: {  	[smem:$0x3FB4] =	sst s10  }
0x38: {  	s10 =	sld [smem:$0x3FB5]  }
0x39: {  	_ = 	snop;
	(pc) =	sbr.ind lr, $3  }
0x3a: {  	_ = 	snop  }
0x3b: {  	_ = 	snop  }
0x3c: {  	p2 =	seq.s32 s10, $0x1;
	s10 =	sld [smem:$0x3FB4]  }
0x3d: {  	_ =	shalt  }
0x3e: {  	_ =	shalt  }
0x3f: {  	_ =	shalt  }
0x40: {  	_ =	shalt  }
0x41: {  	_ =	shalt  }
0x42: {  	_ =	shalt  }
0x43: {  	_ =	shalt  }
0x44: {  	_ =	shalt  }
0x45: {  	_ =	shalt  }
0x46: {  	_ =	shalt  }
0x47: {  	_ =	shalt  }
0x48: {  	_ =	shalt  }
0x49: {  	_ =	shalt  }
0x4a: {  	_ =	shalt  }
0x4b: {  	_ =	shalt  }
0x4c: {  	_ =	shalt  }
0x4d: {  	_ =	shalt  }
0x4e: {  	_ =	shalt  }
0x4f: {  	_ =	shalt  }
0x50: {  	_ =	shalt  }
0x51: {  	_ =	shalt  }
0x52: {  	_ =	shalt  }
0x53: {  	_ =	shalt  }
0x54: {  	_ =	shalt  }
0x55: {  	_ =	shalt  }
0x56: {  	_ =	shalt  }
0x57: {  	_ =	shalt  }
0x58: {  	_ =	shalt  }
0x59: {  	_ =	shalt  }
0x5a: {  	_ =	shalt  }
0x5b: {  	_ =	shalt  }
0x5c: {  	_ =	shalt  }
0x5d: {  	_ =	shalt  }
0x5e: {  	_ =	shalt  }
0x5f: {  	_ =	shalt  }
0x60: {  	_ =	shalt  }
0x61: {  	_ =	shalt  }
0x62: {  	_ =	shalt  }
0x63: {  	_ =	shalt  }
0x64: {  	_ =	shalt  }
0x65: {  	_ =	shalt  }
0x66: {  	_ =	shalt  }
0x67: {  	_ =	shalt  }
0x68: {  	_ =	shalt  }
0x69: {  	_ =	shalt  }
0x6a: {  	_ =	shalt  }
0x6b: {  	_ =	shalt  }
0x6c: {  	_ =	shalt  }
0x6d: {  	_ =	shalt  }
0x6e: {  	_ =	shalt  }
0x6f: {  	_ =	shalt  }
0x70: {  	_ =	shalt  }
0x71: {  	_ =	shalt  }
0x72: {  	_ =	shalt  }
0x73: {  	_ =	shalt  }
0x74: {  	_ =	shalt  }
0x75: {  	_ =	shalt  }
0x76: {  	_ =	shalt  }
0x77: {  	_ =	shalt  }
0x78: {  	_ =	shalt  }
0x79: {  	_ =	shalt  }
0x7a: {  	_ =	shalt  }
0x7b: {  	_ =	shalt  }
0x7c: {  	_ =	shalt  }
0x7d: {  	_ =	shalt  }
0x7e: {  	_ =	shalt  }
0x7f: {  	_ =	shalt  }
0x80: {  	_ =	shalt  }
0x81: {  	_ =	shalt  }
0x82: {  	_ =	shalt  }
0x83: {  	_ =	shalt  }
0x84: {  	_ =	shalt  }
0x85: {  	_ =	shalt  }
0x86: {  	_ =	shalt  }
0x87: {  	_ =	shalt  }
.Lfunc_end0:
.L_simem_size_0:
called_computation_lowered:
.L_overlay_start_0:
0x88: {  	s2 =	sld [smem:$0x3FD9]  }
0x89: {  	s3 =	sld [smem:$0x3FFE];
	_ =	sdelay $0x1  }
0x8a: {  	s1 =	srdreg.scid  }
0x8b: {  	s0 =	sand.u32 $0x1, s1  }
0x8c: {  	s17 =	sshll.u32 s0, $0xA;
	s2 =	sadd.s32 s3, s2  }
0x8d: {  	s2 =	sadd.s32 s2, s17  }
0x8e: {  	[smem:$0x3FC0] =	sst s2  }
0x8f: {  	_ = 	snop  }
0x90: {  	s2 =	sld [smem:$0x3FD0];
	(tm) =	ssettm $0x1  }
0x91: {  	s18 =	sld [smem:$0x3FFB];
	_ =	sdelay $0x3  }
0x92: {  	_ =	strace s18  }
0x93: {  	s3 =	sld [smem:$0x3FFC];
	_ =	sdelay $0x3  }
0x94: {  	_ =	strace s3  }
0x95: {  	s3 =	sld [smem:$0x3FFD];
	_ =	sdelay $0x3  }
0x96: {  	_ =	strace s3  }
0x97: {  	_ =	strace $0x8FFFFFFF  }
0x98: {  	s19 =	sld [smem:$0x3FDB];
	_ =	sdelay $0x1  }
0x99: {  	s4 =	simm.s32 $_scs_section_size  }
0x9a: {  	s5 =	simm.s32 $_size__tile_overlayer_lowered;
	s6 =	simm.s32 $_tile_overlayer_lowered  }
0x9b: {  	s22 =	simm.s32 $0x1BFF;
	s21 =	sshll.u32 s6, $0x1;
	s3 =	sadd.s32 s4, s19  }
0x9c: {  	s7 =	simm.s32 $0x0;
	s20 =	sshll.u32 s5, $0x1;
	s5 =	sadd.s32 s21, s3  }
0x9d: {  	[timem:s7], [sflag:s22] =	dma.local [hbm:s5], s20  }
0x9e: {  	_ =	swait.ge [sflag:s22], s20  }
0x9f: {  	s4 =	ssub.s32 $0x0, s20;
	[sflag:s22] =	ssyncset.done $0x0  }
0xa0: {  	[sflag:s22] =	ssyncadd.s32 s4;
	_ =	sdelay $0x1  }
0xa1: {  	s23 =	simm.s32 $0x1B8B  }
0xa2: {  	_ =	swait.ge [sflag:s23], $0x1  }
0xa3: {  	[sflag:s23] =	ssyncset.done $0x0  }
0xa4: {  	s25 =	simm.s32 $0x1B8E;
	s24 =	sld [smem:$0x3FFE];
	[sflag:s23] =	ssyncadd.s32 $0xFFFFFFFF  }
0xa5: {  	s26 =	simm.s32 $execute0_lowered;
	[smem:$0x3FD2] =	sst s25  }
0xa6: {  	s5 =	sshll.u32 s26, $0x1;
	_ =	strace $0x80000046;
	[dreg:$0x1] =	wrdreg $0xFFFFFFFF  }
0xa7: {  	s28 =	simm.s32 $_size_execute0_lowered;
	s3 =	sadd.s32 s3, s5;
	[dreg:$0x0] =	wrdreg $0x0  }
0xa8: {  	s5 =	sshll.u32 s28, $0x1;
	[dreg:$0x2] =	wrdreg s3  }
0xa9: {  	[dreg:$0x3] =	wrdreg s5  }
0xaa: {  	[dreg:$0x4] =	wrdreg $0xC0  }
0xab: {  	_ =	task [dreg:s7], $0x5FFFF  }
0xac: {  	[dreg:$0x1] =	wrdreg $0xFFFFFFFF  }
0xad: {  	[dreg:$0x0] =	wrdreg $0x60  }
0xae: {  	[dreg:$0x2] =	wrdreg s24  }
0xaf: {  	[dreg:$0x3] =	wrdreg s2  }
0xb0: {  	[dreg:$0x4] =	wrdreg $0xB7200  }
0xb1: {  	[dreg:$0x5] =	wrdreg $0xF5C80  }
0xb2: {  	[dreg:$0x6] =	wrdreg $0x9  }
0xb3: {  	_ =	task.clear_ibuf [dreg:s7], $0x7FFFF;
	_ =	strace $0x90000046  }
0xb4: {  	s29 =	simm.s32 $0x9;
	_ =	strace $0x80000048  }
0xb5: {  	_ =	swait.ge [sflag:s29], $0x1  }
0xb6: {  	[sflag:s29] =	ssyncadd.s32 $0xFFFFFFFF  }
0xb7: {  	_ =	strace $0x90000048  }
0xb8: {  	_ =	sfence  }
0xb9: {  	s30 =	sld [smem:$0x0];
	_ =	sdelay $0x2  }
0xba: {  	s31 =	sshll.u32 s1, $0xD;
	s1 =	sshrl.u32 s1, $0x2  }
0xbb: {  	s3 =	sand.u32 $0x4000, s31;
	s1 =	sadd.s32 s1, s30  }
0xbc: {  	s0 =	sor.u32 s3, s0;
	s1 =	sshll.u32 s1, $0x11  }
0xbd: {  	s0 =	sor.u32 s1, s0  }
0xbe: {  	s0 =	sadd.s32 $0x8F2B, s0  }
0xbf: {  	[sflag:s0] =	ssyncadd.remote.s32 $0x1  }
0xc0: {  	_ =	sfence.sel $0xFFFF  }
0xc1: {  	[dreg:$0x0] =	wrdreg $0xFFFFFFFF;
	(pc) =	sbr.abs _section_cstart, $3  }
0xc2: {  	[dreg:$0x1] =	wrdreg $0xFFFFFFFF  }
0xc3: {  	_ =	task.clear_ibuf [dreg:s7], $0x2FFFF;
	_ =	strace $0x9FFFFFFF  }
0xc4: {  	(tm) =	ssettm $0x7FFFFFFF  }
0xc5: {  	_ =	shalt  }
tec
execute0_lowered:
.L_overlay_start_1:
0x0: {  	(tag) =	ssettag $0x1  }
0x1: {  	s0 =	rddreg [dreg:$0x0]  }
0x2: {  	s1 =	rddreg [dreg:$0x1]  }
0x3: {  	s2 =	rddreg [dreg:$0x2];
	s4 =	srdreg.scid  }
0x4: {  	s14 =	stileid.u32;
	s3 =	rddreg [dreg:$0x3];
	s6 =	simm.s32 $0x0  }
0x5: {  	s17 =	simm.s32 $0x5;
	s19 =	simm.s32 $0x80;
	s28 =	simm.s32 $0x6800  }
0x6: {  	s30 =	simm.s32 $0x7000;
	s29 =	simm.s32 $0x1;
	s9 =	smul.u32 $0x9C80, s14  }
0x7: {  	s31 =	simm.s32 $0xF1C8;
	s18 =	simm.s32 $0x2;
	s21 =	smul.u32 $0x4E40, s14  }
0x8: {  	s4 =	sand.u32 $0x1, s4;
	s5 =	sshll.u32 s14, $0x1;
	s25 =	smul.u32 $0x2720, s14  }
0x9: {  	[smem:$0x7FF] =	sst s6;
	s11 =	sadd.s32 $0x12570, s3;
	s22 =	smul.u32 $0x4E240, s4  }
0xa: {  	s5 =	sor.u32 s4, s5;
	s7 =	ssub.s32 $0x2, s4;
	s4 =	smul.u32 $0x27120, s4  }
0xb: {  	p0 =	seq.s32 s14, $0xF;
	_ =	strace $0x80000047;
	s20 =	smul.u32 $0x500, s5  }
0xc: {  	s5 =	sadd.s32 $0x28E00, s0;
	s8 =	sshrl.u32 s7, $0x1;
	s9 =	sshrl.u32 s9, $0x2  }
0xd: {  	s23 =	sshrl.u32 s21, $0x2;
	s7 =	ssub.s32 s7, s8;
	s9 =	sadd.s32 s9, s2  }
0xe: {  	s24 =	sadd.s32 s23, s3;
	s12 =	sadd.s32 s21, s22;
	s8 =	sshrl.u32 s21, $0x1  }
0xf: {  	s13 =	sadd.s32 s25, s4;
	s4 =	sshrl.u32 s4, $0x4;
	s21 =	simm.s32 $0x5800  }
0x10: {  	s23 =	simm.s32 $0x6000;
	s6 =	sadd.s32 s20, s0;
	[dreg:$0x7] =	wrdreg s9  }
0x11: {  	s0 =	sadd.s32 $0x41E00, s0;
	[dreg:$0x8] =	wrdreg s24;
	s12 =	sshrl.u32 s12, $0x4  }
0x12: {  	s8 =	sadd.s32 s8, s2;
	s13 =	sshrl.u32 s13, $0x4;
	s9 =	sshrl.u32 s25, $0x1  }
0x13: {  	s16 =	smax.u32 s7, $0x1;
	s20 =	simm.s32 $0x5000;
	s10 =	sadd.s32 $0x37E00, s6  }
0x14: {  	s6 =	sadd.s32 $0x2DE00, s6;
	s12 =	sadd.s32 s1, s12;
	[dreg:$0x5] =	wrdreg s10  }
0x15: {  	s26 =	sadd.s32 s0, s13;
	s0 =	sadd.s32 s0, s4;
	[dreg:$0x6] =	wrdreg s6  }
0x16: {  	s4 =	sadd.s32 s9, s3;
	s24 =	sshrl.u32 @!p0 s8, $0x3;
	[dreg:$0x9] =	wrdreg s12  }
.Ltmp0:
0x17: {  	s10 =	sadd.s32 $0x24AE0, s2;
	[dreg:$0xa] =	wrdreg s26;
	(pc) =	sbr.rel .LBB2_1-.Ltmp0, $4  }
0x18: {  	s6 =	sshrl.u32 s22, $0x4;
	s15 =	sadd.s32 $0x24AE, s0;
	s25 =	sshrl.u32 @!p0 s4, $0x3  }
0x19: {  	s0 =	simm.s32 $0x8000;
	s26 =	simm.s32 $0x8800;
	s1 =	sadd.s32 s1, s6  }
0x1a: {  	s22 =	simm.s32 $0x3;
	s4 =	simm.s32 $0x4;
	s1 =	sadd.s32 $0x495C, s1  }
0x1b: {  	v0 =	vimm.bf16 $0.0e+00;
	s6 =	simm.s32 $0x0;
	[dreg:$0xb] =	wrdreg s1;
	s1 =	simm.s32 $0x7800  }
.LBB2_6:
0x1c: {  	[bflag:$0x0] =	sbarrier.arrive $0xFFFF  }
0x1d: {  	s7 =	sshrl.u32 @p0 s10, $0x3;
	s8 =	simm.s32 @p0 $0x1FC5;
	s9 =	rddreg [dreg:$0xb]  }
0x1e: {  	[hbm:s9], [sflag:s8] =	dma.local @p0 [spmem:s7], $0x4C8  }
0x1f: {  	s7 =	simm.s32 @p0 $0x5  }
0x20: {  	_ =	swait.ge @p0 [sflag:s7], $0x4C8  }
0x21: {  	[sflag:s7] =	ssyncset.done @p0 $0x0  }
0x22: {  	s9 =	sshrl.u32 @p0 s11, $0x3;
	[sflag:s7] =	ssyncadd.s32 @p0 $0xFFFFFB38  }
0x23: {  	[hbm:s15], [sflag:s8] =	dma.local @p0 [spmem:s9], $0x264  }
0x24: {  	s8 =	stileid.u32;
	_ =	swait.ge @p0 [sflag:s7], $0x264  }
0x25: {  	s8 =	sshll.u32 @!p0 s8, $0x6;
	[sflag:s7] =	ssyncset.done @p0 $0x0  }
0x26: {  	[sflag:s7] =	ssyncadd.s32 @p0 $0xFFFFFD9C;
	s7 =	sor.u32 @!p0 $0x1C05, s8;
	s8 =	rddreg [dreg:$0x9]  }
0x27: {  	[hbm:s8], [sflag:s7] =	dma.local @!p0 [spmem:s24], $0x4E4  }
0x28: {  	s8 =	simm.s32 @!p0 $0x5  }
0x29: {  	s6 =	sadd.s32 $0x1, s6;
	_ =	swait.ge @!p0 [sflag:s8], $0x4E4  }
0x2a: {  	p1 =	sne.s32 s6, s16;
	[sflag:s8] =	ssyncset.done @!p0 $0x0  }
.Ltmp1:
0x2b: {  	s9 =	rddreg [dreg:$0xa];
	[sflag:s8] =	ssyncadd.s32 @!p0 $0xFFFFFB1C;
	(pc) =	sbr.rel @!p1 .LBB2_7-.Ltmp1, $4  }
0x2c: {  	[hbm:s9], [sflag:s7] =	dma.local @!p0 [spmem:s25], $0x272  }
0x2d: {  	_ =	swait.ge @!p0 [sflag:s8], $0x272  }
0x2e: {  	[sflag:s8] =	ssyncset.done @!p0 $0x0  }
0x2f: {  	[sflag:s8] =	ssyncadd.s32 @!p0 $0xFFFFFD8E  }
.LBB2_1:
0x30: {  	s7 =	simm.s32 $0x0;
	s8 =	rddreg [dreg:$0x5]  }
0x31: {  	[tilespmem:s7], [sflag:$0x5] =	stream.linear.gather [hbm4b:s8+s7], $0x2800, $0x38;
	[tilespmem:$0x10958] =	vst v63  }
0x32: {  	_ =	swait.ge [sflag:s17], $0x2800  }
0x33: {  	[sflag:s17] =	ssyncset.done $0x0  }
0x34: {  	s9 =	simm.s32 $0x2800;
	s12 =	rddreg [dreg:$0x6];
	[sflag:s17] =	ssyncadd.s32 $0xFFFFD800  }
0x35: {  	[tilespmem:s9], [sflag:$0x5] =	stream.linear.gather [hbm4b:s12+s7], $0x2800, $0x38;
	[tilespmem:$0x10958] =	vst v63  }
0x36: {  	_ =	swait.ge [sflag:s17], $0x2800  }
0x37: {  	[sflag:s17] =	ssyncset.done $0x0  }
0x38: {  	s13 =	simm.s32 $0x9010;
	[sflag:s17] =	ssyncadd.s32 $0xFFFFD800  }
0x39: {  	[tilespmem:s13+$0xFFFFFFF8] =	vst.msk $0xff, v0  }
0x3a: {  	[tilespmem:s13+$0x0] =	vst.msk $0xff, v0  }
0x3b: {  	[tilespmem:s13+$0xFFFFFFF0] =	vst.msk $0xff, v0  }
0x3c: {  	s14 =	simm.s32 $0x0;
	[tilespmem:s13+$0x8] =	vst.msk $0xff, v0  }
0x3d: {  	p1 =	por $0x0, $0x0;
	[tilespmem:s14+$0xDE38] =	vst.msk $0xff, v0  }
0x3e: {  	s8 =	simm.s32 @!p1 $0x0;
	v1 =	vimm.bf16 @!p1 $1.0000e+00;
	[tilespmem:s14+$0xDE40] =	vst.msk $0xff, v0  }
0x3f: {  	[tilespmem:s8+$0xF1D0] =	vst.msk @!p1 $0xff, v1  }
0x40: {  	s7 =	simm.s32 $0x40;
	s9 =	simm.s32 $0x0;
	[tilespmem:s8+$0xF1C8] =	vst.msk @!p1 $0xff, v1;
	s8 =	simm.s32 $0x9030  }
.LBB2_2:
0x41: {  	[tilespmem:s8+$0xFFFFFFF8] =	vst.msk $0xff, v0;
	s12 =	smov.u32 s7  }
0x42: {  	s13 =	sshra.s32 s7, $0x2;
	s7 =	sadd.s32 $0x40, s7;
	[tilespmem:s8+$0x0] =	vst.msk $0xff, v0  }
0x43: {  	p2 =	sne.s32 s7, $0x4E40;
	[tilespmem:s8+$0xFFFFFFF0] =	vst.msk $0xff, v0  }
.Ltmp2:
0x44: {  	s9 =	sadd.s32 $0x1, s9;
	[tilespmem:s8+$0x8] =	vst.msk $0xff, v0;
	(pc) =	sbr.rel @p2 .LBB2_2-.Ltmp2, $4  }
0x45: {  	p1 =	sgt.u32 s9, $0x3F;
	[tilespmem:s13+$0xDE38] =	vst.msk $0xff, v0  }
0x46: {  	s12 =	sshra.s32 @!p1 s12, $0x2;
	v1 =	vimm.bf16 @!p1 $1.0000e+00;
	[tilespmem:s13+$0xDE40] =	vst.msk $0xff, v0  }
0x47: {  	[tilespmem:s12+$0xF1D0] =	vst.msk @!p1 $0xff, v1  }
0x48: {  	s8 =	sadd.s32 $0x20, s8;
	[tilespmem:s12+$0xF1C8] =	vst.msk @!p1 $0xff, v1  }
0x49: {  	s7 =	simm.s32 @p0 $0x9000  }
0x4a: {  	[spmem:s10] =	stream.linear.scatter @p0 [tilespmem:s7], [sflag:$0x5], $0x2640, $0x38;
	[tilespmem:$0x10958] =	vst v63  }
0x4b: {  	s7 =	simm.s32 @p0 $0x5  }
0x4c: {  	_ =	swait.ge @p0 [sflag:s7], $0x2640  }
0x4d: {  	[sflag:s7] =	ssyncset.done @p0 $0x0  }
0x4e: {  	s8 =	simm.s32 @p0 $0xDE38;
	[sflag:s7] =	ssyncadd.s32 @p0 $0xFFFFD9C0  }
0x4f: {  	[spmem:s11] =	stream.linear.scatter @p0 [tilespmem:s8], [sflag:$0x5], $0x1320, $0x38;
	[tilespmem:$0x10958] =	vst v63  }
0x50: {  	_ =	swait.ge @p0 [sflag:s7], $0x1320  }
0x51: {  	[sflag:s7] =	ssyncset.done @p0 $0x0  }
0x52: {  	s8 =	rddreg [dreg:$0x7];
	[sflag:s7] =	ssyncadd.s32 @p0 $0xFFFFECE0;
	s7 =	simm.s32 @!p0 $0x9000  }
0x53: {  	[spmem:s8] =	stream.linear.scatter @!p0 [tilespmem:s7], [sflag:$0x5], $0x2720, $0x38;
	[tilespmem:$0x10958] =	vst v63  }
0x54: {  	s7 =	simm.s32 @!p0 $0x5  }
0x55: {  	_ =	swait.ge @!p0 [sflag:s7], $0x2720  }
0x56: {  	[sflag:s7] =	ssyncset.done @!p0 $0x0  }
0x57: {  	s8 =	simm.s32 @!p0 $0xDE38;
	s9 =	rddreg [dreg:$0x8];
	[sflag:s7] =	ssyncadd.s32 @!p0 $0xFFFFD8E0  }
0x58: {  	[spmem:s9] =	stream.linear.scatter @!p0 [tilespmem:s8], [sflag:$0x5], $0x1390, $0x38;
	[tilespmem:$0x10958] =	vst v63  }
0x59: {  	_ =	swait.ge @!p0 [sflag:s7], $0x1390  }
0x5a: {  	[sflag:s7] =	ssyncset.done @!p0 $0x0  }
0x5b: {  	[sflag:s7] =	ssyncadd.s32 @!p0 $0xFFFFEC70  }
0x5c: {  	s7 =	simm.s32 $0x0;
	[bflag:$0x0] =	sbarrier.arrive $0xFFFF  }
0x5d: {  	[tilespmem:s20], [sflag:$0x1] =	stream.indirect.gather [hbm4b:s5+s19], $0x10, s7, s19, $0xb8;
	[tilespmem:$0x10958] =	vst v63  }
0x5e: {  	_ = 	snop  }
0x5f: {  	[tilespmem:s21], [sflag:$0x1] =	stream.indirect.gather [hbm4b:s5+s19], $0x10, s19, s19, $0xb8;
	[tilespmem:$0x10958] =	vst v63  }
0x60: {  	s13 =	simm.s32 $0x100  }
0x61: {  	[tilespmem:s23], [sflag:$0x1] =	stream.indirect.gather [hbm4b:s5+s19], $0x10, s13, s19, $0xb8;
	[tilespmem:$0x10958] =	vst v63  }
0x62: {  	s14 =	simm.s32 $0x180  }
0x63: {  	[tilespmem:s28], [sflag:$0x1] =	stream.indirect.gather [hbm4b:s5+s19], $0x10, s14, s19, $0xb8;
	[tilespmem:$0x10958] =	vst v63  }
0x64: {  	s9 =	simm.s32 $0x200  }
0x65: {  	[tilespmem:s30], [sflag:$0x2] =	stream.indirect.gather [hbm4b:s5+s19], $0x10, s9, s19, $0xb8;
	[tilespmem:$0x10958] =	vst v63  }
0x66: {  	s12 =	simm.s32 $0x280  }
0x67: {  	[tilespmem:s1], [sflag:$0x2] =	stream.indirect.gather [hbm4b:s5+s19], $0x10, s12, s19, $0xb8;
	[tilespmem:$0x10958] =	vst v63  }
0x68: {  	s13 =	simm.s32 $0x300  }
0x69: {  	[tilespmem:s0], [sflag:$0x2] =	stream.indirect.gather [hbm4b:s5+s19], $0x10, s13, s19, $0xb8;
	[tilespmem:$0x10958] =	vst v63  }
0x6a: {  	s14 =	simm.s32 $0x380  }
0x6b: {  	[tilespmem:s26], [sflag:$0x2] =	stream.indirect.gather [hbm4b:s5+s19], $0x10, s14, s19, $0xb8;
	[tilespmem:$0x10958] =	vst v63  }
.LBB2_4:
0x6c: {  	_ =	swait.ge [sflag:s29], $0x800  }
0x6d: {  	[sflag:s29] =	ssyncset.done $0x0  }
0x6e: {  	[sflag:s29] =	ssyncadd.s32 $0xFFFFF800  }
0x6f: {  	_ =	swait.ge [sflag:s29], $0x800  }
0x70: {  	[sflag:s29] =	ssyncset.done $0x0  }
0x71: {  	[sflag:s29] =	ssyncadd.s32 $0xFFFFF800  }
0x72: {  	_ =	swait.ge [sflag:s29], $0x800  }
0x73: {  	[sflag:s29] =	ssyncset.done $0x0  }
0x74: {  	[sflag:s29] =	ssyncadd.s32 $0xFFFFF800  }
0x75: {  	_ =	swait.ge [sflag:s29], $0x800  }
0x76: {  	s8 =	sshra.s32 s7, $0x2;
	[sflag:s29] =	ssyncset.done $0x0  }
0x77: {  	s9 =	sadd.s32 $0x2800, s8;
	[sflag:s29] =	ssyncadd.s32 $0xFFFFF800  }
0x78: {  	[spmem:s2] =	stream.indirect.scatter.add.bf16 [tilespmem:s20], [sflag:$0x3], $0x10, s9, s19, $0xb8;
	[tilespmem:$0x10958] =	vst v63  }
0x79: {  	_ = 	snop  }
0x7a: {  	[spmem:s3] =	stream.indirect.scatter.add.bf16 [tilespmem:s31], [sflag:$0x3], $0x8, s9, s19, $0xb8;
	[tilespmem:$0x10958] =	vst v63  }
0x7b: {  	s14 =	sadd.s32 $0x2880, s8  }
0x7c: {  	[spmem:s2] =	stream.indirect.scatter.add.bf16 [tilespmem:s21], [sflag:$0x3], $0x10, s14, s19, $0xb8;
	[tilespmem:$0x10958] =	vst v63  }
0x7d: {  	_ = 	snop  }
0x7e: {  	[spmem:s3] =	stream.indirect.scatter.add.bf16 [tilespmem:s31], [sflag:$0x3], $0x8, s14, s19, $0xb8;
	[tilespmem:$0x10958] =	vst v63  }
0x7f: {  	s12 =	sadd.s32 $0x2900, s8  }
0x80: {  	[spmem:s2] =	stream.indirect.scatter.add.bf16 [tilespmem:s23], [sflag:$0x3], $0x10, s12, s19, $0xb8;
	[tilespmem:$0x10958] =	vst v63  }
0x81: {  	_ = 	snop  }
0x82: {  	[spmem:s3] =	stream.indirect.scatter.add.bf16 [tilespmem:s31], [sflag:$0x3], $0x8, s12, s19, $0xb8;
	[tilespmem:$0x10958] =	vst v63  }
0x83: {  	s13 =	sadd.s32 $0x2980, s8  }
0x84: {  	[spmem:s2] =	stream.indirect.scatter.add.bf16 [tilespmem:s28], [sflag:$0x3], $0x10, s13, s19, $0xb8;
	[tilespmem:$0x10958] =	vst v63  }
0x85: {  	_ = 	snop  }
0x86: {  	[spmem:s3] =	stream.indirect.scatter.add.bf16 [tilespmem:s31], [sflag:$0x3], $0x8, s13, s19, $0xb8;
	[tilespmem:$0x10958] =	vst v63  }
0x87: {  	_ =	swait.ge [sflag:s18], $0x800  }
0x88: {  	[sflag:s18] =	ssyncset.done $0x0  }
0x89: {  	[sflag:s18] =	ssyncadd.s32 $0xFFFFF800  }
0x8a: {  	_ =	swait.ge [sflag:s18], $0x800  }
0x8b: {  	[sflag:s18] =	ssyncset.done $0x0  }
0x8c: {  	[sflag:s18] =	ssyncadd.s32 $0xFFFFF800  }
0x8d: {  	_ =	swait.ge [sflag:s18], $0x800  }
0x8e: {  	[sflag:s18] =	ssyncset.done $0x0  }
0x8f: {  	[sflag:s18] =	ssyncadd.s32 $0xFFFFF800  }
0x90: {  	_ =	swait.ge [sflag:s18], $0x800  }
0x91: {  	[sflag:s18] =	ssyncset.done $0x0  }
0x92: {  	s14 =	sadd.s32 $0x2A00, s8;
	[sflag:s18] =	ssyncadd.s32 $0xFFFFF800  }
0x93: {  	[spmem:s2] =	stream.indirect.scatter.add.bf16 [tilespmem:s30], [sflag:$0x4], $0x10, s14, s19, $0xb8;
	[tilespmem:$0x10958] =	vst v63  }
0x94: {  	_ = 	snop  }
0x95: {  	[spmem:s3] =	stream.indirect.scatter.add.bf16 [tilespmem:s31], [sflag:$0x4], $0x8, s14, s19, $0xb8;
	[tilespmem:$0x10958] =	vst v63  }
0x96: {  	s12 =	sadd.s32 $0x2A80, s8  }
0x97: {  	[spmem:s2] =	stream.indirect.scatter.add.bf16 [tilespmem:s1], [sflag:$0x4], $0x10, s12, s19, $0xb8;
	[tilespmem:$0x10958] =	vst v63  }
0x98: {  	_ = 	snop  }
0x99: {  	[spmem:s3] =	stream.indirect.scatter.add.bf16 [tilespmem:s31], [sflag:$0x4], $0x8, s12, s19, $0xb8;
	[tilespmem:$0x10958] =	vst v63  }
0x9a: {  	s13 =	sadd.s32 $0x2B00, s8  }
0x9b: {  	[spmem:s2] =	stream.indirect.scatter.add.bf16 [tilespmem:s0], [sflag:$0x4], $0x10, s13, s19, $0xb8;
	[tilespmem:$0x10958] =	vst v63  }
0x9c: {  	_ = 	snop  }
0x9d: {  	[spmem:s3] =	stream.indirect.scatter.add.bf16 [tilespmem:s31], [sflag:$0x4], $0x8, s13, s19, $0xb8;
	[tilespmem:$0x10958] =	vst v63  }
0x9e: {  	s14 =	sadd.s32 $0x2B80, s8  }
0x9f: {  	[spmem:s2] =	stream.indirect.scatter.add.bf16 [tilespmem:s26], [sflag:$0x4], $0x10, s14, s19, $0xb8;
	[tilespmem:$0x10958] =	vst v63  }
0xa0: {  	_ = 	snop  }
0xa1: {  	[spmem:s3] =	stream.indirect.scatter.add.bf16 [tilespmem:s31], [sflag:$0x4], $0x8, s14, s19, $0xb8;
	[tilespmem:$0x10958] =	vst v63  }
0xa2: {  	_ =	swait.ge [sflag:s22], $0x800  }
0xa3: {  	[sflag:s22] =	ssyncset.done $0x0  }
0xa4: {  	[sflag:s22] =	ssyncadd.s32 $0xFFFFF800  }
0xa5: {  	_ =	swait.ge [sflag:s22], $0x400  }
0xa6: {  	[sflag:s22] =	ssyncset.done $0x0  }
0xa7: {  	[sflag:s22] =	ssyncadd.s32 $0xFFFFFC00  }
0xa8: {  	_ =	swait.ge [sflag:s22], $0x800  }
0xa9: {  	[sflag:s22] =	ssyncset.done $0x0  }
0xaa: {  	[sflag:s22] =	ssyncadd.s32 $0xFFFFF800  }
0xab: {  	_ =	swait.ge [sflag:s22], $0x400  }
0xac: {  	[sflag:s22] =	ssyncset.done $0x0  }
0xad: {  	[sflag:s22] =	ssyncadd.s32 $0xFFFFFC00  }
0xae: {  	_ =	swait.ge [sflag:s22], $0x800  }
0xaf: {  	[sflag:s22] =	ssyncset.done $0x0  }
0xb0: {  	[sflag:s22] =	ssyncadd.s32 $0xFFFFF800  }
0xb1: {  	_ =	swait.ge [sflag:s22], $0x400  }
0xb2: {  	[sflag:s22] =	ssyncset.done $0x0  }
0xb3: {  	[sflag:s22] =	ssyncadd.s32 $0xFFFFFC00  }
0xb4: {  	_ =	swait.ge [sflag:s22], $0x800  }
0xb5: {  	[sflag:s22] =	ssyncset.done $0x0  }
0xb6: {  	p1 =	seq.s32 s7, $0x9000;
	[sflag:s22] =	ssyncadd.s32 $0xFFFFF800  }
0xb7: {  	s9 =	sshra.s32 @!p1 s7, $0x2;
	_ =	swait.ge [sflag:s22], $0x400  }
0xb8: {  	s12 =	sadd.s32 @!p1 $0x400, s9;
	[sflag:s22] =	ssyncset.done $0x0  }
0xb9: {  	s13 =	simm.s32 @!p1 $0x80;
	s14 =	simm.s32 @!p1 $0x5000;
	[sflag:s22] =	ssyncadd.s32 $0xFFFFFC00  }
0xba: {  	[tilespmem:s14], [sflag:$0x1] =	stream.indirect.gather @!p1 [hbm4b:s5+s13], $0x10, s12, s13, $0xb8;
	[tilespmem:$0x10958] =	vst v63  }
0xbb: {  	s12 =	sadd.s32 @!p1 $0x480, s9;
	s14 =	simm.s32 @!p1 $0x5800  }
0xbc: {  	[tilespmem:s14], [sflag:$0x1] =	stream.indirect.gather @!p1 [hbm4b:s5+s13], $0x10, s12, s13, $0xb8;
	[tilespmem:$0x10958] =	vst v63  }
0xbd: {  	s12 =	sadd.s32 @!p1 $0x500, s9;
	s14 =	simm.s32 @!p1 $0x6000  }
0xbe: {  	[tilespmem:s14], [sflag:$0x1] =	stream.indirect.gather @!p1 [hbm4b:s5+s13], $0x10, s12, s13, $0xb8;
	[tilespmem:$0x10958] =	vst v63  }
0xbf: {  	s9 =	sadd.s32 @!p1 $0x580, s9;
	s12 =	simm.s32 @!p1 $0x6800  }
0xc0: {  	[tilespmem:s12], [sflag:$0x1] =	stream.indirect.gather @!p1 [hbm4b:s5+s13], $0x10, s9, s13, $0xb8;
	[tilespmem:$0x10958] =	vst v63  }
0xc1: {  	_ =	swait.ge [sflag:s4], $0x800  }
0xc2: {  	[sflag:s4] =	ssyncset.done $0x0  }
0xc3: {  	[sflag:s4] =	ssyncadd.s32 $0xFFFFF800  }
0xc4: {  	_ =	swait.ge [sflag:s4], $0x400  }
0xc5: {  	[sflag:s4] =	ssyncset.done $0x0  }
0xc6: {  	[sflag:s4] =	ssyncadd.s32 $0xFFFFFC00  }
0xc7: {  	_ =	swait.ge [sflag:s4], $0x800  }
0xc8: {  	[sflag:s4] =	ssyncset.done $0x0  }
0xc9: {  	[sflag:s4] =	ssyncadd.s32 $0xFFFFF800  }
0xca: {  	_ =	swait.ge [sflag:s4], $0x400  }
0xcb: {  	[sflag:s4] =	ssyncset.done $0x0  }
0xcc: {  	[sflag:s4] =	ssyncadd.s32 $0xFFFFFC00  }
0xcd: {  	_ =	swait.ge [sflag:s4], $0x800  }
0xce: {  	[sflag:s4] =	ssyncset.done $0x0  }
0xcf: {  	[sflag:s4] =	ssyncadd.s32 $0xFFFFF800  }
0xd0: {  	_ =	swait.ge [sflag:s4], $0x400  }
0xd1: {  	[sflag:s4] =	ssyncset.done $0x0  }
0xd2: {  	[sflag:s4] =	ssyncadd.s32 $0xFFFFFC00  }
0xd3: {  	_ =	swait.ge [sflag:s4], $0x800  }
.Ltmp3:
0xd4: {  	[sflag:s4] =	ssyncset.done $0x0;
	(pc) =	sbr.rel @p1 .LBB2_6-.Ltmp3, $4  }
0xd5: {  	[sflag:s4] =	ssyncadd.s32 $0xFFFFF800  }
0xd6: {  	_ =	swait.ge [sflag:s4], $0x400  }
0xd7: {  	[sflag:s4] =	ssyncset.done $0x0  }
0xd8: {  	[sflag:s4] =	ssyncadd.s32 $0xFFFFFC00  }
0xd9: {  	s9 =	sadd.s32 $0x600, s8  }
0xda: {  	[tilespmem:s30], [sflag:$0x2] =	stream.indirect.gather [hbm4b:s5+s19], $0x10, s9, s19, $0xb8;
	[tilespmem:$0x10958] =	vst v63  }
0xdb: {  	s12 =	sadd.s32 $0x680, s8  }
0xdc: {  	[tilespmem:s1], [sflag:$0x2] =	stream.indirect.gather [hbm4b:s5+s19], $0x10, s12, s19, $0xb8;
	[tilespmem:$0x10958] =	vst v63  }
.Ltmp4:
0xdd: {  	_ = 	snop;
	(pc) =	sbr.rel .LBB2_4-.Ltmp4, $4  }
0xde: {  	s13 =	sadd.s32 $0x700, s8  }
0xdf: {  	[tilespmem:s0], [sflag:$0x2] =	stream.indirect.gather [hbm4b:s5+s19], $0x10, s13, s19, $0xb8;
	[tilespmem:$0x10958] =	vst v63  }
0xe0: {  	s14 =	sadd.s32 $0x780, s8;
	s7 =	sadd.s32 $0x1000, s7  }
0xe1: {  	[tilespmem:s26], [sflag:$0x2] =	stream.indirect.gather [hbm4b:s5+s19], $0x10, s14, s19, $0xb8;
	[tilespmem:$0x10958] =	vst v63  }
.LBB2_7:
0xe2: {  	_ =	sfence.sel $0x180000  }
0xe3: {  	[bflag:$0x0] =	sbarrier.arrive $0xFFFF  }
0xe4: {  	_ =	strace $0x90000047  }
0xe5: {  	s0 =	stileid.u32;
	[bflag:$0x2] =	sbarrier.arrive $0xFFFF  }
0xe6: {  	p0 =	sne.s32 s0, $0x0;
	s0 =	rddreg [dreg:$0x4]  }
0xe7: {  	s0 =	sadd.s32 @!p0 $0x100000, s0  }
0xe8: {  	[sflag:s0] =	ssyncadd.tile.s32 @!p0 $0x1;
	_ =	shalt  }
.Lfunc_end2:
_tile_overlayer_lowered:
.L_overlay_start_2:
0xe9: {  	(tag) =	ssettag $0x2  }
0xea: {  	s0 =	rddreg [dreg:$0x0];
	s2 =	stileid.u32  }
0xeb: {  	s1 =	rddreg [dreg:$0x1];
	p0 =	sne.s32 s2, $0x0  }
0xec: {  	s3 =	rddreg [dreg:$0x2];
	[bflag:$0x3] =	sbarrier.arrive $0xFFFF;
	s2 =	simm.s32 @!p0 $0x1C05  }
0xed: {  	[timem:s3], [sflag:s2] =	dma.local @!p0 [hbm:s0], s1  }
0xee: {  	s0 =	simm.s32 @!p0 $0x5  }
0xef: {  	_ =	swait.ge @!p0 [sflag:s0], s1  }
0xf0: {  	s1 =	ssub.s32 @!p0 $0x0, s1;
	[sflag:s0] =	ssyncset.done @!p0 $0x0  }
0xf1: {  	[sflag:s0] =	ssyncadd.s32 @!p0 s1  }
0xf2: {  	[bflag:$0x3] =	sbarrier.arrive $0xFFFF  }
0xf3: {  	_ =	shalt  }

</sc_bundles>
